<compile_context>
chip_gen: v7x
topology: tpu7x:2x2x1
jax: 0.10.2.dev20260603
libtpu: 0.0.44.dev20260713+nightly
codegen_flags: <defaults>
</compile_context>

<pallas_src>
import functools

import jax
import jax.numpy as jnp
from jax import lax
from jax.experimental import pallas as pl
from jax.experimental.pallas import tpu as pltpu
from jax.experimental.pallas import tpu_sc as plsc

N_NODES = 10000
D_FEAT = 128
HID = 16

NC = 2
NS = 16
NW = NC * NS
CHUNK = 128
CHUNKS_PER_TILE = 80
E_PAD = NW * CHUNKS_PER_TILE * CHUNK
NBUF = 8
NGRP = CHUNKS_PER_TILE // NBUF
RING = 8
HALF = RING // 2
ACC_ROWS = 10240
ACC_PER_TILE = ACC_ROWS // NS
DUMP_ROW = 10000

_mesh = plsc.VectorSubcoreMesh(core_axis_name="c", subcore_axis_name="s")


@functools.partial(
    pl.kernel,
    out_type=jax.ShapeDtypeStruct((NC, ACC_ROWS, HID), jnp.float32),
    mesh=_mesh,
    scratch_types=[
        pltpu.VMEM((CHUNKS_PER_TILE, CHUNK), jnp.int32),
        pltpu.VMEM((CHUNKS_PER_TILE, CHUNK), jnp.int32),
        [pltpu.VMEM((CHUNK, HID), jnp.float32) for _ in range(RING)],
        pltpu.VMEM((ACC_PER_TILE, HID), jnp.float32),
        pltpu.VMEM_SHARED((ACC_ROWS, HID), jnp.float32),
        pltpu.VMEM_SHARED((ACC_ROWS, HID), jnp.float32),
        [pltpu.SemaphoreType.DMA for _ in range(RING)],
        [pltpu.SemaphoreType.DMA for _ in range(RING)],
    ],
    compiler_params=pltpu.CompilerParams(use_tc_tiling_on_sc=False),
)
def _sc_scatter_rows(h_hbm, ei_hbm, zero_hbm, out_hbm,
                     src_v, dst_v, rows_v, stage_v, acc_sh, table_sh,
                     gsems, ssems):
    c = lax.axis_index("c")
    s = lax.axis_index("s")
    wid = c * NS + s

    sl = pl.ds(s * ACC_PER_TILE, ACC_PER_TILE)
    tsl = pl.ds(s * (N_NODES // NS), N_NODES // NS)
    d0 = pltpu.async_copy(zero_hbm.at[sl], stage_v, gsems[0])
    d1 = pltpu.async_copy(ei_hbm.at[0, wid], src_v, gsems[1])
    d2 = pltpu.async_copy(ei_hbm.at[1, wid], dst_v, gsems[2])
    d3 = pltpu.async_copy(h_hbm.at[tsl], table_sh.at[tsl], gsems[3])
    d0.wait()
    pltpu.sync_copy(stage_v, acc_sh.at[sl])
    d1.wait()
    d2.wait()
    d3.wait()
    plsc.subcore_barrier()

    for b in range(HALF):
        pltpu.async_copy(table_sh.at[src_v.at[b]], rows_v[b], gsems[b])

    def grp(g, carry):
        for k in range(RING):
            j = g * RING + k
            pltpu.make_async_copy(table_sh.at[src_v.at[j]], rows_v[k],
                                  gsems[k]).wait()
            pltpu.async_copy(rows_v[k], acc_sh.at[dst_v.at[j]], ssems[k],
                             add=True)
            kc = (k + HALF) % RING

            @pl.when(j >= HALF)
            def _():
                pltpu.make_async_copy(rows_v[kc],
                                      acc_sh.at[dst_v.at[j - HALF]],
                                      ssems[kc]).wait()

            @pl.when(j + HALF < CHUNKS_PER_TILE)
            def _():
                pltpu.async_copy(table_sh.at[src_v.at[j + HALF]], rows_v[kc],
                                 gsems[kc])
        return carry
    lax.fori_loop(0, CHUNKS_PER_TILE // RING, grp, 0)
    for i in range(HALF):
        j = CHUNKS_PER_TILE - HALF + i
        b = j % RING
        pltpu.make_async_copy(rows_v[b], acc_sh.at[dst_v.at[j]],
                              ssems[b]).wait()
    plsc.subcore_barrier()

    pltpu.sync_copy(acc_sh.at[sl], out_hbm.at[c, sl])


@functools.partial(
    pl.kernel,
    out_type=jax.ShapeDtypeStruct((NC, ACC_ROWS, HID), jnp.float32),
    mesh=_mesh,
    scratch_types=[
        pltpu.VMEM((CHUNKS_PER_TILE, CHUNK), jnp.int32),
        pltpu.VMEM((CHUNK, HID), jnp.float32),
        pltpu.VMEM((ACC_PER_TILE, HID), jnp.float32),
        pltpu.VMEM_SHARED((ACC_ROWS, HID), jnp.float32),
        [pltpu.SemaphoreType.DMA for _ in range(NBUF)],
    ],
    compiler_params=pltpu.CompilerParams(use_tc_tiling_on_sc=False),
)
def _sc_degree(ei_hbm, ones_hbm, zero_hbm, out_hbm, dst_v, ones_v, stage_v,
               acc_sh, sems):
    c = lax.axis_index("c")
    s = lax.axis_index("s")
    wid = c * NS + s

    sl = pl.ds(s * ACC_PER_TILE, ACC_PER_TILE)
    d0 = pltpu.async_copy(zero_hbm.at[sl], stage_v, sems[0])
    d1 = pltpu.async_copy(ones_hbm, ones_v, sems[1])
    d2 = pltpu.async_copy(ei_hbm.at[1, wid], dst_v, sems[2])
    d0.wait()
    pltpu.sync_copy(stage_v, acc_sh.at[sl])
    d1.wait()
    d2.wait()
    plsc.subcore_barrier()

    for b in range(NBUF):
        pltpu.async_copy(ones_v, acc_sh.at[dst_v.at[b]], sems[b], add=True)

    def grp(g, carry):
        for b in range(NBUF):
            j = g * NBUF + b
            pltpu.make_async_copy(ones_v, acc_sh.at[dst_v.at[j - NBUF]],
                                  sems[b]).wait()
            pltpu.async_copy(ones_v, acc_sh.at[dst_v.at[j]], sems[b], add=True)
        return carry
    lax.fori_loop(1, NGRP, grp, 0)
    for b in range(NBUF):
        j = (NGRP - 1) * NBUF + b
        pltpu.make_async_copy(ones_v, acc_sh.at[dst_v.at[j]], sems[b]).wait()
    plsc.subcore_barrier()

    pltpu.sync_copy(acc_sh.at[sl], out_hbm.at[c, sl])


PACK = 128 // HID
PR_N = N_NODES * HID // 128
PR_ACC = ACC_ROWS * HID // 128



def _dinv_packed(deg_ref):
    d = deg_ref[0, :PR_N] + deg_ref[1, :PR_N] + 1.0
    return lax.rsqrt(d)


def _tc_h1(xr_ref, w_ref, deg_ref, o_ref):
    h = jnp.dot(xr_ref[...], w_ref[...], preferred_element_type=jnp.float32)
    o_ref[...] = h * _dinv_packed(deg_ref)


def _tc_mid(s_ref, hp_ref, deg_ref, w_ref, b_ref, o_ref):
    dinv = _dinv_packed(deg_ref)
    z = dinv * (s_ref[0, :PR_N] + s_ref[1, :PR_N] + hp_ref[...]) + b_ref[...]
    z = jnp.maximum(z, 0.0)
    o_ref[...] = jnp.dot(z, w_ref[...], preferred_element_type=jnp.float32) * dinv


def _tc_out(s_ref, hp_ref, deg_ref, b_ref, o_ref):
    o_ref[...] = (_dinv_packed(deg_ref)
                  * (s_ref[0, :PR_N] + s_ref[1, :PR_N] + hp_ref[...])
                  + b_ref[...])


_h1_call = pl.pallas_call(
    _tc_h1,
    out_shape=jax.ShapeDtypeStruct((PR_N, 128), jnp.float32),
)

_mid_call = pl.pallas_call(
    _tc_mid,
    out_shape=jax.ShapeDtypeStruct((PR_N, 128), jnp.float32),
)

_out_call = pl.pallas_call(
    _tc_out,
    out_shape=jax.ShapeDtypeStruct((PR_N, 128), jnp.float32),
)


def kernel(x, edge_index, W1, b1, W2, b2):
    ei = edge_index.astype(jnp.int32)
    pad = E_PAD - ei.shape[1]
    ei_p = jnp.pad(ei, ((0, 0), (0, pad)), constant_values=DUMP_ROW)
    ei_p = ei_p.reshape(2, NW, CHUNKS_PER_TILE, CHUNK)

    zeros_hbm = jnp.zeros((ACC_ROWS, HID), jnp.float32)
    ones_hbm = jnp.ones((CHUNK, HID), jnp.float32)
    xr = x.reshape(PR_N, PACK * D_FEAT)
    w1big = jnp.kron(jnp.eye(PACK, dtype=jnp.float32), W1)
    w2big = jnp.kron(jnp.eye(PACK, dtype=jnp.float32), W2)
    b1t = jnp.tile(b1, PACK).reshape(1, 128)
    b2t = jnp.tile(b2, PACK).reshape(1, 128)

    deg = _sc_degree(ei_p, ones_hbm, zeros_hbm)
    deg_p = deg.reshape(NC, PR_ACC, 128)
    h1p = _h1_call(xr, w1big, deg_p)
    s1 = _sc_scatter_rows(h1p.reshape(N_NODES, HID), ei_p, zeros_hbm)
    h2p = _mid_call(s1.reshape(NC, PR_ACC, 128), h1p, deg_p, w2big, b1t)
    s2 = _sc_scatter_rows(h2p.reshape(N_NODES, HID), ei_p, zeros_hbm)
    out = _out_call(s2.reshape(NC, PR_ACC, 128), h2p, deg_p, b2t)
    return out.reshape(N_NODES, HID)

# --- scband reference (transcript-rebuilt; emitter-appended) ---
"""Pipeline reference for scband-gcnnet-68839735820423 (READ-ONLY COPY).

The authoritative reference and input builder live on the scoring server;
editing this copy changes nothing except your own understanding.
"""

import jax, jax.numpy as jnp
import numpy as np

N_NODES = 10000
N_EDGES = 320000
D_FEAT = 128
HIDDEN = 16
N_CLASSES = 16


def _glorot(key, shape):
    fan_in, fan_out = shape[0], shape[1]
    limit = (6.0 / (fan_in + fan_out)) ** 0.5
    return jax.random.uniform(key, shape, jnp.float32, -limit, limit)


def setup_inputs(seed: int = 0) -> dict:
    key = jax.random.key(seed)
    k_x, k_e, k_w1, k_w2 = jax.random.split(key, 4)
    x = jax.random.normal(k_x, (N_NODES, D_FEAT), jnp.float32)
    edge_index = jax.random.randint(k_e, (2, N_EDGES), 0, N_NODES, jnp.int64)
    W1 = _glorot(k_w1, (D_FEAT, HIDDEN))
    b1 = jnp.zeros((HIDDEN,), jnp.float32)
    W2 = _glorot(k_w2, (HIDDEN, N_CLASSES))
    b2 = jnp.zeros((N_CLASSES,), jnp.float32)
    return {"x": x, "edge_index": edge_index, "W1": W1, "b1": b1, "W2": W2, "b2": b2}


def _gcn_conv(x, edge_index, W, b, num_nodes):
    # PyG GCNConv semantics: add self-loops, symmetric normalization, linear, scatter-add aggregate.
    loop = jnp.arange(num_nodes, dtype=edge_index.dtype)
    src = jnp.concatenate([edge_index[0], loop])
    dst = jnp.concatenate([edge_index[1], loop])
    h = x @ W
    deg = jnp.zeros((num_nodes,), jnp.float32).at[dst].add(1.0)
    dinv = jnp.where(deg > 0, deg ** -0.5, 0.0)
    norm = dinv[src] * dinv[dst]
    msg = h[src] * norm[:, None]
    out = jnp.zeros((num_nodes, h.shape[1]), h.dtype).at[dst].add(msg)
    return out + b


def reference(x, edge_index, W1, b1, W2, b2):
    n = x.shape[0]
    h = jax.nn.relu(_gcn_conv(x, edge_index, W1, b1, n))
    # dropout(p=0.5, training=False) -> identity (deterministic eval-mode reference)
    out = _gcn_conv(h, edge_index, W2, b2, n)
    return out

if __name__ == "__main__":
    import jax
    _d = setup_inputs()
    print(jax.jit(kernel)(*tuple(_d.values())))

</pallas_src>

<mosaic_0001>
#map = affine_map<(d0, d1) -> (0, 0)>
#map1 = affine_map<(d0, d1) -> (0, 0, 0, 0)>
#map2 = affine_map<(d0, d1) -> (0, 0, 0)>
module attributes {stable_mosaic.version = 14 : i64} {
  func.func @_sc_scatter_rows(%arg0: i32, %arg1: i32, %arg2: memref<10000x16xf32, #tpu.memory_space<hbm>>, %arg3: memref<2x32x80x128xi32, #tpu.memory_space<hbm>>, %arg4: memref<10240x16xf32, #tpu.memory_space<hbm>>, %arg5: memref<2x10240x16xf32, #tpu.memory_space<hbm>>, %arg6: memref<80x128xi32, #tpu.memory_space<vmem>>, %arg7: memref<80x128xi32, #tpu.memory_space<vmem>>, %arg8: memref<128x16xf32, #tpu.memory_space<vmem>>, %arg9: memref<128x16xf32, #tpu.memory_space<vmem>>, %arg10: memref<128x16xf32, #tpu.memory_space<vmem>>, %arg11: memref<128x16xf32, #tpu.memory_space<vmem>>, %arg12: memref<128x16xf32, #tpu.memory_space<vmem>>, %arg13: memref<128x16xf32, #tpu.memory_space<vmem>>, %arg14: memref<128x16xf32, #tpu.memory_space<vmem>>, %arg15: memref<128x16xf32, #tpu.memory_space<vmem>>, %arg16: memref<640x16xf32, #tpu.memory_space<vmem>>, %arg17: memref<10240x16xf32, #tpu.memory_space<vmem_shared>>, %arg18: memref<10240x16xf32, #tpu.memory_space<vmem_shared>>, %arg19: memref<!tpu.dma_semaphore, #tpu.memory_space<semaphore_mem>>, %arg20: memref<!tpu.dma_semaphore, #tpu.memory_space<semaphore_mem>>, %arg21: memref<!tpu.dma_semaphore, #tpu.memory_space<semaphore_mem>>, %arg22: memref<!tpu.dma_semaphore, #tpu.memory_space<semaphore_mem>>, %arg23: memref<!tpu.dma_semaphore, #tpu.memory_space<semaphore_mem>>, %arg24: memref<!tpu.dma_semaphore, #tpu.memory_space<semaphore_mem>>, %arg25: memref<!tpu.dma_semaphore, #tpu.memory_space<semaphore_mem>>, %arg26: memref<!tpu.dma_semaphore, #tpu.memory_space<semaphore_mem>>, %arg27: memref<!tpu.dma_semaphore, #tpu.memory_space<semaphore_mem>>, %arg28: memref<!tpu.dma_semaphore, #tpu.memory_space<semaphore_mem>>, %arg29: memref<!tpu.dma_semaphore, #tpu.memory_space<semaphore_mem>>, %arg30: memref<!tpu.dma_semaphore, #tpu.memory_space<semaphore_mem>>, %arg31: memref<!tpu.dma_semaphore, #tpu.memory_space<semaphore_mem>>, %arg32: memref<!tpu.dma_semaphore, #tpu.memory_space<semaphore_mem>>, %arg33: memref<!tpu.dma_semaphore, #tpu.memory_space<semaphore_mem>>, %arg34: memref<!tpu.dma_semaphore, #tpu.memory_space<semaphore_mem>>) attributes {dimension_semantics = [#tpu.dimension_semantics<core_parallel>, #tpu.dimension_semantics<subcore_parallel>], iteration_bounds = array<i64: 2, 16>, scalar_prefetch = 0 : i64, scratch_operands = 29 : i64, tpu.core_type = #tpu.core_type<sc_vector_subcore>, window_params = [{transform_indices = #map}, {transform_indices = #map1}, {transform_indices = #map}, {transform_indices = #map2}]} {
    %mul3A = arith.constant 16 : i32
    %mul3A_0 = arith.muli %arg0, %mul3A : i32
    %add3A = arith.addi %mul3A_0, %arg1 : i32
    %mul3A_1 = arith.constant 640 : i32
    %mul3A_2 = arith.muli %arg1, %mul3A_1 : i32
    %mul3A_3 = arith.constant 625 : i32
    %mul3A_4 = arith.muli %arg1, %mul3A_3 : i32
    %dma_start3A = arith.constant 0 : i32
    %dma_start3A_5 = tpu.memref_slice %arg4[%mul3A_2, %dma_start3A] : memref<10240x16xf32, #tpu.memory_space<hbm>> -> memref<640x16xf32, #tpu.memory_space<hbm>>
    %dma_start3A_6 = arith.constant 0 : i32
    %dma_start3A_7 = tpu.memref_slice %arg4[%mul3A_2, %dma_start3A_6] : memref<10240x16xf32, #tpu.memory_space<hbm>> -> memref<640x16xf32, #tpu.memory_space<hbm>>
    tpu.enqueue_dma source(%dma_start3A_7 : memref<640x16xf32, #tpu.memory_space<hbm>>) target(%arg16 : memref<640x16xf32, #tpu.memory_space<vmem>>) target_semaphore(%arg19 : memref<!tpu.dma_semaphore, #tpu.memory_space<semaphore_mem>>)
    %dma_start3A_8 = arith.constant 0 : i32
    %dma_start3A_9 = arith.constant 0 : i32
    %dma_start3A_10 = arith.constant 0 : i32
    %dma_start3A_11 = tpu.memref_slice %arg3[%dma_start3A_8, %add3A, %dma_start3A_9, %dma_start3A_10] : memref<2x32x80x128xi32, #tpu.memory_space<hbm>> -> memref<1x1x80x128xi32, #tpu.memory_space<hbm>>
    %dma_start3A_12 = tpu.memref_squeeze %dma_start3A_11 : memref<1x1x80x128xi32, #tpu.memory_space<hbm>> -> memref<80x128xi32, #tpu.memory_space<hbm>>
    %dma_start3A_13 = arith.constant 0 : i32
    %dma_start3A_14 = arith.constant 0 : i32
    %dma_start3A_15 = tpu.memref_slice %arg3[%dma_start3A_8, %add3A, %dma_start3A_13, %dma_start3A_14] : memref<2x32x80x128xi32, #tpu.memory_space<hbm>> -> memref<1x1x80x128xi32, #tpu.memory_space<hbm>>
    %dma_start3A_16 = tpu.memref_squeeze %dma_start3A_15 : memref<1x1x80x128xi32, #tpu.memory_space<hbm>> -> memref<80x128xi32, #tpu.memory_space<hbm>>
    tpu.enqueue_dma source(%dma_start3A_16 : memref<80x128xi32, #tpu.memory_space<hbm>>) target(%arg6 : memref<80x128xi32, #tpu.memory_space<vmem>>) target_semaphore(%arg20 : memref<!tpu.dma_semaphore, #tpu.memory_space<semaphore_mem>>)
    %dma_start3A_17 = arith.constant 1 : i32
    %dma_start3A_18 = arith.constant 0 : i32
    %dma_start3A_19 = arith.constant 0 : i32
    %dma_start3A_20 = tpu.memref_slice %arg3[%dma_start3A_17, %add3A, %dma_start3A_18, %dma_start3A_19] : memref<2x32x80x128xi32, #tpu.memory_space<hbm>> -> memref<1x1x80x128xi32, #tpu.memory_space<hbm>>
    %dma_start3A_21 = tpu.memref_squeeze %dma_start3A_20 : memref<1x1x80x128xi32, #tpu.memory_space<hbm>> -> memref<80x128xi32, #tpu.memory_space<hbm>>
    %dma_start3A_22 = arith.constant 0 : i32
    %dma_start3A_23 = arith.constant 0 : i32
    %dma_start3A_24 = tpu.memref_slice %arg3[%dma_start3A_17, %add3A, %dma_start3A_22, %dma_start3A_23] : memref<2x32x80x128xi32, #tpu.memory_space<hbm>> -> memref<1x1x80x128xi32, #tpu.memory_space<hbm>>
    %dma_start3A_25 = tpu.memref_squeeze %dma_start3A_24 : memref<1x1x80x128xi32, #tpu.memory_space<hbm>> -> memref<80x128xi32, #tpu.memory_space<hbm>>
    tpu.enqueue_dma source(%dma_start3A_25 : memref<80x128xi32, #tpu.memory_space<hbm>>) target(%arg7 : memref<80x128xi32, #tpu.memory_space<vmem>>) target_semaphore(%arg21 : memref<!tpu.dma_semaphore, #tpu.memory_space<semaphore_mem>>)
    %dma_start3A_26 = arith.constant 0 : i32
    %dma_start3A_27 = tpu.memref_slice %arg18[%mul3A_4, %dma_start3A_26] : memref<10240x16xf32, #tpu.memory_space<vmem_shared>> -> memref<625x16xf32, #tpu.memory_space<vmem_shared>>
    %dma_start3A_28 = arith.constant 0 : i32
    %dma_start3A_29 = tpu.memref_slice %arg2[%mul3A_4, %dma_start3A_28] : memref<10000x16xf32, #tpu.memory_space<hbm>> -> memref<625x16xf32, #tpu.memory_space<hbm>>
    tpu.enqueue_dma source(%dma_start3A_29 : memref<625x16xf32, #tpu.memory_space<hbm>>) target(%dma_start3A_27 : memref<625x16xf32, #tpu.memory_space<vmem_shared>>) target_semaphore(%arg22 : memref<!tpu.dma_semaphore, #tpu.memory_space<semaphore_mem>>)
    %dma_wait3A = arith.constant 0 : i32
    %dma_wait3A_30 = tpu.memref_slice %arg4[%mul3A_2, %dma_wait3A] : memref<10240x16xf32, #tpu.memory_space<hbm>> -> memref<640x16xf32, #tpu.memory_space<hbm>>
    %dma_wait3A_31 = arith.constant 0 : i32
    %dma_wait3A_32 = tpu.memref_slice %arg4[%mul3A_2, %dma_wait3A_31] : memref<10240x16xf32, #tpu.memory_space<hbm>> -> memref<640x16xf32, #tpu.memory_space<hbm>>
    tpu.wait_dma2 semaphore(%arg19 : memref<!tpu.dma_semaphore, #tpu.memory_space<semaphore_mem>>) src(%dma_wait3A_32 : memref<640x16xf32, #tpu.memory_space<hbm>>) dst(%arg16 : memref<640x16xf32, #tpu.memory_space<vmem>>)
    "tpu.region"() ({
      %run_scoped3A = tpu.sem_alloc : memref<!tpu.dma_semaphore, #tpu.memory_space<semaphore_mem>>
      %dma_start3A_117 = arith.constant 0 : i32
      %dma_start3A_118 = tpu.memref_slice %arg17[%mul3A_2, %dma_start3A_117] : memref<10240x16xf32, #tpu.memory_space<vmem_shared>> -> memref<640x16xf32, #tpu.memory_space<vmem_shared>>
      %dma_start3A_119 = arith.constant 0 : i32
      %dma_start3A_120 = tpu.memref_slice %arg17[%mul3A_2, %dma_start3A_119] : memref<10240x16xf32, #tpu.memory_space<vmem_shared>> -> memref<640x16xf32, #tpu.memory_space<vmem_shared>>
      tpu.enqueue_dma source(%arg16 : memref<640x16xf32, #tpu.memory_space<vmem>>) target(%dma_start3A_120 : memref<640x16xf32, #tpu.memory_space<vmem_shared>>) target_semaphore(%run_scoped3A : memref<!tpu.dma_semaphore, #tpu.memory_space<semaphore_mem>>)
      %dma_wait3A_121 = arith.constant 0 : i32
      %dma_wait3A_122 = tpu.memref_slice %arg17[%mul3A_2, %dma_wait3A_121] : memref<10240x16xf32, #tpu.memory_space<vmem_shared>> -> memref<640x16xf32, #tpu.memory_space<vmem_shared>>
      %dma_wait3A_123 = arith.constant 0 : i32
      %dma_wait3A_124 = tpu.memref_slice %arg17[%mul3A_2, %dma_wait3A_123] : memref<10240x16xf32, #tpu.memory_space<vmem_shared>> -> memref<640x16xf32, #tpu.memory_space<vmem_shared>>
      tpu.wait_dma2 semaphore(%run_scoped3A : memref<!tpu.dma_semaphore, #tpu.memory_space<semaphore_mem>>) src(%arg16 : memref<640x16xf32, #tpu.memory_space<vmem>>) dst(%dma_wait3A_124 : memref<640x16xf32, #tpu.memory_space<vmem_shared>>)
      tpu.yield
    }) : () -> ()
    %dma_wait3A_33 = arith.constant 0 : i32
    %dma_wait3A_34 = arith.constant 0 : i32
    %dma_wait3A_35 = arith.constant 0 : i32
    %dma_wait3A_36 = tpu.memref_slice %arg3[%dma_wait3A_33, %add3A, %dma_wait3A_34, %dma_wait3A_35] : memref<2x32x80x128xi32, #tpu.memory_space<hbm>> -> memref<1x1x80x128xi32, #tpu.memory_space<hbm>>
    %dma_wait3A_37 = tpu.memref_squeeze %dma_wait3A_36 : memref<1x1x80x128xi32, #tpu.memory_space<hbm>> -> memref<80x128xi32, #tpu.memory_space<hbm>>
    %dma_wait3A_38 = arith.constant 0 : i32
    %dma_wait3A_39 = arith.constant 0 : i32
    %dma_wait3A_40 = tpu.memref_slice %arg3[%dma_wait3A_33, %add3A, %dma_wait3A_38, %dma_wait3A_39] : memref<2x32x80x128xi32, #tpu.memory_space<hbm>> -> memref<1x1x80x128xi32, #tpu.memory_space<hbm>>
    %dma_wait3A_41 = tpu.memref_squeeze %dma_wait3A_40 : memref<1x1x80x128xi32, #tpu.memory_space<hbm>> -> memref<80x128xi32, #tpu.memory_space<hbm>>
    tpu.wait_dma2 semaphore(%arg20 : memref<!tpu.dma_semaphore, #tpu.memory_space<semaphore_mem>>) src(%dma_wait3A_41 : memref<80x128xi32, #tpu.memory_space<hbm>>) dst(%arg6 : memref<80x128xi32, #tpu.memory_space<vmem>>)
    %dma_wait3A_42 = arith.constant 1 : i32
    %dma_wait3A_43 = arith.constant 0 : i32
    %dma_wait3A_44 = arith.constant 0 : i32
    %dma_wait3A_45 = tpu.memref_slice %arg3[%dma_wait3A_42, %add3A, %dma_wait3A_43, %dma_wait3A_44] : memref<2x32x80x128xi32, #tpu.memory_space<hbm>> -> memref<1x1x80x128xi32, #tpu.memory_space<hbm>>
    %dma_wait3A_46 = tpu.memref_squeeze %dma_wait3A_45 : memref<1x1x80x128xi32, #tpu.memory_space<hbm>> -> memref<80x128xi32, #tpu.memory_space<hbm>>
    %dma_wait3A_47 = arith.constant 0 : i32
    %dma_wait3A_48 = arith.constant 0 : i32
    %dma_wait3A_49 = tpu.memref_slice %arg3[%dma_wait3A_42, %add3A, %dma_wait3A_47, %dma_wait3A_48] : memref<2x32x80x128xi32, #tpu.memory_space<hbm>> -> memref<1x1x80x128xi32, #tpu.memory_space<hbm>>
    %dma_wait3A_50 = tpu.memref_squeeze %dma_wait3A_49 : memref<1x1x80x128xi32, #tpu.memory_space<hbm>> -> memref<80x128xi32, #tpu.memory_space<hbm>>
    tpu.wait_dma2 semaphore(%arg21 : memref<!tpu.dma_semaphore, #tpu.memory_space<semaphore_mem>>) src(%dma_wait3A_50 : memref<80x128xi32, #tpu.memory_space<hbm>>) dst(%arg7 : memref<80x128xi32, #tpu.memory_space<vmem>>)
    %dma_wait3A_51 = arith.constant 0 : i32
    %dma_wait3A_52 = tpu.memref_slice %arg18[%mul3A_4, %dma_wait3A_51] : memref<10240x16xf32, #tpu.memory_space<vmem_shared>> -> memref<625x16xf32, #tpu.memory_space<vmem_shared>>
    %dma_wait3A_53 = arith.constant 0 : i32
    %dma_wait3A_54 = tpu.memref_slice %arg2[%mul3A_4, %dma_wait3A_53] : memref<10000x16xf32, #tpu.memory_space<hbm>> -> memref<625x16xf32, #tpu.memory_space<hbm>>
    tpu.wait_dma2 semaphore(%arg22 : memref<!tpu.dma_semaphore, #tpu.memory_space<semaphore_mem>>) src(%dma_wait3A_54 : memref<625x16xf32, #tpu.memory_space<hbm>>) dst(%dma_wait3A_52 : memref<625x16xf32, #tpu.memory_space<vmem_shared>>)
    %barrier3A = arith.constant 0 : index
    tpu.barrier barrier_id(%barrier3A)
    %dma_start3A_55 = arith.constant 0 : i32
    %dma_start3A_56 = arith.constant 0 : i32
    %dma_start3A_57 = tpu.memref_slice %arg6[%dma_start3A_55, %dma_start3A_56] : memref<80x128xi32, #tpu.memory_space<vmem>> -> memref<1x128xi32, #tpu.memory_space<vmem>>
    %dma_start3A_58 = tpu.memref_squeeze %dma_start3A_57 : memref<1x128xi32, #tpu.memory_space<vmem>> -> memref<128xi32, #tpu.memory_space<vmem>>
    %dma_start3A_59 = arith.constant 0 : i32
    %dma_start3A_60 = arith.constant 0 : i32
    %dma_start3A_61 = tpu.memref_slice %arg18[%dma_start3A_59, %dma_start3A_60] : memref<10240x16xf32, #tpu.memory_space<vmem_shared>> -> memref<10240x16xf32, #tpu.memory_space<vmem_shared>>
    tpu.enqueue_indirect_dma source(%dma_start3A_61 : memref<10240x16xf32, #tpu.memory_space<vmem_shared>>) target(%arg8 : memref<128x16xf32, #tpu.memory_space<vmem>>) offsets(%dma_start3A_58 : memref<128xi32, #tpu.memory_space<vmem>>) semaphore(%arg19 : memref<!tpu.dma_semaphore, #tpu.memory_space<semaphore_mem>>)
    %dma_start3A_62 = arith.constant 1 : i32
    %dma_start3A_63 = arith.constant 0 : i32
    %dma_start3A_64 = tpu.memref_slice %arg6[%dma_start3A_62, %dma_start3A_63] : memref<80x128xi32, #tpu.memory_space<vmem>> -> memref<1x128xi32, #tpu.memory_space<vmem>>
    %dma_start3A_65 = tpu.memref_squeeze %dma_start3A_64 : memref<1x128xi32, #tpu.memory_space<vmem>> -> memref<128xi32, #tpu.memory_space<vmem>>
    %dma_start3A_66 = arith.constant 0 : i32
    %dma_start3A_67 = arith.constant 0 : i32
    %dma_start3A_68 = tpu.memref_slice %arg18[%dma_start3A_66, %dma_start3A_67] : memref<10240x16xf32, #tpu.memory_space<vmem_shared>> -> memref<10240x16xf32, #tpu.memory_space<vmem_shared>>
    tpu.enqueue_indirect_dma source(%dma_start3A_68 : memref<10240x16xf32, #tpu.memory_space<vmem_shared>>) target(%arg9 : memref<128x16xf32, #tpu.memory_space<vmem>>) offsets(%dma_start3A_65 : memref<128xi32, #tpu.memory_space<vmem>>) semaphore(%arg20 : memref<!tpu.dma_semaphore, #tpu.memory_space<semaphore_mem>>)
    %dma_start3A_69 = arith.constant 2 : i32
    %dma_start3A_70 = arith.constant 0 : i32
    %dma_start3A_71 = tpu.memref_slice %arg6[%dma_start3A_69, %dma_start3A_70] : memref<80x128xi32, #tpu.memory_space<vmem>> -> memref<1x128xi32, #tpu.memory_space<vmem>>
    %dma_start3A_72 = tpu.memref_squeeze %dma_start3A_71 : memref<1x128xi32, #tpu.memory_space<vmem>> -> memref<128xi32, #tpu.memory_space<vmem>>
    %dma_start3A_73 = arith.constant 0 : i32
    %dma_start3A_74 = arith.constant 0 : i32
    %dma_start3A_75 = tpu.memref_slice %arg18[%dma_start3A_73, %dma_start3A_74] : memref<10240x16xf32, #tpu.memory_space<vmem_shared>> -> memref<10240x16xf32, #tpu.memory_space<vmem_shared>>
    tpu.enqueue_indirect_dma source(%dma_start3A_75 : memref<10240x16xf32, #tpu.memory_space<vmem_shared>>) target(%arg10 : memref<128x16xf32, #tpu.memory_space<vmem>>) offsets(%dma_start3A_72 : memref<128xi32, #tpu.memory_space<vmem>>) semaphore(%arg21 : memref<!tpu.dma_semaphore, #tpu.memory_space<semaphore_mem>>)
    %dma_start3A_76 = arith.constant 3 : i32
    %dma_start3A_77 = arith.constant 0 : i32
    %dma_start3A_78 = tpu.memref_slice %arg6[%dma_start3A_76, %dma_start3A_77] : memref<80x128xi32, #tpu.memory_space<vmem>> -> memref<1x128xi32, #tpu.memory_space<vmem>>
    %dma_start3A_79 = tpu.memref_squeeze %dma_start3A_78 : memref<1x128xi32, #tpu.memory_space<vmem>> -> memref<128xi32, #tpu.memory_space<vmem>>
    %dma_start3A_80 = arith.constant 0 : i32
    %dma_start3A_81 = arith.constant 0 : i32
    %dma_start3A_82 = tpu.memref_slice %arg18[%dma_start3A_80, %dma_start3A_81] : memref<10240x16xf32, #tpu.memory_space<vmem_shared>> -> memref<10240x16xf32, #tpu.memory_space<vmem_shared>>
    tpu.enqueue_indirect_dma source(%dma_start3A_82 : memref<10240x16xf32, #tpu.memory_space<vmem_shared>>) target(%arg11 : memref<128x16xf32, #tpu.memory_space<vmem>>) offsets(%dma_start3A_79 : memref<128xi32, #tpu.memory_space<vmem>>) semaphore(%arg22 : memref<!tpu.dma_semaphore, #tpu.memory_space<semaphore_mem>>)
    %scan3A = arith.constant 0 : i32
    %scan3A_83 = arith.constant 0 : i32
    %scan3A_84 = arith.constant 10 : i32
    %scan3A_85 = arith.addi %scan3A_83, %scan3A_84 : i32
    %scan3A_86 = arith.constant 1 : i32
    scf.for %scan3A_117 = %scan3A_83 to %scan3A_85 step %scan3A_86  : i32 {
      %mul3A_118 = arith.constant 8 : i32
      %mul3A_119 = arith.muli %scan3A_117, %mul3A_118 : i32
      %add3A_120 = arith.constant 0 : i32
      %add3A_121 = arith.addi %mul3A_119, %add3A_120 : i32
      %dma_wait3A_122 = arith.constant 0 : i32
      %dma_wait3A_123 = tpu.memref_slice %arg6[%add3A_121, %dma_wait3A_122] : memref<80x128xi32, #tpu.memory_space<vmem>> -> memref<1x128xi32, #tpu.memory_space<vmem>>
      %dma_wait3A_124 = tpu.memref_squeeze %dma_wait3A_123 : memref<1x128xi32, #tpu.memory_space<vmem>> -> memref<128xi32, #tpu.memory_space<vmem>>
      %dma_wait3A_125 = arith.constant 0 : i32
      %dma_wait3A_126 = arith.constant 0 : i32
      %dma_wait3A_127 = tpu.memref_slice %arg18[%dma_wait3A_125, %dma_wait3A_126] : memref<10240x16xf32, #tpu.memory_space<vmem_shared>> -> memref<10240x16xf32, #tpu.memory_space<vmem_shared>>
      tpu.wait_indirect_dma semaphore(%arg19 : memref<!tpu.dma_semaphore, #tpu.memory_space<semaphore_mem>>) src(%dma_wait3A_127 : memref<10240x16xf32, #tpu.memory_space<vmem_shared>>) dst(%arg8 : memref<128x16xf32, #tpu.memory_space<vmem>>)
      %dma_start3A_128 = arith.constant 0 : i32
      %dma_start3A_129 = tpu.memref_slice %arg7[%add3A_121, %dma_start3A_128] : memref<80x128xi32, #tpu.memory_space<vmem>> -> memref<1x128xi32, #tpu.memory_space<vmem>>
      %dma_start3A_130 = tpu.memref_squeeze %dma_start3A_129 : memref<1x128xi32, #tpu.memory_space<vmem>> -> memref<128xi32, #tpu.memory_space<vmem>>
      %dma_start3A_131 = arith.constant 0 : i32
      %dma_start3A_132 = arith.constant 0 : i32
      %dma_start3A_133 = tpu.memref_slice %arg17[%dma_start3A_131, %dma_start3A_132] : memref<10240x16xf32, #tpu.memory_space<vmem_shared>> -> memref<10240x16xf32, #tpu.memory_space<vmem_shared>>
      tpu.enqueue_indirect_dma source(%arg8 : memref<128x16xf32, #tpu.memory_space<vmem>>) target(%dma_start3A_133 : memref<10240x16xf32, #tpu.memory_space<vmem_shared>>) offsets(%dma_start3A_130 : memref<128xi32, #tpu.memory_space<vmem>>) semaphore(%arg27 : memref<!tpu.dma_semaphore, #tpu.memory_space<semaphore_mem>>) {add = true}
      %ge3A = arith.constant 4 : i32
      %ge3A_134 = arith.cmpi sge, %add3A_121, %ge3A : i32
      %convert_element_type3A = arith.extui %ge3A_134 : i1 to i32
      %cond3A = arith.constant 0 : i32
      %cond3A_135 = arith.cmpi ne, %convert_element_type3A, %cond3A : i32
      scf.if %cond3A_135 {
        %sub3A = arith.constant 4 : i32
        %sub3A_338 = arith.subi %add3A_121, %sub3A : i32
        %dma_wait3A_339 = arith.constant 0 : i32
        %dma_wait3A_340 = tpu.memref_slice %arg7[%sub3A_338, %dma_wait3A_339] : memref<80x128xi32, #tpu.memory_space<vmem>> -> memref<1x128xi32, #tpu.memory_space<vmem>>
        %dma_wait3A_341 = tpu.memref_squeeze %dma_wait3A_340 : memref<1x128xi32, #tpu.memory_space<vmem>> -> memref<128xi32, #tpu.memory_space<vmem>>
        %dma_wait3A_342 = arith.constant 0 : i32
        %dma_wait3A_343 = arith.constant 0 : i32
        %dma_wait3A_344 = tpu.memref_slice %arg17[%dma_wait3A_342, %dma_wait3A_343] : memref<10240x16xf32, #tpu.memory_space<vmem_shared>> -> memref<10240x16xf32, #tpu.memory_space<vmem_shared>>
        tpu.wait_indirect_dma semaphore(%arg31 : memref<!tpu.dma_semaphore, #tpu.memory_space<semaphore_mem>>) src(%arg12 : memref<128x16xf32, #tpu.memory_space<vmem>>) dst(%dma_wait3A_344 : memref<10240x16xf32, #tpu.memory_space<vmem_shared>>)
      } else {
      }
      %add3A_136 = arith.constant 4 : i32
      %add3A_137 = arith.addi %add3A_121, %add3A_136 : i32
      %lt3A = arith.constant 80 : i32
      %lt3A_138 = arith.cmpi slt, %add3A_137, %lt3A : i32
      %convert_element_type3A_139 = arith.extui %lt3A_138 : i1 to i32
      %cond3A_140 = arith.constant 0 : i32
      %cond3A_141 = arith.cmpi ne, %convert_element_type3A_139, %cond3A_140 : i32
      scf.if %cond3A_141 {
        %add3A_338 = arith.constant 4 : i32
        %add3A_339 = arith.addi %add3A_121, %add3A_338 : i32
        %dma_start3A_340 = arith.constant 0 : i32
        %dma_start3A_341 = tpu.memref_slice %arg6[%add3A_339, %dma_start3A_340] : memref<80x128xi32, #tpu.memory_space<vmem>> -> memref<1x128xi32, #tpu.memory_space<vmem>>
        %dma_start3A_342 = tpu.memref_squeeze %dma_start3A_341 : memref<1x128xi32, #tpu.memory_space<vmem>> -> memref<128xi32, #tpu.memory_space<vmem>>
        %dma_start3A_343 = arith.constant 0 : i32
        %dma_start3A_344 = arith.constant 0 : i32
        %dma_start3A_345 = tpu.memref_slice %arg18[%dma_start3A_343, %dma_start3A_344] : memref<10240x16xf32, #tpu.memory_space<vmem_shared>> -> memref<10240x16xf32, #tpu.memory_space<vmem_shared>>
        tpu.enqueue_indirect_dma source(%dma_start3A_345 : memref<10240x16xf32, #tpu.memory_space<vmem_shared>>) target(%arg12 : memref<128x16xf32, #tpu.memory_space<vmem>>) offsets(%dma_start3A_342 : memref<128xi32, #tpu.memory_space<vmem>>) semaphore(%arg23 : memref<!tpu.dma_semaphore, #tpu.memory_space<semaphore_mem>>)
      } else {
      }
      %mul3A_142 = arith.constant 8 : i32
      %mul3A_143 = arith.muli %scan3A_117, %mul3A_142 : i32
      %add3A_144 = arith.constant 1 : i32
      %add3A_145 = arith.addi %mul3A_143, %add3A_144 : i32
      %dma_wait3A_146 = arith.constant 0 : i32
      %dma_wait3A_147 = tpu.memref_slice %arg6[%add3A_145, %dma_wait3A_146] : memref<80x128xi32, #tpu.memory_space<vmem>> -> memref<1x128xi32, #tpu.memory_space<vmem>>
      %dma_wait3A_148 = tpu.memref_squeeze %dma_wait3A_147 : memref<1x128xi32, #tpu.memory_space<vmem>> -> memref<128xi32, #tpu.memory_space<vmem>>
      %dma_wait3A_149 = arith.constant 0 : i32
      %dma_wait3A_150 = arith.constant 0 : i32
      %dma_wait3A_151 = tpu.memref_slice %arg18[%dma_wait3A_149, %dma_wait3A_150] : memref<10240x16xf32, #tpu.memory_space<vmem_shared>> -> memref<10240x16xf32, #tpu.memory_space<vmem_shared>>
      tpu.wait_indirect_dma semaphore(%arg20 : memref<!tpu.dma_semaphore, #tpu.memory_space<semaphore_mem>>) src(%dma_wait3A_151 : memref<10240x16xf32, #tpu.memory_space<vmem_shared>>) dst(%arg9 : memref<128x16xf32, #tpu.memory_space<vmem>>)
      %dma_start3A_152 = arith.constant 0 : i32
      %dma_start3A_153 = tpu.memref_slice %arg7[%add3A_145, %dma_start3A_152] : memref<80x128xi32, #tpu.memory_space<vmem>> -> memref<1x128xi32, #tpu.memory_space<vmem>>
      %dma_start3A_154 = tpu.memref_squeeze %dma_start3A_153 : memref<1x128xi32, #tpu.memory_space<vmem>> -> memref<128xi32, #tpu.memory_space<vmem>>
      %dma_start3A_155 = arith.constant 0 : i32
      %dma_start3A_156 = arith.constant 0 : i32
      %dma_start3A_157 = tpu.memref_slice %arg17[%dma_start3A_155, %dma_start3A_156] : memref<10240x16xf32, #tpu.memory_space<vmem_shared>> -> memref<10240x16xf32, #tpu.memory_space<vmem_shared>>
      tpu.enqueue_indirect_dma source(%arg9 : memref<128x16xf32, #tpu.memory_space<vmem>>) target(%dma_start3A_157 : memref<10240x16xf32, #tpu.memory_space<vmem_shared>>) offsets(%dma_start3A_154 : memref<128xi32, #tpu.memory_space<vmem>>) semaphore(%arg28 : memref<!tpu.dma_semaphore, #tpu.memory_space<semaphore_mem>>) {add = true}
      %ge3A_158 = arith.constant 4 : i32
      %ge3A_159 = arith.cmpi sge, %add3A_145, %ge3A_158 : i32
      %convert_element_type3A_160 = arith.extui %ge3A_159 : i1 to i32
      %cond3A_161 = arith.constant 0 : i32
      %cond3A_162 = arith.cmpi ne, %convert_element_type3A_160, %cond3A_161 : i32
      scf.if %cond3A_162 {
        %sub3A = arith.constant 4 : i32
        %sub3A_338 = arith.subi %add3A_145, %sub3A : i32
        %dma_wait3A_339 = arith.constant 0 : i32
        %dma_wait3A_340 = tpu.memref_slice %arg7[%sub3A_338, %dma_wait3A_339] : memref<80x128xi32, #tpu.memory_space<vmem>> -> memref<1x128xi32, #tpu.memory_space<vmem>>
        %dma_wait3A_341 = tpu.memref_squeeze %dma_wait3A_340 : memref<1x128xi32, #tpu.memory_space<vmem>> -> memref<128xi32, #tpu.memory_space<vmem>>
        %dma_wait3A_342 = arith.constant 0 : i32
        %dma_wait3A_343 = arith.constant 0 : i32
        %dma_wait3A_344 = tpu.memref_slice %arg17[%dma_wait3A_342, %dma_wait3A_343] : memref<10240x16xf32, #tpu.memory_space<vmem_shared>> -> memref<10240x16xf32, #tpu.memory_space<vmem_shared>>
        tpu.wait_indirect_dma semaphore(%arg32 : memref<!tpu.dma_semaphore, #tpu.memory_space<semaphore_mem>>) src(%arg13 : memref<128x16xf32, #tpu.memory_space<vmem>>) dst(%dma_wait3A_344 : memref<10240x16xf32, #tpu.memory_space<vmem_shared>>)
      } else {
      }
      %add3A_163 = arith.constant 4 : i32
      %add3A_164 = arith.addi %add3A_145, %add3A_163 : i32
      %lt3A_165 = arith.constant 80 : i32
      %lt3A_166 = arith.cmpi slt, %add3A_164, %lt3A_165 : i32
      %convert_element_type3A_167 = arith.extui %lt3A_166 : i1 to i32
      %cond3A_168 = arith.constant 0 : i32
      %cond3A_169 = arith.cmpi ne, %convert_element_type3A_167, %cond3A_168 : i32
      scf.if %cond3A_169 {
        %add3A_338 = arith.constant 4 : i32
        %add3A_339 = arith.addi %add3A_145, %add3A_338 : i32
        %dma_start3A_340 = arith.constant 0 : i32
        %dma_start3A_341 = tpu.memref_slice %arg6[%add3A_339, %dma_start3A_340] : memref<80x128xi32, #tpu.memory_space<vmem>> -> memref<1x128xi32, #tpu.memory_space<vmem>>
        %dma_start3A_342 = tpu.memref_squeeze %dma_start3A_341 : memref<1x128xi32, #tpu.memory_space<vmem>> -> memref<128xi32, #tpu.memory_space<vmem>>
        %dma_start3A_343 = arith.constant 0 : i32
        %dma_start3A_344 = arith.constant 0 : i32
        %dma_start3A_345 = tpu.memref_slice %arg18[%dma_start3A_343, %dma_start3A_344] : memref<10240x16xf32, #tpu.memory_space<vmem_shared>> -> memref<10240x16xf32, #tpu.memory_space<vmem_shared>>
        tpu.enqueue_indirect_dma source(%dma_start3A_345 : memref<10240x16xf32, #tpu.memory_space<vmem_shared>>) target(%arg13 : memref<128x16xf32, #tpu.memory_space<vmem>>) offsets(%dma_start3A_342 : memref<128xi32, #tpu.memory_space<vmem>>) semaphore(%arg24 : memref<!tpu.dma_semaphore, #tpu.memory_space<semaphore_mem>>)
      } else {
      }
      %mul3A_170 = arith.constant 8 : i32
      %mul3A_171 = arith.muli %scan3A_117, %mul3A_170 : i32
      %add3A_172 = arith.constant 2 : i32
      %add3A_173 = arith.addi %mul3A_171, %add3A_172 : i32
      %dma_wait3A_174 = arith.constant 0 : i32
      %dma_wait3A_175 = tpu.memref_slice %arg6[%add3A_173, %dma_wait3A_174] : memref<80x128xi32, #tpu.memory_space<vmem>> -> memref<1x128xi32, #tpu.memory_space<vmem>>
      %dma_wait3A_176 = tpu.memref_squeeze %dma_wait3A_175 : memref<1x128xi32, #tpu.memory_space<vmem>> -> memref<128xi32, #tpu.memory_space<vmem>>
      %dma_wait3A_177 = arith.constant 0 : i32
      %dma_wait3A_178 = arith.constant 0 : i32
      %dma_wait3A_179 = tpu.memref_slice %arg18[%dma_wait3A_177, %dma_wait3A_178] : memref<10240x16xf32, #tpu.memory_space<vmem_shared>> -> memref<10240x16xf32, #tpu.memory_space<vmem_shared>>
      tpu.wait_indirect_dma semaphore(%arg21 : memref<!tpu.dma_semaphore, #tpu.memory_space<semaphore_mem>>) src(%dma_wait3A_179 : memref<10240x16xf32, #tpu.memory_space<vmem_shared>>) dst(%arg10 : memref<128x16xf32, #tpu.memory_space<vmem>>)
      %dma_start3A_180 = arith.constant 0 : i32
      %dma_start3A_181 = tpu.memref_slice %arg7[%add3A_173, %dma_start3A_180] : memref<80x128xi32, #tpu.memory_space<vmem>> -> memref<1x128xi32, #tpu.memory_space<vmem>>
      %dma_start3A_182 = tpu.memref_squeeze %dma_start3A_181 : memref<1x128xi32, #tpu.memory_space<vmem>> -> memref<128xi32, #tpu.memory_space<vmem>>
      %dma_start3A_183 = arith.constant 0 : i32
      %dma_start3A_184 = arith.constant 0 : i32
      %dma_start3A_185 = tpu.memref_slice %arg17[%dma_start3A_183, %dma_start3A_184] : memref<10240x16xf32, #tpu.memory_space<vmem_shared>> -> memref<10240x16xf32, #tpu.memory_space<vmem_shared>>
      tpu.enqueue_indirect_dma source(%arg10 : memref<128x16xf32, #tpu.memory_space<vmem>>) target(%dma_start3A_185 : memref<10240x16xf32, #tpu.memory_space<vmem_shared>>) offsets(%dma_start3A_182 : memref<128xi32, #tpu.memory_space<vmem>>) semaphore(%arg29 : memref<!tpu.dma_semaphore, #tpu.memory_space<semaphore_mem>>) {add = true}
      %ge3A_186 = arith.constant 4 : i32
      %ge3A_187 = arith.cmpi sge, %add3A_173, %ge3A_186 : i32
      %convert_element_type3A_188 = arith.extui %ge3A_187 : i1 to i32
      %cond3A_189 = arith.constant 0 : i32
      %cond3A_190 = arith.cmpi ne, %convert_element_type3A_188, %cond3A_189 : i32
      scf.if %cond3A_190 {
        %sub3A = arith.constant 4 : i32
        %sub3A_338 = arith.subi %add3A_173, %sub3A : i32
        %dma_wait3A_339 = arith.constant 0 : i32
        %dma_wait3A_340 = tpu.memref_slice %arg7[%sub3A_338, %dma_wait3A_339] : memref<80x128xi32, #tpu.memory_space<vmem>> -> memref<1x128xi32, #tpu.memory_space<vmem>>
        %dma_wait3A_341 = tpu.memref_squeeze %dma_wait3A_340 : memref<1x128xi32, #tpu.memory_space<vmem>> -> memref<128xi32, #tpu.memory_space<vmem>>
        %dma_wait3A_342 = arith.constant 0 : i32
        %dma_wait3A_343 = arith.constant 0 : i32
        %dma_wait3A_344 = tpu.memref_slice %arg17[%dma_wait3A_342, %dma_wait3A_343] : memref<10240x16xf32, #tpu.memory_space<vmem_shared>> -> memref<10240x16xf32, #tpu.memory_space<vmem_shared>>
        tpu.wait_indirect_dma semaphore(%arg33 : memref<!tpu.dma_semaphore, #tpu.memory_space<semaphore_mem>>) src(%arg14 : memref<128x16xf32, #tpu.memory_space<vmem>>) dst(%dma_wait3A_344 : memref<10240x16xf32, #tpu.memory_space<vmem_shared>>)
      } else {
      }
      %add3A_191 = arith.constant 4 : i32
      %add3A_192 = arith.addi %add3A_173, %add3A_191 : i32
      %lt3A_193 = arith.constant 80 : i32
      %lt3A_194 = arith.cmpi slt, %add3A_192, %lt3A_193 : i32
      %convert_element_type3A_195 = arith.extui %lt3A_194 : i1 to i32
      %cond3A_196 = arith.constant 0 : i32
      %cond3A_197 = arith.cmpi ne, %convert_element_type3A_195, %cond3A_196 : i32
      scf.if %cond3A_197 {
        %add3A_338 = arith.constant 4 : i32
        %add3A_339 = arith.addi %add3A_173, %add3A_338 : i32
        %dma_start3A_340 = arith.constant 0 : i32
        %dma_start3A_341 = tpu.memref_slice %arg6[%add3A_339, %dma_start3A_340] : memref<80x128xi32, #tpu.memory_space<vmem>> -> memref<1x128xi32, #tpu.memory_space<vmem>>
        %dma_start3A_342 = tpu.memref_squeeze %dma_start3A_341 : memref<1x128xi32, #tpu.memory_space<vmem>> -> memref<128xi32, #tpu.memory_space<vmem>>
        %dma_start3A_343 = arith.constant 0 : i32
        %dma_start3A_344 = arith.constant 0 : i32
        %dma_start3A_345 = tpu.memref_slice %arg18[%dma_start3A_343, %dma_start3A_344] : memref<10240x16xf32, #tpu.memory_space<vmem_shared>> -> memref<10240x16xf32, #tpu.memory_space<vmem_shared>>
        tpu.enqueue_indirect_dma source(%dma_start3A_345 : memref<10240x16xf32, #tpu.memory_space<vmem_shared>>) target(%arg14 : memref<128x16xf32, #tpu.memory_space<vmem>>) offsets(%dma_start3A_342 : memref<128xi32, #tpu.memory_space<vmem>>) semaphore(%arg25 : memref<!tpu.dma_semaphore, #tpu.memory_space<semaphore_mem>>)
      } else {
      }
      %mul3A_198 = arith.constant 8 : i32
      %mul3A_199 = arith.muli %scan3A_117, %mul3A_198 : i32
      %add3A_200 = arith.constant 3 : i32
      %add3A_201 = arith.addi %mul3A_199, %add3A_200 : i32
      %dma_wait3A_202 = arith.constant 0 : i32
      %dma_wait3A_203 = tpu.memref_slice %arg6[%add3A_201, %dma_wait3A_202] : memref<80x128xi32, #tpu.memory_space<vmem>> -> memref<1x128xi32, #tpu.memory_space<vmem>>
      %dma_wait3A_204 = tpu.memref_squeeze %dma_wait3A_203 : memref<1x128xi32, #tpu.memory_space<vmem>> -> memref<128xi32, #tpu.memory_space<vmem>>
      %dma_wait3A_205 = arith.constant 0 : i32
      %dma_wait3A_206 = arith.constant 0 : i32
      %dma_wait3A_207 = tpu.memref_slice %arg18[%dma_wait3A_205, %dma_wait3A_206] : memref<10240x16xf32, #tpu.memory_space<vmem_shared>> -> memref<10240x16xf32, #tpu.memory_space<vmem_shared>>
      tpu.wait_indirect_dma semaphore(%arg22 : memref<!tpu.dma_semaphore, #tpu.memory_space<semaphore_mem>>) src(%dma_wait3A_207 : memref<10240x16xf32, #tpu.memory_space<vmem_shared>>) dst(%arg11 : memref<128x16xf32, #tpu.memory_space<vmem>>)
      %dma_start3A_208 = arith.constant 0 : i32
      %dma_start3A_209 = tpu.memref_slice %arg7[%add3A_201, %dma_start3A_208] : memref<80x128xi32, #tpu.memory_space<vmem>> -> memref<1x128xi32, #tpu.memory_space<vmem>>
      %dma_start3A_210 = tpu.memref_squeeze %dma_start3A_209 : memref<1x128xi32, #tpu.memory_space<vmem>> -> memref<128xi32, #tpu.memory_space<vmem>>
      %dma_start3A_211 = arith.constant 0 : i32
      %dma_start3A_212 = arith.constant 0 : i32
      %dma_start3A_213 = tpu.memref_slice %arg17[%dma_start3A_211, %dma_start3A_212] : memref<10240x16xf32, #tpu.memory_space<vmem_shared>> -> memref<10240x16xf32, #tpu.memory_space<vmem_shared>>
      tpu.enqueue_indirect_dma source(%arg11 : memref<128x16xf32, #tpu.memory_space<vmem>>) target(%dma_start3A_213 : memref<10240x16xf32, #tpu.memory_space<vmem_shared>>) offsets(%dma_start3A_210 : memref<128xi32, #tpu.memory_space<vmem>>) semaphore(%arg30 : memref<!tpu.dma_semaphore, #tpu.memory_space<semaphore_mem>>) {add = true}
      %ge3A_214 = arith.constant 4 : i32
      %ge3A_215 = arith.cmpi sge, %add3A_201, %ge3A_214 : i32
      %convert_element_type3A_216 = arith.extui %ge3A_215 : i1 to i32
      %cond3A_217 = arith.constant 0 : i32
      %cond3A_218 = arith.cmpi ne, %convert_element_type3A_216, %cond3A_217 : i32
      scf.if %cond3A_218 {
        %sub3A = arith.constant 4 : i32
        %sub3A_338 = arith.subi %add3A_201, %sub3A : i32
        %dma_wait3A_339 = arith.constant 0 : i32
        %dma_wait3A_340 = tpu.memref_slice %arg7[%sub3A_338, %dma_wait3A_339] : memref<80x128xi32, #tpu.memory_space<vmem>> -> memref<1x128xi32, #tpu.memory_space<vmem>>
        %dma_wait3A_341 = tpu.memref_squeeze %dma_wait3A_340 : memref<1x128xi32, #tpu.memory_space<vmem>> -> memref<128xi32, #tpu.memory_space<vmem>>
        %dma_wait3A_342 = arith.constant 0 : i32
        %dma_wait3A_343 = arith.constant 0 : i32
        %dma_wait3A_344 = tpu.memref_slice %arg17[%dma_wait3A_342, %dma_wait3A_343] : memref<10240x16xf32, #tpu.memory_space<vmem_shared>> -> memref<10240x16xf32, #tpu.memory_space<vmem_shared>>
        tpu.wait_indirect_dma semaphore(%arg34 : memref<!tpu.dma_semaphore, #tpu.memory_space<semaphore_mem>>) src(%arg15 : memref<128x16xf32, #tpu.memory_space<vmem>>) dst(%dma_wait3A_344 : memref<10240x16xf32, #tpu.memory_space<vmem_shared>>)
      } else {
      }
      %add3A_219 = arith.constant 4 : i32
      %add3A_220 = arith.addi %add3A_201, %add3A_219 : i32
      %lt3A_221 = arith.constant 80 : i32
      %lt3A_222 = arith.cmpi slt, %add3A_220, %lt3A_221 : i32
      %convert_element_type3A_223 = arith.extui %lt3A_222 : i1 to i32
      %cond3A_224 = arith.constant 0 : i32
      %cond3A_225 = arith.cmpi ne, %convert_element_type3A_223, %cond3A_224 : i32
      scf.if %cond3A_225 {
        %add3A_338 = arith.constant 4 : i32
        %add3A_339 = arith.addi %add3A_201, %add3A_338 : i32
        %dma_start3A_340 = arith.constant 0 : i32
        %dma_start3A_341 = tpu.memref_slice %arg6[%add3A_339, %dma_start3A_340] : memref<80x128xi32, #tpu.memory_space<vmem>> -> memref<1x128xi32, #tpu.memory_space<vmem>>
        %dma_start3A_342 = tpu.memref_squeeze %dma_start3A_341 : memref<1x128xi32, #tpu.memory_space<vmem>> -> memref<128xi32, #tpu.memory_space<vmem>>
        %dma_start3A_343 = arith.constant 0 : i32
        %dma_start3A_344 = arith.constant 0 : i32
        %dma_start3A_345 = tpu.memref_slice %arg18[%dma_start3A_343, %dma_start3A_344] : memref<10240x16xf32, #tpu.memory_space<vmem_shared>> -> memref<10240x16xf32, #tpu.memory_space<vmem_shared>>
        tpu.enqueue_indirect_dma source(%dma_start3A_345 : memref<10240x16xf32, #tpu.memory_space<vmem_shared>>) target(%arg15 : memref<128x16xf32, #tpu.memory_space<vmem>>) offsets(%dma_start3A_342 : memref<128xi32, #tpu.memory_space<vmem>>) semaphore(%arg26 : memref<!tpu.dma_semaphore, #tpu.memory_space<semaphore_mem>>)
      } else {
      }
      %mul3A_226 = arith.constant 8 : i32
      %mul3A_227 = arith.muli %scan3A_117, %mul3A_226 : i32
      %add3A_228 = arith.constant 4 : i32
      %add3A_229 = arith.addi %mul3A_227, %add3A_228 : i32
      %dma_wait3A_230 = arith.constant 0 : i32
      %dma_wait3A_231 = tpu.memref_slice %arg6[%add3A_229, %dma_wait3A_230] : memref<80x128xi32, #tpu.memory_space<vmem>> -> memref<1x128xi32, #tpu.memory_space<vmem>>
      %dma_wait3A_232 = tpu.memref_squeeze %dma_wait3A_231 : memref<1x128xi32, #tpu.memory_space<vmem>> -> memref<128xi32, #tpu.memory_space<vmem>>
      %dma_wait3A_233 = arith.constant 0 : i32
      %dma_wait3A_234 = arith.constant 0 : i32
      %dma_wait3A_235 = tpu.memref_slice %arg18[%dma_wait3A_233, %dma_wait3A_234] : memref<10240x16xf32, #tpu.memory_space<vmem_shared>> -> memref<10240x16xf32, #tpu.memory_space<vmem_shared>>
      tpu.wait_indirect_dma semaphore(%arg23 : memref<!tpu.dma_semaphore, #tpu.memory_space<semaphore_mem>>) src(%dma_wait3A_235 : memref<10240x16xf32, #tpu.memory_space<vmem_shared>>) dst(%arg12 : memref<128x16xf32, #tpu.memory_space<vmem>>)
      %dma_start3A_236 = arith.constant 0 : i32
      %dma_start3A_237 = tpu.memref_slice %arg7[%add3A_229, %dma_start3A_236] : memref<80x128xi32, #tpu.memory_space<vmem>> -> memref<1x128xi32, #tpu.memory_space<vmem>>
      %dma_start3A_238 = tpu.memref_squeeze %dma_start3A_237 : memref<1x128xi32, #tpu.memory_space<vmem>> -> memref<128xi32, #tpu.memory_space<vmem>>
      %dma_start3A_239 = arith.constant 0 : i32
      %dma_start3A_240 = arith.constant 0 : i32
      %dma_start3A_241 = tpu.memref_slice %arg17[%dma_start3A_239, %dma_start3A_240] : memref<10240x16xf32, #tpu.memory_space<vmem_shared>> -> memref<10240x16xf32, #tpu.memory_space<vmem_shared>>
      tpu.enqueue_indirect_dma source(%arg12 : memref<128x16xf32, #tpu.memory_space<vmem>>) target(%dma_start3A_241 : memref<10240x16xf32, #tpu.memory_space<vmem_shared>>) offsets(%dma_start3A_238 : memref<128xi32, #tpu.memory_space<vmem>>) semaphore(%arg31 : memref<!tpu.dma_semaphore, #tpu.memory_space<semaphore_mem>>) {add = true}
      %ge3A_242 = arith.constant 4 : i32
      %ge3A_243 = arith.cmpi sge, %add3A_229, %ge3A_242 : i32
      %convert_element_type3A_244 = arith.extui %ge3A_243 : i1 to i32
      %cond3A_245 = arith.constant 0 : i32
      %cond3A_246 = arith.cmpi ne, %convert_element_type3A_244, %cond3A_245 : i32
      scf.if %cond3A_246 {
        %sub3A = arith.constant 4 : i32
        %sub3A_338 = arith.subi %add3A_229, %sub3A : i32
        %dma_wait3A_339 = arith.constant 0 : i32
        %dma_wait3A_340 = tpu.memref_slice %arg7[%sub3A_338, %dma_wait3A_339] : memref<80x128xi32, #tpu.memory_space<vmem>> -> memref<1x128xi32, #tpu.memory_space<vmem>>
        %dma_wait3A_341 = tpu.memref_squeeze %dma_wait3A_340 : memref<1x128xi32, #tpu.memory_space<vmem>> -> memref<128xi32, #tpu.memory_space<vmem>>
        %dma_wait3A_342 = arith.constant 0 : i32
        %dma_wait3A_343 = arith.constant 0 : i32
        %dma_wait3A_344 = tpu.memref_slice %arg17[%dma_wait3A_342, %dma_wait3A_343] : memref<10240x16xf32, #tpu.memory_space<vmem_shared>> -> memref<10240x16xf32, #tpu.memory_space<vmem_shared>>
        tpu.wait_indirect_dma semaphore(%arg27 : memref<!tpu.dma_semaphore, #tpu.memory_space<semaphore_mem>>) src(%arg8 : memref<128x16xf32, #tpu.memory_space<vmem>>) dst(%dma_wait3A_344 : memref<10240x16xf32, #tpu.memory_space<vmem_shared>>)
      } else {
      }
      %add3A_247 = arith.constant 4 : i32
      %add3A_248 = arith.addi %add3A_229, %add3A_247 : i32
      %lt3A_249 = arith.constant 80 : i32
      %lt3A_250 = arith.cmpi slt, %add3A_248, %lt3A_249 : i32
      %convert_element_type3A_251 = arith.extui %lt3A_250 : i1 to i32
      %cond3A_252 = arith.constant 0 : i32
      %cond3A_253 = arith.cmpi ne, %convert_element_type3A_251, %cond3A_252 : i32
      scf.if %cond3A_253 {
        %add3A_338 = arith.constant 4 : i32
        %add3A_339 = arith.addi %add3A_229, %add3A_338 : i32
        %dma_start3A_340 = arith.constant 0 : i32
        %dma_start3A_341 = tpu.memref_slice %arg6[%add3A_339, %dma_start3A_340] : memref<80x128xi32, #tpu.memory_space<vmem>> -> memref<1x128xi32, #tpu.memory_space<vmem>>
        %dma_start3A_342 = tpu.memref_squeeze %dma_start3A_341 : memref<1x128xi32, #tpu.memory_space<vmem>> -> memref<128xi32, #tpu.memory_space<vmem>>
        %dma_start3A_343 = arith.constant 0 : i32
        %dma_start3A_344 = arith.constant 0 : i32
        %dma_start3A_345 = tpu.memref_slice %arg18[%dma_start3A_343, %dma_start3A_344] : memref<10240x16xf32, #tpu.memory_space<vmem_shared>> -> memref<10240x16xf32, #tpu.memory_space<vmem_shared>>
        tpu.enqueue_indirect_dma source(%dma_start3A_345 : memref<10240x16xf32, #tpu.memory_space<vmem_shared>>) target(%arg8 : memref<128x16xf32, #tpu.memory_space<vmem>>) offsets(%dma_start3A_342 : memref<128xi32, #tpu.memory_space<vmem>>) semaphore(%arg19 : memref<!tpu.dma_semaphore, #tpu.memory_space<semaphore_mem>>)
      } else {
      }
      %mul3A_254 = arith.constant 8 : i32
      %mul3A_255 = arith.muli %scan3A_117, %mul3A_254 : i32
      %add3A_256 = arith.constant 5 : i32
      %add3A_257 = arith.addi %mul3A_255, %add3A_256 : i32
      %dma_wait3A_258 = arith.constant 0 : i32
      %dma_wait3A_259 = tpu.memref_slice %arg6[%add3A_257, %dma_wait3A_258] : memref<80x128xi32, #tpu.memory_space<vmem>> -> memref<1x128xi32, #tpu.memory_space<vmem>>
      %dma_wait3A_260 = tpu.memref_squeeze %dma_wait3A_259 : memref<1x128xi32, #tpu.memory_space<vmem>> -> memref<128xi32, #tpu.memory_space<vmem>>
      %dma_wait3A_261 = arith.constant 0 : i32
      %dma_wait3A_262 = arith.constant 0 : i32
      %dma_wait3A_263 = tpu.memref_slice %arg18[%dma_wait3A_261, %dma_wait3A_262] : memref<10240x16xf32, #tpu.memory_space<vmem_shared>> -> memref<10240x16xf32, #tpu.memory_space<vmem_shared>>
      tpu.wait_indirect_dma semaphore(%arg24 : memref<!tpu.dma_semaphore, #tpu.memory_space<semaphore_mem>>) src(%dma_wait3A_263 : memref<10240x16xf32, #tpu.memory_space<vmem_shared>>) dst(%arg13 : memref<128x16xf32, #tpu.memory_space<vmem>>)
      %dma_start3A_264 = arith.constant 0 : i32
      %dma_start3A_265 = tpu.memref_slice %arg7[%add3A_257, %dma_start3A_264] : memref<80x128xi32, #tpu.memory_space<vmem>> -> memref<1x128xi32, #tpu.memory_space<vmem>>
      %dma_start3A_266 = tpu.memref_squeeze %dma_start3A_265 : memref<1x128xi32, #tpu.memory_space<vmem>> -> memref<128xi32, #tpu.memory_space<vmem>>
      %dma_start3A_267 = arith.constant 0 : i32
      %dma_start3A_268 = arith.constant 0 : i32
      %dma_start3A_269 = tpu.memref_slice %arg17[%dma_start3A_267, %dma_start3A_268] : memref<10240x16xf32, #tpu.memory_space<vmem_shared>> -> memref<10240x16xf32, #tpu.memory_space<vmem_shared>>
      tpu.enqueue_indirect_dma source(%arg13 : memref<128x16xf32, #tpu.memory_space<vmem>>) target(%dma_start3A_269 : memref<10240x16xf32, #tpu.memory_space<vmem_shared>>) offsets(%dma_start3A_266 : memref<128xi32, #tpu.memory_space<vmem>>) semaphore(%arg32 : memref<!tpu.dma_semaphore, #tpu.memory_space<semaphore_mem>>) {add = true}
      %ge3A_270 = arith.constant 4 : i32
      %ge3A_271 = arith.cmpi sge, %add3A_257, %ge3A_270 : i32
      %convert_element_type3A_272 = arith.extui %ge3A_271 : i1 to i32
      %cond3A_273 = arith.constant 0 : i32
      %cond3A_274 = arith.cmpi ne, %convert_element_type3A_272, %cond3A_273 : i32
      scf.if %cond3A_274 {
        %sub3A = arith.constant 4 : i32
        %sub3A_338 = arith.subi %add3A_257, %sub3A : i32
        %dma_wait3A_339 = arith.constant 0 : i32
        %dma_wait3A_340 = tpu.memref_slice %arg7[%sub3A_338, %dma_wait3A_339] : memref<80x128xi32, #tpu.memory_space<vmem>> -> memref<1x128xi32, #tpu.memory_space<vmem>>
        %dma_wait3A_341 = tpu.memref_squeeze %dma_wait3A_340 : memref<1x128xi32, #tpu.memory_space<vmem>> -> memref<128xi32, #tpu.memory_space<vmem>>
        %dma_wait3A_342 = arith.constant 0 : i32
        %dma_wait3A_343 = arith.constant 0 : i32
        %dma_wait3A_344 = tpu.memref_slice %arg17[%dma_wait3A_342, %dma_wait3A_343] : memref<10240x16xf32, #tpu.memory_space<vmem_shared>> -> memref<10240x16xf32, #tpu.memory_space<vmem_shared>>
        tpu.wait_indirect_dma semaphore(%arg28 : memref<!tpu.dma_semaphore, #tpu.memory_space<semaphore_mem>>) src(%arg9 : memref<128x16xf32, #tpu.memory_space<vmem>>) dst(%dma_wait3A_344 : memref<10240x16xf32, #tpu.memory_space<vmem_shared>>)
      } else {
      }
      %add3A_275 = arith.constant 4 : i32
      %add3A_276 = arith.addi %add3A_257, %add3A_275 : i32
      %lt3A_277 = arith.constant 80 : i32
      %lt3A_278 = arith.cmpi slt, %add3A_276, %lt3A_277 : i32
      %convert_element_type3A_279 = arith.extui %lt3A_278 : i1 to i32
      %cond3A_280 = arith.constant 0 : i32
      %cond3A_281 = arith.cmpi ne, %convert_element_type3A_279, %cond3A_280 : i32
      scf.if %cond3A_281 {
        %add3A_338 = arith.constant 4 : i32
        %add3A_339 = arith.addi %add3A_257, %add3A_338 : i32
        %dma_start3A_340 = arith.constant 0 : i32
        %dma_start3A_341 = tpu.memref_slice %arg6[%add3A_339, %dma_start3A_340] : memref<80x128xi32, #tpu.memory_space<vmem>> -> memref<1x128xi32, #tpu.memory_space<vmem>>
        %dma_start3A_342 = tpu.memref_squeeze %dma_start3A_341 : memref<1x128xi32, #tpu.memory_space<vmem>> -> memref<128xi32, #tpu.memory_space<vmem>>
        %dma_start3A_343 = arith.constant 0 : i32
        %dma_start3A_344 = arith.constant 0 : i32
        %dma_start3A_345 = tpu.memref_slice %arg18[%dma_start3A_343, %dma_start3A_344] : memref<10240x16xf32, #tpu.memory_space<vmem_shared>> -> memref<10240x16xf32, #tpu.memory_space<vmem_shared>>
        tpu.enqueue_indirect_dma source(%dma_start3A_345 : memref<10240x16xf32, #tpu.memory_space<vmem_shared>>) target(%arg9 : memref<128x16xf32, #tpu.memory_space<vmem>>) offsets(%dma_start3A_342 : memref<128xi32, #tpu.memory_space<vmem>>) semaphore(%arg20 : memref<!tpu.dma_semaphore, #tpu.memory_space<semaphore_mem>>)
      } else {
      }
      %mul3A_282 = arith.constant 8 : i32
      %mul3A_283 = arith.muli %scan3A_117, %mul3A_282 : i32
      %add3A_284 = arith.constant 6 : i32
      %add3A_285 = arith.addi %mul3A_283, %add3A_284 : i32
      %dma_wait3A_286 = arith.constant 0 : i32
      %dma_wait3A_287 = tpu.memref_slice %arg6[%add3A_285, %dma_wait3A_286] : memref<80x128xi32, #tpu.memory_space<vmem>> -> memref<1x128xi32, #tpu.memory_space<vmem>>
      %dma_wait3A_288 = tpu.memref_squeeze %dma_wait3A_287 : memref<1x128xi32, #tpu.memory_space<vmem>> -> memref<128xi32, #tpu.memory_space<vmem>>
      %dma_wait3A_289 = arith.constant 0 : i32
      %dma_wait3A_290 = arith.constant 0 : i32
      %dma_wait3A_291 = tpu.memref_slice %arg18[%dma_wait3A_289, %dma_wait3A_290] : memref<10240x16xf32, #tpu.memory_space<vmem_shared>> -> memref<10240x16xf32, #tpu.memory_space<vmem_shared>>
      tpu.wait_indirect_dma semaphore(%arg25 : memref<!tpu.dma_semaphore, #tpu.memory_space<semaphore_mem>>) src(%dma_wait3A_291 : memref<10240x16xf32, #tpu.memory_space<vmem_shared>>) dst(%arg14 : memref<128x16xf32, #tpu.memory_space<vmem>>)
      %dma_start3A_292 = arith.constant 0 : i32
      %dma_start3A_293 = tpu.memref_slice %arg7[%add3A_285, %dma_start3A_292] : memref<80x128xi32, #tpu.memory_space<vmem>> -> memref<1x128xi32, #tpu.memory_space<vmem>>
      %dma_start3A_294 = tpu.memref_squeeze %dma_start3A_293 : memref<1x128xi32, #tpu.memory_space<vmem>> -> memref<128xi32, #tpu.memory_space<vmem>>
      %dma_start3A_295 = arith.constant 0 : i32
      %dma_start3A_296 = arith.constant 0 : i32
      %dma_start3A_297 = tpu.memref_slice %arg17[%dma_start3A_295, %dma_start3A_296] : memref<10240x16xf32, #tpu.memory_space<vmem_shared>> -> memref<10240x16xf32, #tpu.memory_space<vmem_shared>>
      tpu.enqueue_indirect_dma source(%arg14 : memref<128x16xf32, #tpu.memory_space<vmem>>) target(%dma_start3A_297 : memref<10240x16xf32, #tpu.memory_space<vmem_shared>>) offsets(%dma_start3A_294 : memref<128xi32, #tpu.memory_space<vmem>>) semaphore(%arg33 : memref<!tpu.dma_semaphore, #tpu.memory_space<semaphore_mem>>) {add = true}
      %ge3A_298 = arith.constant 4 : i32
      %ge3A_299 = arith.cmpi sge, %add3A_285, %ge3A_298 : i32
      %convert_element_type3A_300 = arith.extui %ge3A_299 : i1 to i32
      %cond3A_301 = arith.constant 0 : i32
      %cond3A_302 = arith.cmpi ne, %convert_element_type3A_300, %cond3A_301 : i32
      scf.if %cond3A_302 {
        %sub3A = arith.constant 4 : i32
        %sub3A_338 = arith.subi %add3A_285, %sub3A : i32
        %dma_wait3A_339 = arith.constant 0 : i32
        %dma_wait3A_340 = tpu.memref_slice %arg7[%sub3A_338, %dma_wait3A_339] : memref<80x128xi32, #tpu.memory_space<vmem>> -> memref<1x128xi32, #tpu.memory_space<vmem>>
        %dma_wait3A_341 = tpu.memref_squeeze %dma_wait3A_340 : memref<1x128xi32, #tpu.memory_space<vmem>> -> memref<128xi32, #tpu.memory_space<vmem>>
        %dma_wait3A_342 = arith.constant 0 : i32
        %dma_wait3A_343 = arith.constant 0 : i32
        %dma_wait3A_344 = tpu.memref_slice %arg17[%dma_wait3A_342, %dma_wait3A_343] : memref<10240x16xf32, #tpu.memory_space<vmem_shared>> -> memref<10240x16xf32, #tpu.memory_space<vmem_shared>>
        tpu.wait_indirect_dma semaphore(%arg29 : memref<!tpu.dma_semaphore, #tpu.memory_space<semaphore_mem>>) src(%arg10 : memref<128x16xf32, #tpu.memory_space<vmem>>) dst(%dma_wait3A_344 : memref<10240x16xf32, #tpu.memory_space<vmem_shared>>)
      } else {
      }
      %add3A_303 = arith.constant 4 : i32
      %add3A_304 = arith.addi %add3A_285, %add3A_303 : i32
      %lt3A_305 = arith.constant 80 : i32
      %lt3A_306 = arith.cmpi slt, %add3A_304, %lt3A_305 : i32
      %convert_element_type3A_307 = arith.extui %lt3A_306 : i1 to i32
      %cond3A_308 = arith.constant 0 : i32
      %cond3A_309 = arith.cmpi ne, %convert_element_type3A_307, %cond3A_308 : i32
      scf.if %cond3A_309 {
        %add3A_338 = arith.constant 4 : i32
        %add3A_339 = arith.addi %add3A_285, %add3A_338 : i32
        %dma_start3A_340 = arith.constant 0 : i32
        %dma_start3A_341 = tpu.memref_slice %arg6[%add3A_339, %dma_start3A_340] : memref<80x128xi32, #tpu.memory_space<vmem>> -> memref<1x128xi32, #tpu.memory_space<vmem>>
        %dma_start3A_342 = tpu.memref_squeeze %dma_start3A_341 : memref<1x128xi32, #tpu.memory_space<vmem>> -> memref<128xi32, #tpu.memory_space<vmem>>
        %dma_start3A_343 = arith.constant 0 : i32
        %dma_start3A_344 = arith.constant 0 : i32
        %dma_start3A_345 = tpu.memref_slice %arg18[%dma_start3A_343, %dma_start3A_344] : memref<10240x16xf32, #tpu.memory_space<vmem_shared>> -> memref<10240x16xf32, #tpu.memory_space<vmem_shared>>
        tpu.enqueue_indirect_dma source(%dma_start3A_345 : memref<10240x16xf32, #tpu.memory_space<vmem_shared>>) target(%arg10 : memref<128x16xf32, #tpu.memory_space<vmem>>) offsets(%dma_start3A_342 : memref<128xi32, #tpu.memory_space<vmem>>) semaphore(%arg21 : memref<!tpu.dma_semaphore, #tpu.memory_space<semaphore_mem>>)
      } else {
      }
      %mul3A_310 = arith.constant 8 : i32
      %mul3A_311 = arith.muli %scan3A_117, %mul3A_310 : i32
      %add3A_312 = arith.constant 7 : i32
      %add3A_313 = arith.addi %mul3A_311, %add3A_312 : i32
      %dma_wait3A_314 = arith.constant 0 : i32
      %dma_wait3A_315 = tpu.memref_slice %arg6[%add3A_313, %dma_wait3A_314] : memref<80x128xi32, #tpu.memory_space<vmem>> -> memref<1x128xi32, #tpu.memory_space<vmem>>
      %dma_wait3A_316 = tpu.memref_squeeze %dma_wait3A_315 : memref<1x128xi32, #tpu.memory_space<vmem>> -> memref<128xi32, #tpu.memory_space<vmem>>
      %dma_wait3A_317 = arith.constant 0 : i32
      %dma_wait3A_318 = arith.constant 0 : i32
      %dma_wait3A_319 = tpu.memref_slice %arg18[%dma_wait3A_317, %dma_wait3A_318] : memref<10240x16xf32, #tpu.memory_space<vmem_shared>> -> memref<10240x16xf32, #tpu.memory_space<vmem_shared>>
      tpu.wait_indirect_dma semaphore(%arg26 : memref<!tpu.dma_semaphore, #tpu.memory_space<semaphore_mem>>) src(%dma_wait3A_319 : memref<10240x16xf32, #tpu.memory_space<vmem_shared>>) dst(%arg15 : memref<128x16xf32, #tpu.memory_space<vmem>>)
      %dma_start3A_320 = arith.constant 0 : i32
      %dma_start3A_321 = tpu.memref_slice %arg7[%add3A_313, %dma_start3A_320] : memref<80x128xi32, #tpu.memory_space<vmem>> -> memref<1x128xi32, #tpu.memory_space<vmem>>
      %dma_start3A_322 = tpu.memref_squeeze %dma_start3A_321 : memref<1x128xi32, #tpu.memory_space<vmem>> -> memref<128xi32, #tpu.memory_space<vmem>>
      %dma_start3A_323 = arith.constant 0 : i32
      %dma_start3A_324 = arith.constant 0 : i32
      %dma_start3A_325 = tpu.memref_slice %arg17[%dma_start3A_323, %dma_start3A_324] : memref<10240x16xf32, #tpu.memory_space<vmem_shared>> -> memref<10240x16xf32, #tpu.memory_space<vmem_shared>>
      tpu.enqueue_indirect_dma source(%arg15 : memref<128x16xf32, #tpu.memory_space<vmem>>) target(%dma_start3A_325 : memref<10240x16xf32, #tpu.memory_space<vmem_shared>>) offsets(%dma_start3A_322 : memref<128xi32, #tpu.memory_space<vmem>>) semaphore(%arg34 : memref<!tpu.dma_semaphore, #tpu.memory_space<semaphore_mem>>) {add = true}
      %ge3A_326 = arith.constant 4 : i32
      %ge3A_327 = arith.cmpi sge, %add3A_313, %ge3A_326 : i32
      %convert_element_type3A_328 = arith.extui %ge3A_327 : i1 to i32
      %cond3A_329 = arith.constant 0 : i32
      %cond3A_330 = arith.cmpi ne, %convert_element_type3A_328, %cond3A_329 : i32
      scf.if %cond3A_330 {
        %sub3A = arith.constant 4 : i32
        %sub3A_338 = arith.subi %add3A_313, %sub3A : i32
        %dma_wait3A_339 = arith.constant 0 : i32
        %dma_wait3A_340 = tpu.memref_slice %arg7[%sub3A_338, %dma_wait3A_339] : memref<80x128xi32, #tpu.memory_space<vmem>> -> memref<1x128xi32, #tpu.memory_space<vmem>>
        %dma_wait3A_341 = tpu.memref_squeeze %dma_wait3A_340 : memref<1x128xi32, #tpu.memory_space<vmem>> -> memref<128xi32, #tpu.memory_space<vmem>>
        %dma_wait3A_342 = arith.constant 0 : i32
        %dma_wait3A_343 = arith.constant 0 : i32
        %dma_wait3A_344 = tpu.memref_slice %arg17[%dma_wait3A_342, %dma_wait3A_343] : memref<10240x16xf32, #tpu.memory_space<vmem_shared>> -> memref<10240x16xf32, #tpu.memory_space<vmem_shared>>
        tpu.wait_indirect_dma semaphore(%arg30 : memref<!tpu.dma_semaphore, #tpu.memory_space<semaphore_mem>>) src(%arg11 : memref<128x16xf32, #tpu.memory_space<vmem>>) dst(%dma_wait3A_344 : memref<10240x16xf32, #tpu.memory_space<vmem_shared>>)
      } else {
      }
      %add3A_331 = arith.constant 4 : i32
      %add3A_332 = arith.addi %add3A_313, %add3A_331 : i32
      %lt3A_333 = arith.constant 80 : i32
      %lt3A_334 = arith.cmpi slt, %add3A_332, %lt3A_333 : i32
      %convert_element_type3A_335 = arith.extui %lt3A_334 : i1 to i32
      %cond3A_336 = arith.constant 0 : i32
      %cond3A_337 = arith.cmpi ne, %convert_element_type3A_335, %cond3A_336 : i32
      scf.if %cond3A_337 {
        %add3A_338 = arith.constant 4 : i32
        %add3A_339 = arith.addi %add3A_313, %add3A_338 : i32
        %dma_start3A_340 = arith.constant 0 : i32
        %dma_start3A_341 = tpu.memref_slice %arg6[%add3A_339, %dma_start3A_340] : memref<80x128xi32, #tpu.memory_space<vmem>> -> memref<1x128xi32, #tpu.memory_space<vmem>>
        %dma_start3A_342 = tpu.memref_squeeze %dma_start3A_341 : memref<1x128xi32, #tpu.memory_space<vmem>> -> memref<128xi32, #tpu.memory_space<vmem>>
        %dma_start3A_343 = arith.constant 0 : i32
        %dma_start3A_344 = arith.constant 0 : i32
        %dma_start3A_345 = tpu.memref_slice %arg18[%dma_start3A_343, %dma_start3A_344] : memref<10240x16xf32, #tpu.memory_space<vmem_shared>> -> memref<10240x16xf32, #tpu.memory_space<vmem_shared>>
        tpu.enqueue_indirect_dma source(%dma_start3A_345 : memref<10240x16xf32, #tpu.memory_space<vmem_shared>>) target(%arg11 : memref<128x16xf32, #tpu.memory_space<vmem>>) offsets(%dma_start3A_342 : memref<128xi32, #tpu.memory_space<vmem>>) semaphore(%arg22 : memref<!tpu.dma_semaphore, #tpu.memory_space<semaphore_mem>>)
      } else {
      }
    }
    %scan3A_87 = arith.constant 10 : i32
    %dma_wait3A_88 = arith.constant 76 : i32
    %dma_wait3A_89 = arith.constant 0 : i32
    %dma_wait3A_90 = tpu.memref_slice %arg7[%dma_wait3A_88, %dma_wait3A_89] : memref<80x128xi32, #tpu.memory_space<vmem>> -> memref<1x128xi32, #tpu.memory_space<vmem>>
    %dma_wait3A_91 = tpu.memref_squeeze %dma_wait3A_90 : memref<1x128xi32, #tpu.memory_space<vmem>> -> memref<128xi32, #tpu.memory_space<vmem>>
    %dma_wait3A_92 = arith.constant 0 : i32
    %dma_wait3A_93 = arith.constant 0 : i32
    %dma_wait3A_94 = tpu.memref_slice %arg17[%dma_wait3A_92, %dma_wait3A_93] : memref<10240x16xf32, #tpu.memory_space<vmem_shared>> -> memref<10240x16xf32, #tpu.memory_space<vmem_shared>>
    tpu.wait_indirect_dma semaphore(%arg31 : memref<!tpu.dma_semaphore, #tpu.memory_space<semaphore_mem>>) src(%arg12 : memref<128x16xf32, #tpu.memory_space<vmem>>) dst(%dma_wait3A_94 : memref<10240x16xf32, #tpu.memory_space<vmem_shared>>)
    %dma_wait3A_95 = arith.constant 77 : i32
    %dma_wait3A_96 = arith.constant 0 : i32
    %dma_wait3A_97 = tpu.memref_slice %arg7[%dma_wait3A_95, %dma_wait3A_96] : memref<80x128xi32, #tpu.memory_space<vmem>> -> memref<1x128xi32, #tpu.memory_space<vmem>>
    %dma_wait3A_98 = tpu.memref_squeeze %dma_wait3A_97 : memref<1x128xi32, #tpu.memory_space<vmem>> -> memref<128xi32, #tpu.memory_space<vmem>>
    %dma_wait3A_99 = arith.constant 0 : i32
    %dma_wait3A_100 = arith.constant 0 : i32
    %dma_wait3A_101 = tpu.memref_slice %arg17[%dma_wait3A_99, %dma_wait3A_100] : memref<10240x16xf32, #tpu.memory_space<vmem_shared>> -> memref<10240x16xf32, #tpu.memory_space<vmem_shared>>
    tpu.wait_indirect_dma semaphore(%arg32 : memref<!tpu.dma_semaphore, #tpu.memory_space<semaphore_mem>>) src(%arg13 : memref<128x16xf32, #tpu.memory_space<vmem>>) dst(%dma_wait3A_101 : memref<10240x16xf32, #tpu.memory_space<vmem_shared>>)
    %dma_wait3A_102 = arith.constant 78 : i32
    %dma_wait3A_103 = arith.constant 0 : i32
    %dma_wait3A_104 = tpu.memref_slice %arg7[%dma_wait3A_102, %dma_wait3A_103] : memref<80x128xi32, #tpu.memory_space<vmem>> -> memref<1x128xi32, #tpu.memory_space<vmem>>
    %dma_wait3A_105 = tpu.memref_squeeze %dma_wait3A_104 : memref<1x128xi32, #tpu.memory_space<vmem>> -> memref<128xi32, #tpu.memory_space<vmem>>
    %dma_wait3A_106 = arith.constant 0 : i32
    %dma_wait3A_107 = arith.constant 0 : i32
    %dma_wait3A_108 = tpu.memref_slice %arg17[%dma_wait3A_106, %dma_wait3A_107] : memref<10240x16xf32, #tpu.memory_space<vmem_shared>> -> memref<10240x16xf32, #tpu.memory_space<vmem_shared>>
    tpu.wait_indirect_dma semaphore(%arg33 : memref<!tpu.dma_semaphore, #tpu.memory_space<semaphore_mem>>) src(%arg14 : memref<128x16xf32, #tpu.memory_space<vmem>>) dst(%dma_wait3A_108 : memref<10240x16xf32, #tpu.memory_space<vmem_shared>>)
    %dma_wait3A_109 = arith.constant 79 : i32
    %dma_wait3A_110 = arith.constant 0 : i32
    %dma_wait3A_111 = tpu.memref_slice %arg7[%dma_wait3A_109, %dma_wait3A_110] : memref<80x128xi32, #tpu.memory_space<vmem>> -> memref<1x128xi32, #tpu.memory_space<vmem>>
    %dma_wait3A_112 = tpu.memref_squeeze %dma_wait3A_111 : memref<1x128xi32, #tpu.memory_space<vmem>> -> memref<128xi32, #tpu.memory_space<vmem>>
    %dma_wait3A_113 = arith.constant 0 : i32
    %dma_wait3A_114 = arith.constant 0 : i32
    %dma_wait3A_115 = tpu.memref_slice %arg17[%dma_wait3A_113, %dma_wait3A_114] : memref<10240x16xf32, #tpu.memory_space<vmem_shared>> -> memref<10240x16xf32, #tpu.memory_space<vmem_shared>>
    tpu.wait_indirect_dma semaphore(%arg34 : memref<!tpu.dma_semaphore, #tpu.memory_space<semaphore_mem>>) src(%arg15 : memref<128x16xf32, #tpu.memory_space<vmem>>) dst(%dma_wait3A_115 : memref<10240x16xf32, #tpu.memory_space<vmem_shared>>)
    %barrier3A_116 = arith.constant 0 : index
    tpu.barrier barrier_id(%barrier3A_116)
    "tpu.region"() ({
      %run_scoped3A = tpu.sem_alloc : memref<!tpu.dma_semaphore, #tpu.memory_space<semaphore_mem>>
      %dma_start3A_117 = arith.constant 0 : i32
      %dma_start3A_118 = tpu.memref_slice %arg5[%arg0, %mul3A_2, %dma_start3A_117] : memref<2x10240x16xf32, #tpu.memory_space<hbm>> -> memref<1x640x16xf32, #tpu.memory_space<hbm>>
      %dma_start3A_119 = tpu.memref_squeeze %dma_start3A_118 : memref<1x640x16xf32, #tpu.memory_space<hbm>> -> memref<640x16xf32, #tpu.memory_space<hbm>>
      %dma_start3A_120 = arith.constant 0 : i32
      %dma_start3A_121 = tpu.memref_slice %arg17[%mul3A_2, %dma_start3A_120] : memref<10240x16xf32, #tpu.memory_space<vmem_shared>> -> memref<640x16xf32, #tpu.memory_space<vmem_shared>>
      tpu.enqueue_dma source(%dma_start3A_121 : memref<640x16xf32, #tpu.memory_space<vmem_shared>>) target(%dma_start3A_119 : memref<640x16xf32, #tpu.memory_space<hbm>>) target_semaphore(%run_scoped3A : memref<!tpu.dma_semaphore, #tpu.memory_space<semaphore_mem>>)
      %dma_wait3A_122 = arith.constant 0 : i32
      %dma_wait3A_123 = tpu.memref_slice %arg5[%arg0, %mul3A_2, %dma_wait3A_122] : memref<2x10240x16xf32, #tpu.memory_space<hbm>> -> memref<1x640x16xf32, #tpu.memory_space<hbm>>
      %dma_wait3A_124 = tpu.memref_squeeze %dma_wait3A_123 : memref<1x640x16xf32, #tpu.memory_space<hbm>> -> memref<640x16xf32, #tpu.memory_space<hbm>>
      %dma_wait3A_125 = arith.constant 0 : i32
      %dma_wait3A_126 = tpu.memref_slice %arg17[%mul3A_2, %dma_wait3A_125] : memref<10240x16xf32, #tpu.memory_space<vmem_shared>> -> memref<640x16xf32, #tpu.memory_space<vmem_shared>>
      tpu.wait_dma2 semaphore(%run_scoped3A : memref<!tpu.dma_semaphore, #tpu.memory_space<semaphore_mem>>) src(%dma_wait3A_126 : memref<640x16xf32, #tpu.memory_space<vmem_shared>>) dst(%dma_wait3A_124 : memref<640x16xf32, #tpu.memory_space<hbm>>)
      tpu.yield
    }) : () -> ()
    return
  }
}

#map = affine_map<(d0, d1) -> (0, 0, 0, 0)>
#map1 = affine_map<(d0, d1) -> (0, 0)>
#map2 = affine_map<(d0, d1) -> (0, 0, 0)>
module attributes {stable_mosaic.version = 14 : i64} {
  func.func @_sc_degree(%arg0: i32, %arg1: i32, %arg2: memref<2x32x80x128xi32, #tpu.memory_space<hbm>>, %arg3: memref<128x16xf32, #tpu.memory_space<hbm>>, %arg4: memref<10240x16xf32, #tpu.memory_space<hbm>>, %arg5: memref<2x10240x16xf32, #tpu.memory_space<hbm>>, %arg6: memref<80x128xi32, #tpu.memory_space<vmem>>, %arg7: memref<128x16xf32, #tpu.memory_space<vmem>>, %arg8: memref<640x16xf32, #tpu.memory_space<vmem>>, %arg9: memref<10240x16xf32, #tpu.memory_space<vmem_shared>>, %arg10: memref<!tpu.dma_semaphore, #tpu.memory_space<semaphore_mem>>, %arg11: memref<!tpu.dma_semaphore, #tpu.memory_space<semaphore_mem>>, %arg12: memref<!tpu.dma_semaphore, #tpu.memory_space<semaphore_mem>>, %arg13: memref<!tpu.dma_semaphore, #tpu.memory_space<semaphore_mem>>, %arg14: memref<!tpu.dma_semaphore, #tpu.memory_space<semaphore_mem>>, %arg15: memref<!tpu.dma_semaphore, #tpu.memory_space<semaphore_mem>>, %arg16: memref<!tpu.dma_semaphore, #tpu.memory_space<semaphore_mem>>, %arg17: memref<!tpu.dma_semaphore, #tpu.memory_space<semaphore_mem>>) attributes {dimension_semantics = [#tpu.dimension_semantics<core_parallel>, #tpu.dimension_semantics<subcore_parallel>], iteration_bounds = array<i64: 2, 16>, scalar_prefetch = 0 : i64, scratch_operands = 12 : i64, tpu.core_type = #tpu.core_type<sc_vector_subcore>, window_params = [{transform_indices = #map}, {transform_indices = #map1}, {transform_indices = #map1}, {transform_indices = #map2}]} {
    %mul3A = arith.constant 16 : i32
    %mul3A_0 = arith.muli %arg0, %mul3A : i32
    %add3A = arith.addi %mul3A_0, %arg1 : i32
    %mul3A_1 = arith.constant 640 : i32
    %mul3A_2 = arith.muli %arg1, %mul3A_1 : i32
    %dma_start3A = arith.constant 0 : i32
    %dma_start3A_3 = tpu.memref_slice %arg4[%mul3A_2, %dma_start3A] : memref<10240x16xf32, #tpu.memory_space<hbm>> -> memref<640x16xf32, #tpu.memory_space<hbm>>
    %dma_start3A_4 = arith.constant 0 : i32
    %dma_start3A_5 = tpu.memref_slice %arg4[%mul3A_2, %dma_start3A_4] : memref<10240x16xf32, #tpu.memory_space<hbm>> -> memref<640x16xf32, #tpu.memory_space<hbm>>
    tpu.enqueue_dma source(%dma_start3A_5 : memref<640x16xf32, #tpu.memory_space<hbm>>) target(%arg8 : memref<640x16xf32, #tpu.memory_space<vmem>>) target_semaphore(%arg10 : memref<!tpu.dma_semaphore, #tpu.memory_space<semaphore_mem>>)
    tpu.enqueue_dma source(%arg3 : memref<128x16xf32, #tpu.memory_space<hbm>>) target(%arg7 : memref<128x16xf32, #tpu.memory_space<vmem>>) target_semaphore(%arg11 : memref<!tpu.dma_semaphore, #tpu.memory_space<semaphore_mem>>)
    %dma_start3A_6 = arith.constant 1 : i32
    %dma_start3A_7 = arith.constant 0 : i32
    %dma_start3A_8 = arith.constant 0 : i32
    %dma_start3A_9 = tpu.memref_slice %arg2[%dma_start3A_6, %add3A, %dma_start3A_7, %dma_start3A_8] : memref<2x32x80x128xi32, #tpu.memory_space<hbm>> -> memref<1x1x80x128xi32, #tpu.memory_space<hbm>>
    %dma_start3A_10 = tpu.memref_squeeze %dma_start3A_9 : memref<1x1x80x128xi32, #tpu.memory_space<hbm>> -> memref<80x128xi32, #tpu.memory_space<hbm>>
    %dma_start3A_11 = arith.constant 0 : i32
    %dma_start3A_12 = arith.constant 0 : i32
    %dma_start3A_13 = tpu.memref_slice %arg2[%dma_start3A_6, %add3A, %dma_start3A_11, %dma_start3A_12] : memref<2x32x80x128xi32, #tpu.memory_space<hbm>> -> memref<1x1x80x128xi32, #tpu.memory_space<hbm>>
    %dma_start3A_14 = tpu.memref_squeeze %dma_start3A_13 : memref<1x1x80x128xi32, #tpu.memory_space<hbm>> -> memref<80x128xi32, #tpu.memory_space<hbm>>
    tpu.enqueue_dma source(%dma_start3A_14 : memref<80x128xi32, #tpu.memory_space<hbm>>) target(%arg6 : memref<80x128xi32, #tpu.memory_space<vmem>>) target_semaphore(%arg12 : memref<!tpu.dma_semaphore, #tpu.memory_space<semaphore_mem>>)
    %dma_wait3A = arith.constant 0 : i32
    %dma_wait3A_15 = tpu.memref_slice %arg4[%mul3A_2, %dma_wait3A] : memref<10240x16xf32, #tpu.memory_space<hbm>> -> memref<640x16xf32, #tpu.memory_space<hbm>>
    %dma_wait3A_16 = arith.constant 0 : i32
    %dma_wait3A_17 = tpu.memref_slice %arg4[%mul3A_2, %dma_wait3A_16] : memref<10240x16xf32, #tpu.memory_space<hbm>> -> memref<640x16xf32, #tpu.memory_space<hbm>>
    tpu.wait_dma2 semaphore(%arg10 : memref<!tpu.dma_semaphore, #tpu.memory_space<semaphore_mem>>) src(%dma_wait3A_17 : memref<640x16xf32, #tpu.memory_space<hbm>>) dst(%arg8 : memref<640x16xf32, #tpu.memory_space<vmem>>)
    "tpu.region"() ({
      %run_scoped3A = tpu.sem_alloc : memref<!tpu.dma_semaphore, #tpu.memory_space<semaphore_mem>>
      %dma_start3A_145 = arith.constant 0 : i32
      %dma_start3A_146 = tpu.memref_slice %arg9[%mul3A_2, %dma_start3A_145] : memref<10240x16xf32, #tpu.memory_space<vmem_shared>> -> memref<640x16xf32, #tpu.memory_space<vmem_shared>>
      %dma_start3A_147 = arith.constant 0 : i32
      %dma_start3A_148 = tpu.memref_slice %arg9[%mul3A_2, %dma_start3A_147] : memref<10240x16xf32, #tpu.memory_space<vmem_shared>> -> memref<640x16xf32, #tpu.memory_space<vmem_shared>>
      tpu.enqueue_dma source(%arg8 : memref<640x16xf32, #tpu.memory_space<vmem>>) target(%dma_start3A_148 : memref<640x16xf32, #tpu.memory_space<vmem_shared>>) target_semaphore(%run_scoped3A : memref<!tpu.dma_semaphore, #tpu.memory_space<semaphore_mem>>)
      %dma_wait3A_149 = arith.constant 0 : i32
      %dma_wait3A_150 = tpu.memref_slice %arg9[%mul3A_2, %dma_wait3A_149] : memref<10240x16xf32, #tpu.memory_space<vmem_shared>> -> memref<640x16xf32, #tpu.memory_space<vmem_shared>>
      %dma_wait3A_151 = arith.constant 0 : i32
      %dma_wait3A_152 = tpu.memref_slice %arg9[%mul3A_2, %dma_wait3A_151] : memref<10240x16xf32, #tpu.memory_space<vmem_shared>> -> memref<640x16xf32, #tpu.memory_space<vmem_shared>>
      tpu.wait_dma2 semaphore(%run_scoped3A : memref<!tpu.dma_semaphore, #tpu.memory_space<semaphore_mem>>) src(%arg8 : memref<640x16xf32, #tpu.memory_space<vmem>>) dst(%dma_wait3A_152 : memref<640x16xf32, #tpu.memory_space<vmem_shared>>)
      tpu.yield
    }) : () -> ()
    tpu.wait_dma2 semaphore(%arg11 : memref<!tpu.dma_semaphore, #tpu.memory_space<semaphore_mem>>) src(%arg3 : memref<128x16xf32, #tpu.memory_space<hbm>>) dst(%arg7 : memref<128x16xf32, #tpu.memory_space<vmem>>)
    %dma_wait3A_18 = arith.constant 1 : i32
    %dma_wait3A_19 = arith.constant 0 : i32
    %dma_wait3A_20 = arith.constant 0 : i32
    %dma_wait3A_21 = tpu.memref_slice %arg2[%dma_wait3A_18, %add3A, %dma_wait3A_19, %dma_wait3A_20] : memref<2x32x80x128xi32, #tpu.memory_space<hbm>> -> memref<1x1x80x128xi32, #tpu.memory_space<hbm>>
    %dma_wait3A_22 = tpu.memref_squeeze %dma_wait3A_21 : memref<1x1x80x128xi32, #tpu.memory_space<hbm>> -> memref<80x128xi32, #tpu.memory_space<hbm>>
    %dma_wait3A_23 = arith.constant 0 : i32
    %dma_wait3A_24 = arith.constant 0 : i32
    %dma_wait3A_25 = tpu.memref_slice %arg2[%dma_wait3A_18, %add3A, %dma_wait3A_23, %dma_wait3A_24] : memref<2x32x80x128xi32, #tpu.memory_space<hbm>> -> memref<1x1x80x128xi32, #tpu.memory_space<hbm>>
    %dma_wait3A_26 = tpu.memref_squeeze %dma_wait3A_25 : memref<1x1x80x128xi32, #tpu.memory_space<hbm>> -> memref<80x128xi32, #tpu.memory_space<hbm>>
    tpu.wait_dma2 semaphore(%arg12 : memref<!tpu.dma_semaphore, #tpu.memory_space<semaphore_mem>>) src(%dma_wait3A_26 : memref<80x128xi32, #tpu.memory_space<hbm>>) dst(%arg6 : memref<80x128xi32, #tpu.memory_space<vmem>>)
    %barrier3A = arith.constant 0 : index
    tpu.barrier barrier_id(%barrier3A)
    %dma_start3A_27 = arith.constant 0 : i32
    %dma_start3A_28 = arith.constant 0 : i32
    %dma_start3A_29 = tpu.memref_slice %arg6[%dma_start3A_27, %dma_start3A_28] : memref<80x128xi32, #tpu.memory_space<vmem>> -> memref<1x128xi32, #tpu.memory_space<vmem>>
    %dma_start3A_30 = tpu.memref_squeeze %dma_start3A_29 : memref<1x128xi32, #tpu.memory_space<vmem>> -> memref<128xi32, #tpu.memory_space<vmem>>
    %dma_start3A_31 = arith.constant 0 : i32
    %dma_start3A_32 = arith.constant 0 : i32
    %dma_start3A_33 = tpu.memref_slice %arg9[%dma_start3A_31, %dma_start3A_32] : memref<10240x16xf32, #tpu.memory_space<vmem_shared>> -> memref<10240x16xf32, #tpu.memory_space<vmem_shared>>
    tpu.enqueue_indirect_dma source(%arg7 : memref<128x16xf32, #tpu.memory_space<vmem>>) target(%dma_start3A_33 : memref<10240x16xf32, #tpu.memory_space<vmem_shared>>) offsets(%dma_start3A_30 : memref<128xi32, #tpu.memory_space<vmem>>) semaphore(%arg10 : memref<!tpu.dma_semaphore, #tpu.memory_space<semaphore_mem>>) {add = true}
    %dma_start3A_34 = arith.constant 1 : i32
    %dma_start3A_35 = arith.constant 0 : i32
    %dma_start3A_36 = tpu.memref_slice %arg6[%dma_start3A_34, %dma_start3A_35] : memref<80x128xi32, #tpu.memory_space<vmem>> -> memref<1x128xi32, #tpu.memory_space<vmem>>
    %dma_start3A_37 = tpu.memref_squeeze %dma_start3A_36 : memref<1x128xi32, #tpu.memory_space<vmem>> -> memref<128xi32, #tpu.memory_space<vmem>>
    %dma_start3A_38 = arith.constant 0 : i32
    %dma_start3A_39 = arith.constant 0 : i32
    %dma_start3A_40 = tpu.memref_slice %arg9[%dma_start3A_38, %dma_start3A_39] : memref<10240x16xf32, #tpu.memory_space<vmem_shared>> -> memref<10240x16xf32, #tpu.memory_space<vmem_shared>>
    tpu.enqueue_indirect_dma source(%arg7 : memref<128x16xf32, #tpu.memory_space<vmem>>) target(%dma_start3A_40 : memref<10240x16xf32, #tpu.memory_space<vmem_shared>>) offsets(%dma_start3A_37 : memref<128xi32, #tpu.memory_space<vmem>>) semaphore(%arg11 : memref<!tpu.dma_semaphore, #tpu.memory_space<semaphore_mem>>) {add = true}
    %dma_start3A_41 = arith.constant 2 : i32
    %dma_start3A_42 = arith.constant 0 : i32
    %dma_start3A_43 = tpu.memref_slice %arg6[%dma_start3A_41, %dma_start3A_42] : memref<80x128xi32, #tpu.memory_space<vmem>> -> memref<1x128xi32, #tpu.memory_space<vmem>>
    %dma_start3A_44 = tpu.memref_squeeze %dma_start3A_43 : memref<1x128xi32, #tpu.memory_space<vmem>> -> memref<128xi32, #tpu.memory_space<vmem>>
    %dma_start3A_45 = arith.constant 0 : i32
    %dma_start3A_46 = arith.constant 0 : i32
    %dma_start3A_47 = tpu.memref_slice %arg9[%dma_start3A_45, %dma_start3A_46] : memref<10240x16xf32, #tpu.memory_space<vmem_shared>> -> memref<10240x16xf32, #tpu.memory_space<vmem_shared>>
    tpu.enqueue_indirect_dma source(%arg7 : memref<128x16xf32, #tpu.memory_space<vmem>>) target(%dma_start3A_47 : memref<10240x16xf32, #tpu.memory_space<vmem_shared>>) offsets(%dma_start3A_44 : memref<128xi32, #tpu.memory_space<vmem>>) semaphore(%arg12 : memref<!tpu.dma_semaphore, #tpu.memory_space<semaphore_mem>>) {add = true}
    %dma_start3A_48 = arith.constant 3 : i32
    %dma_start3A_49 = arith.constant 0 : i32
    %dma_start3A_50 = tpu.memref_slice %arg6[%dma_start3A_48, %dma_start3A_49] : memref<80x128xi32, #tpu.memory_space<vmem>> -> memref<1x128xi32, #tpu.memory_space<vmem>>
    %dma_start3A_51 = tpu.memref_squeeze %dma_start3A_50 : memref<1x128xi32, #tpu.memory_space<vmem>> -> memref<128xi32, #tpu.memory_space<vmem>>
    %dma_start3A_52 = arith.constant 0 : i32
    %dma_start3A_53 = arith.constant 0 : i32
    %dma_start3A_54 = tpu.memref_slice %arg9[%dma_start3A_52, %dma_start3A_53] : memref<10240x16xf32, #tpu.memory_space<vmem_shared>> -> memref<10240x16xf32, #tpu.memory_space<vmem_shared>>
    tpu.enqueue_indirect_dma source(%arg7 : memref<128x16xf32, #tpu.memory_space<vmem>>) target(%dma_start3A_54 : memref<10240x16xf32, #tpu.memory_space<vmem_shared>>) offsets(%dma_start3A_51 : memref<128xi32, #tpu.memory_space<vmem>>) semaphore(%arg13 : memref<!tpu.dma_semaphore, #tpu.memory_space<semaphore_mem>>) {add = true}
    %dma_start3A_55 = arith.constant 4 : i32
    %dma_start3A_56 = arith.constant 0 : i32
    %dma_start3A_57 = tpu.memref_slice %arg6[%dma_start3A_55, %dma_start3A_56] : memref<80x128xi32, #tpu.memory_space<vmem>> -> memref<1x128xi32, #tpu.memory_space<vmem>>
    %dma_start3A_58 = tpu.memref_squeeze %dma_start3A_57 : memref<1x128xi32, #tpu.memory_space<vmem>> -> memref<128xi32, #tpu.memory_space<vmem>>
    %dma_start3A_59 = arith.constant 0 : i32
    %dma_start3A_60 = arith.constant 0 : i32
    %dma_start3A_61 = tpu.memref_slice %arg9[%dma_start3A_59, %dma_start3A_60] : memref<10240x16xf32, #tpu.memory_space<vmem_shared>> -> memref<10240x16xf32, #tpu.memory_space<vmem_shared>>
    tpu.enqueue_indirect_dma source(%arg7 : memref<128x16xf32, #tpu.memory_space<vmem>>) target(%dma_start3A_61 : memref<10240x16xf32, #tpu.memory_space<vmem_shared>>) offsets(%dma_start3A_58 : memref<128xi32, #tpu.memory_space<vmem>>) semaphore(%arg14 : memref<!tpu.dma_semaphore, #tpu.memory_space<semaphore_mem>>) {add = true}
    %dma_start3A_62 = arith.constant 5 : i32
    %dma_start3A_63 = arith.constant 0 : i32
    %dma_start3A_64 = tpu.memref_slice %arg6[%dma_start3A_62, %dma_start3A_63] : memref<80x128xi32, #tpu.memory_space<vmem>> -> memref<1x128xi32, #tpu.memory_space<vmem>>
    %dma_start3A_65 = tpu.memref_squeeze %dma_start3A_64 : memref<1x128xi32, #tpu.memory_space<vmem>> -> memref<128xi32, #tpu.memory_space<vmem>>
    %dma_start3A_66 = arith.constant 0 : i32
    %dma_start3A_67 = arith.constant 0 : i32
    %dma_start3A_68 = tpu.memref_slice %arg9[%dma_start3A_66, %dma_start3A_67] : memref<10240x16xf32, #tpu.memory_space<vmem_shared>> -> memref<10240x16xf32, #tpu.memory_space<vmem_shared>>
    tpu.enqueue_indirect_dma source(%arg7 : memref<128x16xf32, #tpu.memory_space<vmem>>) target(%dma_start3A_68 : memref<10240x16xf32, #tpu.memory_space<vmem_shared>>) offsets(%dma_start3A_65 : memref<128xi32, #tpu.memory_space<vmem>>) semaphore(%arg15 : memref<!tpu.dma_semaphore, #tpu.memory_space<semaphore_mem>>) {add = true}
    %dma_start3A_69 = arith.constant 6 : i32
    %dma_start3A_70 = arith.constant 0 : i32
    %dma_start3A_71 = tpu.memref_slice %arg6[%dma_start3A_69, %dma_start3A_70] : memref<80x128xi32, #tpu.memory_space<vmem>> -> memref<1x128xi32, #tpu.memory_space<vmem>>
    %dma_start3A_72 = tpu.memref_squeeze %dma_start3A_71 : memref<1x128xi32, #tpu.memory_space<vmem>> -> memref<128xi32, #tpu.memory_space<vmem>>
    %dma_start3A_73 = arith.constant 0 : i32
    %dma_start3A_74 = arith.constant 0 : i32
    %dma_start3A_75 = tpu.memref_slice %arg9[%dma_start3A_73, %dma_start3A_74] : memref<10240x16xf32, #tpu.memory_space<vmem_shared>> -> memref<10240x16xf32, #tpu.memory_space<vmem_shared>>
    tpu.enqueue_indirect_dma source(%arg7 : memref<128x16xf32, #tpu.memory_space<vmem>>) target(%dma_start3A_75 : memref<10240x16xf32, #tpu.memory_space<vmem_shared>>) offsets(%dma_start3A_72 : memref<128xi32, #tpu.memory_space<vmem>>) semaphore(%arg16 : memref<!tpu.dma_semaphore, #tpu.memory_space<semaphore_mem>>) {add = true}
    %dma_start3A_76 = arith.constant 7 : i32
    %dma_start3A_77 = arith.constant 0 : i32
    %dma_start3A_78 = tpu.memref_slice %arg6[%dma_start3A_76, %dma_start3A_77] : memref<80x128xi32, #tpu.memory_space<vmem>> -> memref<1x128xi32, #tpu.memory_space<vmem>>
    %dma_start3A_79 = tpu.memref_squeeze %dma_start3A_78 : memref<1x128xi32, #tpu.memory_space<vmem>> -> memref<128xi32, #tpu.memory_space<vmem>>
    %dma_start3A_80 = arith.constant 0 : i32
    %dma_start3A_81 = arith.constant 0 : i32
    %dma_start3A_82 = tpu.memref_slice %arg9[%dma_start3A_80, %dma_start3A_81] : memref<10240x16xf32, #tpu.memory_space<vmem_shared>> -> memref<10240x16xf32, #tpu.memory_space<vmem_shared>>
    tpu.enqueue_indirect_dma source(%arg7 : memref<128x16xf32, #tpu.memory_space<vmem>>) target(%dma_start3A_82 : memref<10240x16xf32, #tpu.memory_space<vmem_shared>>) offsets(%dma_start3A_79 : memref<128xi32, #tpu.memory_space<vmem>>) semaphore(%arg17 : memref<!tpu.dma_semaphore, #tpu.memory_space<semaphore_mem>>) {add = true}
    %scan3A = arith.constant 0 : i32
    %scan3A_83 = arith.constant 1 : i32
    %scan3A_84 = arith.constant 9 : i32
    %scan3A_85 = arith.addi %scan3A_83, %scan3A_84 : i32
    %scan3A_86 = arith.constant 1 : i32
    scf.for %scan3A_145 = %scan3A_83 to %scan3A_85 step %scan3A_86  : i32 {
      %mul3A_146 = arith.constant 8 : i32
      %mul3A_147 = arith.muli %scan3A_145, %mul3A_146 : i32
      %add3A_148 = arith.constant 0 : i32
      %add3A_149 = arith.addi %mul3A_147, %add3A_148 : i32
      %sub3A = arith.constant 8 : i32
      %sub3A_150 = arith.subi %add3A_149, %sub3A : i32
      %dma_wait3A_151 = arith.constant 0 : i32
      %dma_wait3A_152 = tpu.memref_slice %arg6[%sub3A_150, %dma_wait3A_151] : memref<80x128xi32, #tpu.memory_space<vmem>> -> memref<1x128xi32, #tpu.memory_space<vmem>>
      %dma_wait3A_153 = tpu.memref_squeeze %dma_wait3A_152 : memref<1x128xi32, #tpu.memory_space<vmem>> -> memref<128xi32, #tpu.memory_space<vmem>>
      %dma_wait3A_154 = arith.constant 0 : i32
      %dma_wait3A_155 = arith.constant 0 : i32
      %dma_wait3A_156 = tpu.memref_slice %arg9[%dma_wait3A_154, %dma_wait3A_155] : memref<10240x16xf32, #tpu.memory_space<vmem_shared>> -> memref<10240x16xf32, #tpu.memory_space<vmem_shared>>
      tpu.wait_indirect_dma semaphore(%arg10 : memref<!tpu.dma_semaphore, #tpu.memory_space<semaphore_mem>>) src(%arg7 : memref<128x16xf32, #tpu.memory_space<vmem>>) dst(%dma_wait3A_156 : memref<10240x16xf32, #tpu.memory_space<vmem_shared>>)
      %dma_start3A_157 = arith.constant 0 : i32
      %dma_start3A_158 = tpu.memref_slice %arg6[%add3A_149, %dma_start3A_157] : memref<80x128xi32, #tpu.memory_space<vmem>> -> memref<1x128xi32, #tpu.memory_space<vmem>>
      %dma_start3A_159 = tpu.memref_squeeze %dma_start3A_158 : memref<1x128xi32, #tpu.memory_space<vmem>> -> memref<128xi32, #tpu.memory_space<vmem>>
      %dma_start3A_160 = arith.constant 0 : i32
      %dma_start3A_161 = arith.constant 0 : i32
      %dma_start3A_162 = tpu.memref_slice %arg9[%dma_start3A_160, %dma_start3A_161] : memref<10240x16xf32, #tpu.memory_space<vmem_shared>> -> memref<10240x16xf32, #tpu.memory_space<vmem_shared>>
      tpu.enqueue_indirect_dma source(%arg7 : memref<128x16xf32, #tpu.memory_space<vmem>>) target(%dma_start3A_162 : memref<10240x16xf32, #tpu.memory_space<vmem_shared>>) offsets(%dma_start3A_159 : memref<128xi32, #tpu.memory_space<vmem>>) semaphore(%arg10 : memref<!tpu.dma_semaphore, #tpu.memory_space<semaphore_mem>>) {add = true}
      %mul3A_163 = arith.constant 8 : i32
      %mul3A_164 = arith.muli %scan3A_145, %mul3A_163 : i32
      %add3A_165 = arith.constant 1 : i32
      %add3A_166 = arith.addi %mul3A_164, %add3A_165 : i32
      %sub3A_167 = arith.constant 8 : i32
      %sub3A_168 = arith.subi %add3A_166, %sub3A_167 : i32
      %dma_wait3A_169 = arith.constant 0 : i32
      %dma_wait3A_170 = tpu.memref_slice %arg6[%sub3A_168, %dma_wait3A_169] : memref<80x128xi32, #tpu.memory_space<vmem>> -> memref<1x128xi32, #tpu.memory_space<vmem>>
      %dma_wait3A_171 = tpu.memref_squeeze %dma_wait3A_170 : memref<1x128xi32, #tpu.memory_space<vmem>> -> memref<128xi32, #tpu.memory_space<vmem>>
      %dma_wait3A_172 = arith.constant 0 : i32
      %dma_wait3A_173 = arith.constant 0 : i32
      %dma_wait3A_174 = tpu.memref_slice %arg9[%dma_wait3A_172, %dma_wait3A_173] : memref<10240x16xf32, #tpu.memory_space<vmem_shared>> -> memref<10240x16xf32, #tpu.memory_space<vmem_shared>>
      tpu.wait_indirect_dma semaphore(%arg11 : memref<!tpu.dma_semaphore, #tpu.memory_space<semaphore_mem>>) src(%arg7 : memref<128x16xf32, #tpu.memory_space<vmem>>) dst(%dma_wait3A_174 : memref<10240x16xf32, #tpu.memory_space<vmem_shared>>)
      %dma_start3A_175 = arith.constant 0 : i32
      %dma_start3A_176 = tpu.memref_slice %arg6[%add3A_166, %dma_start3A_175] : memref<80x128xi32, #tpu.memory_space<vmem>> -> memref<1x128xi32, #tpu.memory_space<vmem>>
      %dma_start3A_177 = tpu.memref_squeeze %dma_start3A_176 : memref<1x128xi32, #tpu.memory_space<vmem>> -> memref<128xi32, #tpu.memory_space<vmem>>
      %dma_start3A_178 = arith.constant 0 : i32
      %dma_start3A_179 = arith.constant 0 : i32
      %dma_start3A_180 = tpu.memref_slice %arg9[%dma_start3A_178, %dma_start3A_179] : memref<10240x16xf32, #tpu.memory_space<vmem_shared>> -> memref<10240x16xf32, #tpu.memory_space<vmem_shared>>
      tpu.enqueue_indirect_dma source(%arg7 : memref<128x16xf32, #tpu.memory_space<vmem>>) target(%dma_start3A_180 : memref<10240x16xf32, #tpu.memory_space<vmem_shared>>) offsets(%dma_start3A_177 : memref<128xi32, #tpu.memory_space<vmem>>) semaphore(%arg11 : memref<!tpu.dma_semaphore, #tpu.memory_space<semaphore_mem>>) {add = true}
      %mul3A_181 = arith.constant 8 : i32
      %mul3A_182 = arith.muli %scan3A_145, %mul3A_181 : i32
      %add3A_183 = arith.constant 2 : i32
      %add3A_184 = arith.addi %mul3A_182, %add3A_183 : i32
      %sub3A_185 = arith.constant 8 : i32
      %sub3A_186 = arith.subi %add3A_184, %sub3A_185 : i32
      %dma_wait3A_187 = arith.constant 0 : i32
      %dma_wait3A_188 = tpu.memref_slice %arg6[%sub3A_186, %dma_wait3A_187] : memref<80x128xi32, #tpu.memory_space<vmem>> -> memref<1x128xi32, #tpu.memory_space<vmem>>
      %dma_wait3A_189 = tpu.memref_squeeze %dma_wait3A_188 : memref<1x128xi32, #tpu.memory_space<vmem>> -> memref<128xi32, #tpu.memory_space<vmem>>
      %dma_wait3A_190 = arith.constant 0 : i32
      %dma_wait3A_191 = arith.constant 0 : i32
      %dma_wait3A_192 = tpu.memref_slice %arg9[%dma_wait3A_190, %dma_wait3A_191] : memref<10240x16xf32, #tpu.memory_space<vmem_shared>> -> memref<10240x16xf32, #tpu.memory_space<vmem_shared>>
      tpu.wait_indirect_dma semaphore(%arg12 : memref<!tpu.dma_semaphore, #tpu.memory_space<semaphore_mem>>) src(%arg7 : memref<128x16xf32, #tpu.memory_space<vmem>>) dst(%dma_wait3A_192 : memref<10240x16xf32, #tpu.memory_space<vmem_shared>>)
      %dma_start3A_193 = arith.constant 0 : i32
      %dma_start3A_194 = tpu.memref_slice %arg6[%add3A_184, %dma_start3A_193] : memref<80x128xi32, #tpu.memory_space<vmem>> -> memref<1x128xi32, #tpu.memory_space<vmem>>
      %dma_start3A_195 = tpu.memref_squeeze %dma_start3A_194 : memref<1x128xi32, #tpu.memory_space<vmem>> -> memref<128xi32, #tpu.memory_space<vmem>>
      %dma_start3A_196 = arith.constant 0 : i32
      %dma_start3A_197 = arith.constant 0 : i32
      %dma_start3A_198 = tpu.memref_slice %arg9[%dma_start3A_196, %dma_start3A_197] : memref<10240x16xf32, #tpu.memory_space<vmem_shared>> -> memref<10240x16xf32, #tpu.memory_space<vmem_shared>>
      tpu.enqueue_indirect_dma source(%arg7 : memref<128x16xf32, #tpu.memory_space<vmem>>) target(%dma_start3A_198 : memref<10240x16xf32, #tpu.memory_space<vmem_shared>>) offsets(%dma_start3A_195 : memref<128xi32, #tpu.memory_space<vmem>>) semaphore(%arg12 : memref<!tpu.dma_semaphore, #tpu.memory_space<semaphore_mem>>) {add = true}
      %mul3A_199 = arith.constant 8 : i32
      %mul3A_200 = arith.muli %scan3A_145, %mul3A_199 : i32
      %add3A_201 = arith.constant 3 : i32
      %add3A_202 = arith.addi %mul3A_200, %add3A_201 : i32
      %sub3A_203 = arith.constant 8 : i32
      %sub3A_204 = arith.subi %add3A_202, %sub3A_203 : i32
      %dma_wait3A_205 = arith.constant 0 : i32
      %dma_wait3A_206 = tpu.memref_slice %arg6[%sub3A_204, %dma_wait3A_205] : memref<80x128xi32, #tpu.memory_space<vmem>> -> memref<1x128xi32, #tpu.memory_space<vmem>>
      %dma_wait3A_207 = tpu.memref_squeeze %dma_wait3A_206 : memref<1x128xi32, #tpu.memory_space<vmem>> -> memref<128xi32, #tpu.memory_space<vmem>>
      %dma_wait3A_208 = arith.constant 0 : i32
      %dma_wait3A_209 = arith.constant 0 : i32
      %dma_wait3A_210 = tpu.memref_slice %arg9[%dma_wait3A_208, %dma_wait3A_209] : memref<10240x16xf32, #tpu.memory_space<vmem_shared>> -> memref<10240x16xf32, #tpu.memory_space<vmem_shared>>
      tpu.wait_indirect_dma semaphore(%arg13 : memref<!tpu.dma_semaphore, #tpu.memory_space<semaphore_mem>>) src(%arg7 : memref<128x16xf32, #tpu.memory_space<vmem>>) dst(%dma_wait3A_210 : memref<10240x16xf32, #tpu.memory_space<vmem_shared>>)
      %dma_start3A_211 = arith.constant 0 : i32
      %dma_start3A_212 = tpu.memref_slice %arg6[%add3A_202, %dma_start3A_211] : memref<80x128xi32, #tpu.memory_space<vmem>> -> memref<1x128xi32, #tpu.memory_space<vmem>>
      %dma_start3A_213 = tpu.memref_squeeze %dma_start3A_212 : memref<1x128xi32, #tpu.memory_space<vmem>> -> memref<128xi32, #tpu.memory_space<vmem>>
      %dma_start3A_214 = arith.constant 0 : i32
      %dma_start3A_215 = arith.constant 0 : i32
      %dma_start3A_216 = tpu.memref_slice %arg9[%dma_start3A_214, %dma_start3A_215] : memref<10240x16xf32, #tpu.memory_space<vmem_shared>> -> memref<10240x16xf32, #tpu.memory_space<vmem_shared>>
      tpu.enqueue_indirect_dma source(%arg7 : memref<128x16xf32, #tpu.memory_space<vmem>>) target(%dma_start3A_216 : memref<10240x16xf32, #tpu.memory_space<vmem_shared>>) offsets(%dma_start3A_213 : memref<128xi32, #tpu.memory_space<vmem>>) semaphore(%arg13 : memref<!tpu.dma_semaphore, #tpu.memory_space<semaphore_mem>>) {add = true}
      %mul3A_217 = arith.constant 8 : i32
      %mul3A_218 = arith.muli %scan3A_145, %mul3A_217 : i32
      %add3A_219 = arith.constant 4 : i32
      %add3A_220 = arith.addi %mul3A_218, %add3A_219 : i32
      %sub3A_221 = arith.constant 8 : i32
      %sub3A_222 = arith.subi %add3A_220, %sub3A_221 : i32
      %dma_wait3A_223 = arith.constant 0 : i32
      %dma_wait3A_224 = tpu.memref_slice %arg6[%sub3A_222, %dma_wait3A_223] : memref<80x128xi32, #tpu.memory_space<vmem>> -> memref<1x128xi32, #tpu.memory_space<vmem>>
      %dma_wait3A_225 = tpu.memref_squeeze %dma_wait3A_224 : memref<1x128xi32, #tpu.memory_space<vmem>> -> memref<128xi32, #tpu.memory_space<vmem>>
      %dma_wait3A_226 = arith.constant 0 : i32
      %dma_wait3A_227 = arith.constant 0 : i32
      %dma_wait3A_228 = tpu.memref_slice %arg9[%dma_wait3A_226, %dma_wait3A_227] : memref<10240x16xf32, #tpu.memory_space<vmem_shared>> -> memref<10240x16xf32, #tpu.memory_space<vmem_shared>>
      tpu.wait_indirect_dma semaphore(%arg14 : memref<!tpu.dma_semaphore, #tpu.memory_space<semaphore_mem>>) src(%arg7 : memref<128x16xf32, #tpu.memory_space<vmem>>) dst(%dma_wait3A_228 : memref<10240x16xf32, #tpu.memory_space<vmem_shared>>)
      %dma_start3A_229 = arith.constant 0 : i32
      %dma_start3A_230 = tpu.memref_slice %arg6[%add3A_220, %dma_start3A_229] : memref<80x128xi32, #tpu.memory_space<vmem>> -> memref<1x128xi32, #tpu.memory_space<vmem>>
      %dma_start3A_231 = tpu.memref_squeeze %dma_start3A_230 : memref<1x128xi32, #tpu.memory_space<vmem>> -> memref<128xi32, #tpu.memory_space<vmem>>
      %dma_start3A_232 = arith.constant 0 : i32
      %dma_start3A_233 = arith.constant 0 : i32
      %dma_start3A_234 = tpu.memref_slice %arg9[%dma_start3A_232, %dma_start3A_233] : memref<10240x16xf32, #tpu.memory_space<vmem_shared>> -> memref<10240x16xf32, #tpu.memory_space<vmem_shared>>
      tpu.enqueue_indirect_dma source(%arg7 : memref<128x16xf32, #tpu.memory_space<vmem>>) target(%dma_start3A_234 : memref<10240x16xf32, #tpu.memory_space<vmem_shared>>) offsets(%dma_start3A_231 : memref<128xi32, #tpu.memory_space<vmem>>) semaphore(%arg14 : memref<!tpu.dma_semaphore, #tpu.memory_space<semaphore_mem>>) {add = true}
      %mul3A_235 = arith.constant 8 : i32
      %mul3A_236 = arith.muli %scan3A_145, %mul3A_235 : i32
      %add3A_237 = arith.constant 5 : i32
      %add3A_238 = arith.addi %mul3A_236, %add3A_237 : i32
      %sub3A_239 = arith.constant 8 : i32
      %sub3A_240 = arith.subi %add3A_238, %sub3A_239 : i32
      %dma_wait3A_241 = arith.constant 0 : i32
      %dma_wait3A_242 = tpu.memref_slice %arg6[%sub3A_240, %dma_wait3A_241] : memref<80x128xi32, #tpu.memory_space<vmem>> -> memref<1x128xi32, #tpu.memory_space<vmem>>
      %dma_wait3A_243 = tpu.memref_squeeze %dma_wait3A_242 : memref<1x128xi32, #tpu.memory_space<vmem>> -> memref<128xi32, #tpu.memory_space<vmem>>
      %dma_wait3A_244 = arith.constant 0 : i32
      %dma_wait3A_245 = arith.constant 0 : i32
      %dma_wait3A_246 = tpu.memref_slice %arg9[%dma_wait3A_244, %dma_wait3A_245] : memref<10240x16xf32, #tpu.memory_space<vmem_shared>> -> memref<10240x16xf32, #tpu.memory_space<vmem_shared>>
      tpu.wait_indirect_dma semaphore(%arg15 : memref<!tpu.dma_semaphore, #tpu.memory_space<semaphore_mem>>) src(%arg7 : memref<128x16xf32, #tpu.memory_space<vmem>>) dst(%dma_wait3A_246 : memref<10240x16xf32, #tpu.memory_space<vmem_shared>>)
      %dma_start3A_247 = arith.constant 0 : i32
      %dma_start3A_248 = tpu.memref_slice %arg6[%add3A_238, %dma_start3A_247] : memref<80x128xi32, #tpu.memory_space<vmem>> -> memref<1x128xi32, #tpu.memory_space<vmem>>
      %dma_start3A_249 = tpu.memref_squeeze %dma_start3A_248 : memref<1x128xi32, #tpu.memory_space<vmem>> -> memref<128xi32, #tpu.memory_space<vmem>>
      %dma_start3A_250 = arith.constant 0 : i32
      %dma_start3A_251 = arith.constant 0 : i32
      %dma_start3A_252 = tpu.memref_slice %arg9[%dma_start3A_250, %dma_start3A_251] : memref<10240x16xf32, #tpu.memory_space<vmem_shared>> -> memref<10240x16xf32, #tpu.memory_space<vmem_shared>>
      tpu.enqueue_indirect_dma source(%arg7 : memref<128x16xf32, #tpu.memory_space<vmem>>) target(%dma_start3A_252 : memref<10240x16xf32, #tpu.memory_space<vmem_shared>>) offsets(%dma_start3A_249 : memref<128xi32, #tpu.memory_space<vmem>>) semaphore(%arg15 : memref<!tpu.dma_semaphore, #tpu.memory_space<semaphore_mem>>) {add = true}
      %mul3A_253 = arith.constant 8 : i32
      %mul3A_254 = arith.muli %scan3A_145, %mul3A_253 : i32
      %add3A_255 = arith.constant 6 : i32
      %add3A_256 = arith.addi %mul3A_254, %add3A_255 : i32
      %sub3A_257 = arith.constant 8 : i32
      %sub3A_258 = arith.subi %add3A_256, %sub3A_257 : i32
      %dma_wait3A_259 = arith.constant 0 : i32
      %dma_wait3A_260 = tpu.memref_slice %arg6[%sub3A_258, %dma_wait3A_259] : memref<80x128xi32, #tpu.memory_space<vmem>> -> memref<1x128xi32, #tpu.memory_space<vmem>>
      %dma_wait3A_261 = tpu.memref_squeeze %dma_wait3A_260 : memref<1x128xi32, #tpu.memory_space<vmem>> -> memref<128xi32, #tpu.memory_space<vmem>>
      %dma_wait3A_262 = arith.constant 0 : i32
      %dma_wait3A_263 = arith.constant 0 : i32
      %dma_wait3A_264 = tpu.memref_slice %arg9[%dma_wait3A_262, %dma_wait3A_263] : memref<10240x16xf32, #tpu.memory_space<vmem_shared>> -> memref<10240x16xf32, #tpu.memory_space<vmem_shared>>
      tpu.wait_indirect_dma semaphore(%arg16 : memref<!tpu.dma_semaphore, #tpu.memory_space<semaphore_mem>>) src(%arg7 : memref<128x16xf32, #tpu.memory_space<vmem>>) dst(%dma_wait3A_264 : memref<10240x16xf32, #tpu.memory_space<vmem_shared>>)
      %dma_start3A_265 = arith.constant 0 : i32
      %dma_start3A_266 = tpu.memref_slice %arg6[%add3A_256, %dma_start3A_265] : memref<80x128xi32, #tpu.memory_space<vmem>> -> memref<1x128xi32, #tpu.memory_space<vmem>>
      %dma_start3A_267 = tpu.memref_squeeze %dma_start3A_266 : memref<1x128xi32, #tpu.memory_space<vmem>> -> memref<128xi32, #tpu.memory_space<vmem>>
      %dma_start3A_268 = arith.constant 0 : i32
      %dma_start3A_269 = arith.constant 0 : i32
      %dma_start3A_270 = tpu.memref_slice %arg9[%dma_start3A_268, %dma_start3A_269] : memref<10240x16xf32, #tpu.memory_space<vmem_shared>> -> memref<10240x16xf32, #tpu.memory_space<vmem_shared>>
      tpu.enqueue_indirect_dma source(%arg7 : memref<128x16xf32, #tpu.memory_space<vmem>>) target(%dma_start3A_270 : memref<10240x16xf32, #tpu.memory_space<vmem_shared>>) offsets(%dma_start3A_267 : memref<128xi32, #tpu.memory_space<vmem>>) semaphore(%arg16 : memref<!tpu.dma_semaphore, #tpu.memory_space<semaphore_mem>>) {add = true}
      %mul3A_271 = arith.constant 8 : i32
      %mul3A_272 = arith.muli %scan3A_145, %mul3A_271 : i32
      %add3A_273 = arith.constant 7 : i32
      %add3A_274 = arith.addi %mul3A_272, %add3A_273 : i32
      %sub3A_275 = arith.constant 8 : i32
      %sub3A_276 = arith.subi %add3A_274, %sub3A_275 : i32
      %dma_wait3A_277 = arith.constant 0 : i32
      %dma_wait3A_278 = tpu.memref_slice %arg6[%sub3A_276, %dma_wait3A_277] : memref<80x128xi32, #tpu.memory_space<vmem>> -> memref<1x128xi32, #tpu.memory_space<vmem>>
      %dma_wait3A_279 = tpu.memref_squeeze %dma_wait3A_278 : memref<1x128xi32, #tpu.memory_space<vmem>> -> memref<128xi32, #tpu.memory_space<vmem>>
      %dma_wait3A_280 = arith.constant 0 : i32
      %dma_wait3A_281 = arith.constant 0 : i32
      %dma_wait3A_282 = tpu.memref_slice %arg9[%dma_wait3A_280, %dma_wait3A_281] : memref<10240x16xf32, #tpu.memory_space<vmem_shared>> -> memref<10240x16xf32, #tpu.memory_space<vmem_shared>>
      tpu.wait_indirect_dma semaphore(%arg17 : memref<!tpu.dma_semaphore, #tpu.memory_space<semaphore_mem>>) src(%arg7 : memref<128x16xf32, #tpu.memory_space<vmem>>) dst(%dma_wait3A_282 : memref<10240x16xf32, #tpu.memory_space<vmem_shared>>)
      %dma_start3A_283 = arith.constant 0 : i32
      %dma_start3A_284 = tpu.memref_slice %arg6[%add3A_274, %dma_start3A_283] : memref<80x128xi32, #tpu.memory_space<vmem>> -> memref<1x128xi32, #tpu.memory_space<vmem>>
      %dma_start3A_285 = tpu.memref_squeeze %dma_start3A_284 : memref<1x128xi32, #tpu.memory_space<vmem>> -> memref<128xi32, #tpu.memory_space<vmem>>
      %dma_start3A_286 = arith.constant 0 : i32
      %dma_start3A_287 = arith.constant 0 : i32
      %dma_start3A_288 = tpu.memref_slice %arg9[%dma_start3A_286, %dma_start3A_287] : memref<10240x16xf32, #tpu.memory_space<vmem_shared>> -> memref<10240x16xf32, #tpu.memory_space<vmem_shared>>
      tpu.enqueue_indirect_dma source(%arg7 : memref<128x16xf32, #tpu.memory_space<vmem>>) target(%dma_start3A_288 : memref<10240x16xf32, #tpu.memory_space<vmem_shared>>) offsets(%dma_start3A_285 : memref<128xi32, #tpu.memory_space<vmem>>) semaphore(%arg17 : memref<!tpu.dma_semaphore, #tpu.memory_space<semaphore_mem>>) {add = true}
    }
    %scan3A_87 = arith.constant 9 : i32
    %dma_wait3A_88 = arith.constant 72 : i32
    %dma_wait3A_89 = arith.constant 0 : i32
    %dma_wait3A_90 = tpu.memref_slice %arg6[%dma_wait3A_88, %dma_wait3A_89] : memref<80x128xi32, #tpu.memory_space<vmem>> -> memref<1x128xi32, #tpu.memory_space<vmem>>
    %dma_wait3A_91 = tpu.memref_squeeze %dma_wait3A_90 : memref<1x128xi32, #tpu.memory_space<vmem>> -> memref<128xi32, #tpu.memory_space<vmem>>
    %dma_wait3A_92 = arith.constant 0 : i32
    %dma_wait3A_93 = arith.constant 0 : i32
    %dma_wait3A_94 = tpu.memref_slice %arg9[%dma_wait3A_92, %dma_wait3A_93] : memref<10240x16xf32, #tpu.memory_space<vmem_shared>> -> memref<10240x16xf32, #tpu.memory_space<vmem_shared>>
    tpu.wait_indirect_dma semaphore(%arg10 : memref<!tpu.dma_semaphore, #tpu.memory_space<semaphore_mem>>) src(%arg7 : memref<128x16xf32, #tpu.memory_space<vmem>>) dst(%dma_wait3A_94 : memref<10240x16xf32, #tpu.memory_space<vmem_shared>>)
    %dma_wait3A_95 = arith.constant 73 : i32
    %dma_wait3A_96 = arith.constant 0 : i32
    %dma_wait3A_97 = tpu.memref_slice %arg6[%dma_wait3A_95, %dma_wait3A_96] : memref<80x128xi32, #tpu.memory_space<vmem>> -> memref<1x128xi32, #tpu.memory_space<vmem>>
    %dma_wait3A_98 = tpu.memref_squeeze %dma_wait3A_97 : memref<1x128xi32, #tpu.memory_space<vmem>> -> memref<128xi32, #tpu.memory_space<vmem>>
    %dma_wait3A_99 = arith.constant 0 : i32
    %dma_wait3A_100 = arith.constant 0 : i32
    %dma_wait3A_101 = tpu.memref_slice %arg9[%dma_wait3A_99, %dma_wait3A_100] : memref<10240x16xf32, #tpu.memory_space<vmem_shared>> -> memref<10240x16xf32, #tpu.memory_space<vmem_shared>>
    tpu.wait_indirect_dma semaphore(%arg11 : memref<!tpu.dma_semaphore, #tpu.memory_space<semaphore_mem>>) src(%arg7 : memref<128x16xf32, #tpu.memory_space<vmem>>) dst(%dma_wait3A_101 : memref<10240x16xf32, #tpu.memory_space<vmem_shared>>)
    %dma_wait3A_102 = arith.constant 74 : i32
    %dma_wait3A_103 = arith.constant 0 : i32
    %dma_wait3A_104 = tpu.memref_slice %arg6[%dma_wait3A_102, %dma_wait3A_103] : memref<80x128xi32, #tpu.memory_space<vmem>> -> memref<1x128xi32, #tpu.memory_space<vmem>>
    %dma_wait3A_105 = tpu.memref_squeeze %dma_wait3A_104 : memref<1x128xi32, #tpu.memory_space<vmem>> -> memref<128xi32, #tpu.memory_space<vmem>>
    %dma_wait3A_106 = arith.constant 0 : i32
    %dma_wait3A_107 = arith.constant 0 : i32
    %dma_wait3A_108 = tpu.memref_slice %arg9[%dma_wait3A_106, %dma_wait3A_107] : memref<10240x16xf32, #tpu.memory_space<vmem_shared>> -> memref<10240x16xf32, #tpu.memory_space<vmem_shared>>
    tpu.wait_indirect_dma semaphore(%arg12 : memref<!tpu.dma_semaphore, #tpu.memory_space<semaphore_mem>>) src(%arg7 : memref<128x16xf32, #tpu.memory_space<vmem>>) dst(%dma_wait3A_108 : memref<10240x16xf32, #tpu.memory_space<vmem_shared>>)
    %dma_wait3A_109 = arith.constant 75 : i32
    %dma_wait3A_110 = arith.constant 0 : i32
    %dma_wait3A_111 = tpu.memref_slice %arg6[%dma_wait3A_109, %dma_wait3A_110] : memref<80x128xi32, #tpu.memory_space<vmem>> -> memref<1x128xi32, #tpu.memory_space<vmem>>
    %dma_wait3A_112 = tpu.memref_squeeze %dma_wait3A_111 : memref<1x128xi32, #tpu.memory_space<vmem>> -> memref<128xi32, #tpu.memory_space<vmem>>
    %dma_wait3A_113 = arith.constant 0 : i32
    %dma_wait3A_114 = arith.constant 0 : i32
    %dma_wait3A_115 = tpu.memref_slice %arg9[%dma_wait3A_113, %dma_wait3A_114] : memref<10240x16xf32, #tpu.memory_space<vmem_shared>> -> memref<10240x16xf32, #tpu.memory_space<vmem_shared>>
    tpu.wait_indirect_dma semaphore(%arg13 : memref<!tpu.dma_semaphore, #tpu.memory_space<semaphore_mem>>) src(%arg7 : memref<128x16xf32, #tpu.memory_space<vmem>>) dst(%dma_wait3A_115 : memref<10240x16xf32, #tpu.memory_space<vmem_shared>>)
    %dma_wait3A_116 = arith.constant 76 : i32
    %dma_wait3A_117 = arith.constant 0 : i32
    %dma_wait3A_118 = tpu.memref_slice %arg6[%dma_wait3A_116, %dma_wait3A_117] : memref<80x128xi32, #tpu.memory_space<vmem>> -> memref<1x128xi32, #tpu.memory_space<vmem>>
    %dma_wait3A_119 = tpu.memref_squeeze %dma_wait3A_118 : memref<1x128xi32, #tpu.memory_space<vmem>> -> memref<128xi32, #tpu.memory_space<vmem>>
    %dma_wait3A_120 = arith.constant 0 : i32
    %dma_wait3A_121 = arith.constant 0 : i32
    %dma_wait3A_122 = tpu.memref_slice %arg9[%dma_wait3A_120, %dma_wait3A_121] : memref<10240x16xf32, #tpu.memory_space<vmem_shared>> -> memref<10240x16xf32, #tpu.memory_space<vmem_shared>>
    tpu.wait_indirect_dma semaphore(%arg14 : memref<!tpu.dma_semaphore, #tpu.memory_space<semaphore_mem>>) src(%arg7 : memref<128x16xf32, #tpu.memory_space<vmem>>) dst(%dma_wait3A_122 : memref<10240x16xf32, #tpu.memory_space<vmem_shared>>)
    %dma_wait3A_123 = arith.constant 77 : i32
    %dma_wait3A_124 = arith.constant 0 : i32
    %dma_wait3A_125 = tpu.memref_slice %arg6[%dma_wait3A_123, %dma_wait3A_124] : memref<80x128xi32, #tpu.memory_space<vmem>> -> memref<1x128xi32, #tpu.memory_space<vmem>>
    %dma_wait3A_126 = tpu.memref_squeeze %dma_wait3A_125 : memref<1x128xi32, #tpu.memory_space<vmem>> -> memref<128xi32, #tpu.memory_space<vmem>>
    %dma_wait3A_127 = arith.constant 0 : i32
    %dma_wait3A_128 = arith.constant 0 : i32
    %dma_wait3A_129 = tpu.memref_slice %arg9[%dma_wait3A_127, %dma_wait3A_128] : memref<10240x16xf32, #tpu.memory_space<vmem_shared>> -> memref<10240x16xf32, #tpu.memory_space<vmem_shared>>
    tpu.wait_indirect_dma semaphore(%arg15 : memref<!tpu.dma_semaphore, #tpu.memory_space<semaphore_mem>>) src(%arg7 : memref<128x16xf32, #tpu.memory_space<vmem>>) dst(%dma_wait3A_129 : memref<10240x16xf32, #tpu.memory_space<vmem_shared>>)
    %dma_wait3A_130 = arith.constant 78 : i32
    %dma_wait3A_131 = arith.constant 0 : i32
    %dma_wait3A_132 = tpu.memref_slice %arg6[%dma_wait3A_130, %dma_wait3A_131] : memref<80x128xi32, #tpu.memory_space<vmem>> -> memref<1x128xi32, #tpu.memory_space<vmem>>
    %dma_wait3A_133 = tpu.memref_squeeze %dma_wait3A_132 : memref<1x128xi32, #tpu.memory_space<vmem>> -> memref<128xi32, #tpu.memory_space<vmem>>
    %dma_wait3A_134 = arith.constant 0 : i32
    %dma_wait3A_135 = arith.constant 0 : i32
    %dma_wait3A_136 = tpu.memref_slice %arg9[%dma_wait3A_134, %dma_wait3A_135] : memref<10240x16xf32, #tpu.memory_space<vmem_shared>> -> memref<10240x16xf32, #tpu.memory_space<vmem_shared>>
    tpu.wait_indirect_dma semaphore(%arg16 : memref<!tpu.dma_semaphore, #tpu.memory_space<semaphore_mem>>) src(%arg7 : memref<128x16xf32, #tpu.memory_space<vmem>>) dst(%dma_wait3A_136 : memref<10240x16xf32, #tpu.memory_space<vmem_shared>>)
    %dma_wait3A_137 = arith.constant 79 : i32
    %dma_wait3A_138 = arith.constant 0 : i32
    %dma_wait3A_139 = tpu.memref_slice %arg6[%dma_wait3A_137, %dma_wait3A_138] : memref<80x128xi32, #tpu.memory_space<vmem>> -> memref<1x128xi32, #tpu.memory_space<vmem>>
    %dma_wait3A_140 = tpu.memref_squeeze %dma_wait3A_139 : memref<1x128xi32, #tpu.memory_space<vmem>> -> memref<128xi32, #tpu.memory_space<vmem>>
    %dma_wait3A_141 = arith.constant 0 : i32
    %dma_wait3A_142 = arith.constant 0 : i32
    %dma_wait3A_143 = tpu.memref_slice %arg9[%dma_wait3A_141, %dma_wait3A_142] : memref<10240x16xf32, #tpu.memory_space<vmem_shared>> -> memref<10240x16xf32, #tpu.memory_space<vmem_shared>>
    tpu.wait_indirect_dma semaphore(%arg17 : memref<!tpu.dma_semaphore, #tpu.memory_space<semaphore_mem>>) src(%arg7 : memref<128x16xf32, #tpu.memory_space<vmem>>) dst(%dma_wait3A_143 : memref<10240x16xf32, #tpu.memory_space<vmem_shared>>)
    %barrier3A_144 = arith.constant 0 : index
    tpu.barrier barrier_id(%barrier3A_144)
    "tpu.region"() ({
      %run_scoped3A = tpu.sem_alloc : memref<!tpu.dma_semaphore, #tpu.memory_space<semaphore_mem>>
      %dma_start3A_145 = arith.constant 0 : i32
      %dma_start3A_146 = tpu.memref_slice %arg5[%arg0, %mul3A_2, %dma_start3A_145] : memref<2x10240x16xf32, #tpu.memory_space<hbm>> -> memref<1x640x16xf32, #tpu.memory_space<hbm>>
      %dma_start3A_147 = tpu.memref_squeeze %dma_start3A_146 : memref<1x640x16xf32, #tpu.memory_space<hbm>> -> memref<640x16xf32, #tpu.memory_space<hbm>>
      %dma_start3A_148 = arith.constant 0 : i32
      %dma_start3A_149 = tpu.memref_slice %arg9[%mul3A_2, %dma_start3A_148] : memref<10240x16xf32, #tpu.memory_space<vmem_shared>> -> memref<640x16xf32, #tpu.memory_space<vmem_shared>>
      tpu.enqueue_dma source(%dma_start3A_149 : memref<640x16xf32, #tpu.memory_space<vmem_shared>>) target(%dma_start3A_147 : memref<640x16xf32, #tpu.memory_space<hbm>>) target_semaphore(%run_scoped3A : memref<!tpu.dma_semaphore, #tpu.memory_space<semaphore_mem>>)
      %dma_wait3A_150 = arith.constant 0 : i32
      %dma_wait3A_151 = tpu.memref_slice %arg5[%arg0, %mul3A_2, %dma_wait3A_150] : memref<2x10240x16xf32, #tpu.memory_space<hbm>> -> memref<1x640x16xf32, #tpu.memory_space<hbm>>
      %dma_wait3A_152 = tpu.memref_squeeze %dma_wait3A_151 : memref<1x640x16xf32, #tpu.memory_space<hbm>> -> memref<640x16xf32, #tpu.memory_space<hbm>>
      %dma_wait3A_153 = arith.constant 0 : i32
      %dma_wait3A_154 = tpu.memref_slice %arg9[%mul3A_2, %dma_wait3A_153] : memref<10240x16xf32, #tpu.memory_space<vmem_shared>> -> memref<640x16xf32, #tpu.memory_space<vmem_shared>>
      tpu.wait_dma2 semaphore(%run_scoped3A : memref<!tpu.dma_semaphore, #tpu.memory_space<semaphore_mem>>) src(%dma_wait3A_154 : memref<640x16xf32, #tpu.memory_space<vmem_shared>>) dst(%dma_wait3A_152 : memref<640x16xf32, #tpu.memory_space<hbm>>)
      tpu.yield
    }) : () -> ()
    return
  }
}

#map = affine_map<(d0, d1) -> (0, 0)>
#map1 = affine_map<(d0, d1) -> (0, 0, 0, 0)>
#map2 = affine_map<(d0, d1) -> (0, 0, 0)>
module attributes {stable_mosaic.version = 14 : i64} {
  func.func @_sc_scatter_rows(%arg0: i32, %arg1: i32, %arg2: memref<10000x16xf32, #tpu.memory_space<hbm>>, %arg3: memref<2x32x80x128xi32, #tpu.memory_space<hbm>>, %arg4: memref<10240x16xf32, #tpu.memory_space<hbm>>, %arg5: memref<2x10240x16xf32, #tpu.memory_space<hbm>>, %arg6: memref<80x128xi32, #tpu.memory_space<vmem>>, %arg7: memref<80x128xi32, #tpu.memory_space<vmem>>, %arg8: memref<128x16xf32, #tpu.memory_space<vmem>>, %arg9: memref<128x16xf32, #tpu.memory_space<vmem>>, %arg10: memref<128x16xf32, #tpu.memory_space<vmem>>, %arg11: memref<128x16xf32, #tpu.memory_space<vmem>>, %arg12: memref<128x16xf32, #tpu.memory_space<vmem>>, %arg13: memref<128x16xf32, #tpu.memory_space<vmem>>, %arg14: memref<128x16xf32, #tpu.memory_space<vmem>>, %arg15: memref<128x16xf32, #tpu.memory_space<vmem>>, %arg16: memref<640x16xf32, #tpu.memory_space<vmem>>, %arg17: memref<10240x16xf32, #tpu.memory_space<vmem_shared>>, %arg18: memref<10240x16xf32, #tpu.memory_space<vmem_shared>>, %arg19: memref<!tpu.dma_semaphore, #tpu.memory_space<semaphore_mem>>, %arg20: memref<!tpu.dma_semaphore, #tpu.memory_space<semaphore_mem>>, %arg21: memref<!tpu.dma_semaphore, #tpu.memory_space<semaphore_mem>>, %arg22: memref<!tpu.dma_semaphore, #tpu.memory_space<semaphore_mem>>, %arg23: memref<!tpu.dma_semaphore, #tpu.memory_space<semaphore_mem>>, %arg24: memref<!tpu.dma_semaphore, #tpu.memory_space<semaphore_mem>>, %arg25: memref<!tpu.dma_semaphore, #tpu.memory_space<semaphore_mem>>, %arg26: memref<!tpu.dma_semaphore, #tpu.memory_space<semaphore_mem>>, %arg27: memref<!tpu.dma_semaphore, #tpu.memory_space<semaphore_mem>>, %arg28: memref<!tpu.dma_semaphore, #tpu.memory_space<semaphore_mem>>, %arg29: memref<!tpu.dma_semaphore, #tpu.memory_space<semaphore_mem>>, %arg30: memref<!tpu.dma_semaphore, #tpu.memory_space<semaphore_mem>>, %arg31: memref<!tpu.dma_semaphore, #tpu.memory_space<semaphore_mem>>, %arg32: memref<!tpu.dma_semaphore, #tpu.memory_space<semaphore_mem>>, %arg33: memref<!tpu.dma_semaphore, #tpu.memory_space<semaphore_mem>>, %arg34: memref<!tpu.dma_semaphore, #tpu.memory_space<semaphore_mem>>) attributes {dimension_semantics = [#tpu.dimension_semantics<core_parallel>, #tpu.dimension_semantics<subcore_parallel>], iteration_bounds = array<i64: 2, 16>, scalar_prefetch = 0 : i64, scratch_operands = 29 : i64, tpu.core_type = #tpu.core_type<sc_vector_subcore>, window_params = [{transform_indices = #map}, {transform_indices = #map1}, {transform_indices = #map}, {transform_indices = #map2}]} {
    %mul3A = arith.constant 16 : i32
    %mul3A_0 = arith.muli %arg0, %mul3A : i32
    %add3A = arith.addi %mul3A_0, %arg1 : i32
    %mul3A_1 = arith.constant 640 : i32
    %mul3A_2 = arith.muli %arg1, %mul3A_1 : i32
    %mul3A_3 = arith.constant 625 : i32
    %mul3A_4 = arith.muli %arg1, %mul3A_3 : i32
    %dma_start3A = arith.constant 0 : i32
    %dma_start3A_5 = tpu.memref_slice %arg4[%mul3A_2, %dma_start3A] : memref<10240x16xf32, #tpu.memory_space<hbm>> -> memref<640x16xf32, #tpu.memory_space<hbm>>
    %dma_start3A_6 = arith.constant 0 : i32
    %dma_start3A_7 = tpu.memref_slice %arg4[%mul3A_2, %dma_start3A_6] : memref<10240x16xf32, #tpu.memory_space<hbm>> -> memref<640x16xf32, #tpu.memory_space<hbm>>
    tpu.enqueue_dma source(%dma_start3A_7 : memref<640x16xf32, #tpu.memory_space<hbm>>) target(%arg16 : memref<640x16xf32, #tpu.memory_space<vmem>>) target_semaphore(%arg19 : memref<!tpu.dma_semaphore, #tpu.memory_space<semaphore_mem>>)
    %dma_start3A_8 = arith.constant 0 : i32
    %dma_start3A_9 = arith.constant 0 : i32
    %dma_start3A_10 = arith.constant 0 : i32
    %dma_start3A_11 = tpu.memref_slice %arg3[%dma_start3A_8, %add3A, %dma_start3A_9, %dma_start3A_10] : memref<2x32x80x128xi32, #tpu.memory_space<hbm>> -> memref<1x1x80x128xi32, #tpu.memory_space<hbm>>
    %dma_start3A_12 = tpu.memref_squeeze %dma_start3A_11 : memref<1x1x80x128xi32, #tpu.memory_space<hbm>> -> memref<80x128xi32, #tpu.memory_space<hbm>>
    %dma_start3A_13 = arith.constant 0 : i32
    %dma_start3A_14 = arith.constant 0 : i32
    %dma_start3A_15 = tpu.memref_slice %arg3[%dma_start3A_8, %add3A, %dma_start3A_13, %dma_start3A_14] : memref<2x32x80x128xi32, #tpu.memory_space<hbm>> -> memref<1x1x80x128xi32, #tpu.memory_space<hbm>>
    %dma_start3A_16 = tpu.memref_squeeze %dma_start3A_15 : memref<1x1x80x128xi32, #tpu.memory_space<hbm>> -> memref<80x128xi32, #tpu.memory_space<hbm>>
    tpu.enqueue_dma source(%dma_start3A_16 : memref<80x128xi32, #tpu.memory_space<hbm>>) target(%arg6 : memref<80x128xi32, #tpu.memory_space<vmem>>) target_semaphore(%arg20 : memref<!tpu.dma_semaphore, #tpu.memory_space<semaphore_mem>>)
    %dma_start3A_17 = arith.constant 1 : i32
    %dma_start3A_18 = arith.constant 0 : i32
    %dma_start3A_19 = arith.constant 0 : i32
    %dma_start3A_20 = tpu.memref_slice %arg3[%dma_start3A_17, %add3A, %dma_start3A_18, %dma_start3A_19] : memref<2x32x80x128xi32, #tpu.memory_space<hbm>> -> memref<1x1x80x128xi32, #tpu.memory_space<hbm>>
    %dma_start3A_21 = tpu.memref_squeeze %dma_start3A_20 : memref<1x1x80x128xi32, #tpu.memory_space<hbm>> -> memref<80x128xi32, #tpu.memory_space<hbm>>
    %dma_start3A_22 = arith.constant 0 : i32
    %dma_start3A_23 = arith.constant 0 : i32
    %dma_start3A_24 = tpu.memref_slice %arg3[%dma_start3A_17, %add3A, %dma_start3A_22, %dma_start3A_23] : memref<2x32x80x128xi32, #tpu.memory_space<hbm>> -> memref<1x1x80x128xi32, #tpu.memory_space<hbm>>
    %dma_start3A_25 = tpu.memref_squeeze %dma_start3A_24 : memref<1x1x80x128xi32, #tpu.memory_space<hbm>> -> memref<80x128xi32, #tpu.memory_space<hbm>>
    tpu.enqueue_dma source(%dma_start3A_25 : memref<80x128xi32, #tpu.memory_space<hbm>>) target(%arg7 : memref<80x128xi32, #tpu.memory_space<vmem>>) target_semaphore(%arg21 : memref<!tpu.dma_semaphore, #tpu.memory_space<semaphore_mem>>)
    %dma_start3A_26 = arith.constant 0 : i32
    %dma_start3A_27 = tpu.memref_slice %arg18[%mul3A_4, %dma_start3A_26] : memref<10240x16xf32, #tpu.memory_space<vmem_shared>> -> memref<625x16xf32, #tpu.memory_space<vmem_shared>>
    %dma_start3A_28 = arith.constant 0 : i32
    %dma_start3A_29 = tpu.memref_slice %arg2[%mul3A_4, %dma_start3A_28] : memref<10000x16xf32, #tpu.memory_space<hbm>> -> memref<625x16xf32, #tpu.memory_space<hbm>>
    tpu.enqueue_dma source(%dma_start3A_29 : memref<625x16xf32, #tpu.memory_space<hbm>>) target(%dma_start3A_27 : memref<625x16xf32, #tpu.memory_space<vmem_shared>>) target_semaphore(%arg22 : memref<!tpu.dma_semaphore, #tpu.memory_space<semaphore_mem>>)
    %dma_wait3A = arith.constant 0 : i32
    %dma_wait3A_30 = tpu.memref_slice %arg4[%mul3A_2, %dma_wait3A] : memref<10240x16xf32, #tpu.memory_space<hbm>> -> memref<640x16xf32, #tpu.memory_space<hbm>>
    %dma_wait3A_31 = arith.constant 0 : i32
    %dma_wait3A_32 = tpu.memref_slice %arg4[%mul3A_2, %dma_wait3A_31] : memref<10240x16xf32, #tpu.memory_space<hbm>> -> memref<640x16xf32, #tpu.memory_space<hbm>>
    tpu.wait_dma2 semaphore(%arg19 : memref<!tpu.dma_semaphore, #tpu.memory_space<semaphore_mem>>) src(%dma_wait3A_32 : memref<640x16xf32, #tpu.memory_space<hbm>>) dst(%arg16 : memref<640x16xf32, #tpu.memory_space<vmem>>)
    "tpu.region"() ({
      %run_scoped3A = tpu.sem_alloc : memref<!tpu.dma_semaphore, #tpu.memory_space<semaphore_mem>>
      %dma_start3A_117 = arith.constant 0 : i32
      %dma_start3A_118 = tpu.memref_slice %arg17[%mul3A_2, %dma_start3A_117] : memref<10240x16xf32, #tpu.memory_space<vmem_shared>> -> memref<640x16xf32, #tpu.memory_space<vmem_shared>>
      %dma_start3A_119 = arith.constant 0 : i32
      %dma_start3A_120 = tpu.memref_slice %arg17[%mul3A_2, %dma_start3A_119] : memref<10240x16xf32, #tpu.memory_space<vmem_shared>> -> memref<640x16xf32, #tpu.memory_space<vmem_shared>>
      tpu.enqueue_dma source(%arg16 : memref<640x16xf32, #tpu.memory_space<vmem>>) target(%dma_start3A_120 : memref<640x16xf32, #tpu.memory_space<vmem_shared>>) target_semaphore(%run_scoped3A : memref<!tpu.dma_semaphore, #tpu.memory_space<semaphore_mem>>)
      %dma_wait3A_121 = arith.constant 0 : i32
      %dma_wait3A_122 = tpu.memref_slice %arg17[%mul3A_2, %dma_wait3A_121] : memref<10240x16xf32, #tpu.memory_space<vmem_shared>> -> memref<640x16xf32, #tpu.memory_space<vmem_shared>>
      %dma_wait3A_123 = arith.constant 0 : i32
      %dma_wait3A_124 = tpu.memref_slice %arg17[%mul3A_2, %dma_wait3A_123] : memref<10240x16xf32, #tpu.memory_space<vmem_shared>> -> memref<640x16xf32, #tpu.memory_space<vmem_shared>>
      tpu.wait_dma2 semaphore(%run_scoped3A : memref<!tpu.dma_semaphore, #tpu.memory_space<semaphore_mem>>) src(%arg16 : memref<640x16xf32, #tpu.memory_space<vmem>>) dst(%dma_wait3A_124 : memref<640x16xf32, #tpu.memory_space<vmem_shared>>)
      tpu.yield
    }) : () -> ()
    %dma_wait3A_33 = arith.constant 0 : i32
    %dma_wait3A_34 = arith.constant 0 : i32
    %dma_wait3A_35 = arith.constant 0 : i32
    %dma_wait3A_36 = tpu.memref_slice %arg3[%dma_wait3A_33, %add3A, %dma_wait3A_34, %dma_wait3A_35] : memref<2x32x80x128xi32, #tpu.memory_space<hbm>> -> memref<1x1x80x128xi32, #tpu.memory_space<hbm>>
    %dma_wait3A_37 = tpu.memref_squeeze %dma_wait3A_36 : memref<1x1x80x128xi32, #tpu.memory_space<hbm>> -> memref<80x128xi32, #tpu.memory_space<hbm>>
    %dma_wait3A_38 = arith.constant 0 : i32
    %dma_wait3A_39 = arith.constant 0 : i32
    %dma_wait3A_40 = tpu.memref_slice %arg3[%dma_wait3A_33, %add3A, %dma_wait3A_38, %dma_wait3A_39] : memref<2x32x80x128xi32, #tpu.memory_space<hbm>> -> memref<1x1x80x128xi32, #tpu.memory_space<hbm>>
    %dma_wait3A_41 = tpu.memref_squeeze %dma_wait3A_40 : memref<1x1x80x128xi32, #tpu.memory_space<hbm>> -> memref<80x128xi32, #tpu.memory_space<hbm>>
    tpu.wait_dma2 semaphore(%arg20 : memref<!tpu.dma_semaphore, #tpu.memory_space<semaphore_mem>>) src(%dma_wait3A_41 : memref<80x128xi32, #tpu.memory_space<hbm>>) dst(%arg6 : memref<80x128xi32, #tpu.memory_space<vmem>>)
    %dma_wait3A_42 = arith.constant 1 : i32
    %dma_wait3A_43 = arith.constant 0 : i32
    %dma_wait3A_44 = arith.constant 0 : i32
    %dma_wait3A_45 = tpu.memref_slice %arg3[%dma_wait3A_42, %add3A, %dma_wait3A_43, %dma_wait3A_44] : memref<2x32x80x128xi32, #tpu.memory_space<hbm>> -> memref<1x1x80x128xi32, #tpu.memory_space<hbm>>
    %dma_wait3A_46 = tpu.memref_squeeze %dma_wait3A_45 : memref<1x1x80x128xi32, #tpu.memory_space<hbm>> -> memref<80x128xi32, #tpu.memory_space<hbm>>
    %dma_wait3A_47 = arith.constant 0 : i32
    %dma_wait3A_48 = arith.constant 0 : i32
    %dma_wait3A_49 = tpu.memref_slice %arg3[%dma_wait3A_42, %add3A, %dma_wait3A_47, %dma_wait3A_48] : memref<2x32x80x128xi32, #tpu.memory_space<hbm>> -> memref<1x1x80x128xi32, #tpu.memory_space<hbm>>
    %dma_wait3A_50 = tpu.memref_squeeze %dma_wait3A_49 : memref<1x1x80x128xi32, #tpu.memory_space<hbm>> -> memref<80x128xi32, #tpu.memory_space<hbm>>
    tpu.wait_dma2 semaphore(%arg21 : memref<!tpu.dma_semaphore, #tpu.memory_space<semaphore_mem>>) src(%dma_wait3A_50 : memref<80x128xi32, #tpu.memory_space<hbm>>) dst(%arg7 : memref<80x128xi32, #tpu.memory_space<vmem>>)
    %dma_wait3A_51 = arith.constant 0 : i32
    %dma_wait3A_52 = tpu.memref_slice %arg18[%mul3A_4, %dma_wait3A_51] : memref<10240x16xf32, #tpu.memory_space<vmem_shared>> -> memref<625x16xf32, #tpu.memory_space<vmem_shared>>
    %dma_wait3A_53 = arith.constant 0 : i32
    %dma_wait3A_54 = tpu.memref_slice %arg2[%mul3A_4, %dma_wait3A_53] : memref<10000x16xf32, #tpu.memory_space<hbm>> -> memref<625x16xf32, #tpu.memory_space<hbm>>
    tpu.wait_dma2 semaphore(%arg22 : memref<!tpu.dma_semaphore, #tpu.memory_space<semaphore_mem>>) src(%dma_wait3A_54 : memref<625x16xf32, #tpu.memory_space<hbm>>) dst(%dma_wait3A_52 : memref<625x16xf32, #tpu.memory_space<vmem_shared>>)
    %barrier3A = arith.constant 0 : index
    tpu.barrier barrier_id(%barrier3A)
    %dma_start3A_55 = arith.constant 0 : i32
    %dma_start3A_56 = arith.constant 0 : i32
    %dma_start3A_57 = tpu.memref_slice %arg6[%dma_start3A_55, %dma_start3A_56] : memref<80x128xi32, #tpu.memory_space<vmem>> -> memref<1x128xi32, #tpu.memory_space<vmem>>
    %dma_start3A_58 = tpu.memref_squeeze %dma_start3A_57 : memref<1x128xi32, #tpu.memory_space<vmem>> -> memref<128xi32, #tpu.memory_space<vmem>>
    %dma_start3A_59 = arith.constant 0 : i32
    %dma_start3A_60 = arith.constant 0 : i32
    %dma_start3A_61 = tpu.memref_slice %arg18[%dma_start3A_59, %dma_start3A_60] : memref<10240x16xf32, #tpu.memory_space<vmem_shared>> -> memref<10240x16xf32, #tpu.memory_space<vmem_shared>>
    tpu.enqueue_indirect_dma source(%dma_start3A_61 : memref<10240x16xf32, #tpu.memory_space<vmem_shared>>) target(%arg8 : memref<128x16xf32, #tpu.memory_space<vmem>>) offsets(%dma_start3A_58 : memref<128xi32, #tpu.memory_space<vmem>>) semaphore(%arg19 : memref<!tpu.dma_semaphore, #tpu.memory_space<semaphore_mem>>)
    %dma_start3A_62 = arith.constant 1 : i32
    %dma_start3A_63 = arith.constant 0 : i32
    %dma_start3A_64 = tpu.memref_slice %arg6[%dma_start3A_62, %dma_start3A_63] : memref<80x128xi32, #tpu.memory_space<vmem>> -> memref<1x128xi32, #tpu.memory_space<vmem>>
    %dma_start3A_65 = tpu.memref_squeeze %dma_start3A_64 : memref<1x128xi32, #tpu.memory_space<vmem>> -> memref<128xi32, #tpu.memory_space<vmem>>
    %dma_start3A_66 = arith.constant 0 : i32
    %dma_start3A_67 = arith.constant 0 : i32
    %dma_start3A_68 = tpu.memref_slice %arg18[%dma_start3A_66, %dma_start3A_67] : memref<10240x16xf32, #tpu.memory_space<vmem_shared>> -> memref<10240x16xf32, #tpu.memory_space<vmem_shared>>
    tpu.enqueue_indirect_dma source(%dma_start3A_68 : memref<10240x16xf32, #tpu.memory_space<vmem_shared>>) target(%arg9 : memref<128x16xf32, #tpu.memory_space<vmem>>) offsets(%dma_start3A_65 : memref<128xi32, #tpu.memory_space<vmem>>) semaphore(%arg20 : memref<!tpu.dma_semaphore, #tpu.memory_space<semaphore_mem>>)
    %dma_start3A_69 = arith.constant 2 : i32
    %dma_start3A_70 = arith.constant 0 : i32
    %dma_start3A_71 = tpu.memref_slice %arg6[%dma_start3A_69, %dma_start3A_70] : memref<80x128xi32, #tpu.memory_space<vmem>> -> memref<1x128xi32, #tpu.memory_space<vmem>>
    %dma_start3A_72 = tpu.memref_squeeze %dma_start3A_71 : memref<1x128xi32, #tpu.memory_space<vmem>> -> memref<128xi32, #tpu.memory_space<vmem>>
    %dma_start3A_73 = arith.constant 0 : i32
    %dma_start3A_74 = arith.constant 0 : i32
    %dma_start3A_75 = tpu.memref_slice %arg18[%dma_start3A_73, %dma_start3A_74] : memref<10240x16xf32, #tpu.memory_space<vmem_shared>> -> memref<10240x16xf32, #tpu.memory_space<vmem_shared>>
    tpu.enqueue_indirect_dma source(%dma_start3A_75 : memref<10240x16xf32, #tpu.memory_space<vmem_shared>>) target(%arg10 : memref<128x16xf32, #tpu.memory_space<vmem>>) offsets(%dma_start3A_72 : memref<128xi32, #tpu.memory_space<vmem>>) semaphore(%arg21 : memref<!tpu.dma_semaphore, #tpu.memory_space<semaphore_mem>>)
    %dma_start3A_76 = arith.constant 3 : i32
    %dma_start3A_77 = arith.constant 0 : i32
    %dma_start3A_78 = tpu.memref_slice %arg6[%dma_start3A_76, %dma_start3A_77] : memref<80x128xi32, #tpu.memory_space<vmem>> -> memref<1x128xi32, #tpu.memory_space<vmem>>
    %dma_start3A_79 = tpu.memref_squeeze %dma_start3A_78 : memref<1x128xi32, #tpu.memory_space<vmem>> -> memref<128xi32, #tpu.memory_space<vmem>>
    %dma_start3A_80 = arith.constant 0 : i32
    %dma_start3A_81 = arith.constant 0 : i32
    %dma_start3A_82 = tpu.memref_slice %arg18[%dma_start3A_80, %dma_start3A_81] : memref<10240x16xf32, #tpu.memory_space<vmem_shared>> -> memref<10240x16xf32, #tpu.memory_space<vmem_shared>>
    tpu.enqueue_indirect_dma source(%dma_start3A_82 : memref<10240x16xf32, #tpu.memory_space<vmem_shared>>) target(%arg11 : memref<128x16xf32, #tpu.memory_space<vmem>>) offsets(%dma_start3A_79 : memref<128xi32, #tpu.memory_space<vmem>>) semaphore(%arg22 : memref<!tpu.dma_semaphore, #tpu.memory_space<semaphore_mem>>)
    %scan3A = arith.constant 0 : i32
    %scan3A_83 = arith.constant 0 : i32
    %scan3A_84 = arith.constant 10 : i32
    %scan3A_85 = arith.addi %scan3A_83, %scan3A_84 : i32
    %scan3A_86 = arith.constant 1 : i32
    scf.for %scan3A_117 = %scan3A_83 to %scan3A_85 step %scan3A_86  : i32 {
      %mul3A_118 = arith.constant 8 : i32
      %mul3A_119 = arith.muli %scan3A_117, %mul3A_118 : i32
      %add3A_120 = arith.constant 0 : i32
      %add3A_121 = arith.addi %mul3A_119, %add3A_120 : i32
      %dma_wait3A_122 = arith.constant 0 : i32
      %dma_wait3A_123 = tpu.memref_slice %arg6[%add3A_121, %dma_wait3A_122] : memref<80x128xi32, #tpu.memory_space<vmem>> -> memref<1x128xi32, #tpu.memory_space<vmem>>
      %dma_wait3A_124 = tpu.memref_squeeze %dma_wait3A_123 : memref<1x128xi32, #tpu.memory_space<vmem>> -> memref<128xi32, #tpu.memory_space<vmem>>
      %dma_wait3A_125 = arith.constant 0 : i32
      %dma_wait3A_126 = arith.constant 0 : i32
      %dma_wait3A_127 = tpu.memref_slice %arg18[%dma_wait3A_125, %dma_wait3A_126] : memref<10240x16xf32, #tpu.memory_space<vmem_shared>> -> memref<10240x16xf32, #tpu.memory_space<vmem_shared>>
      tpu.wait_indirect_dma semaphore(%arg19 : memref<!tpu.dma_semaphore, #tpu.memory_space<semaphore_mem>>) src(%dma_wait3A_127 : memref<10240x16xf32, #tpu.memory_space<vmem_shared>>) dst(%arg8 : memref<128x16xf32, #tpu.memory_space<vmem>>)
      %dma_start3A_128 = arith.constant 0 : i32
      %dma_start3A_129 = tpu.memref_slice %arg7[%add3A_121, %dma_start3A_128] : memref<80x128xi32, #tpu.memory_space<vmem>> -> memref<1x128xi32, #tpu.memory_space<vmem>>
      %dma_start3A_130 = tpu.memref_squeeze %dma_start3A_129 : memref<1x128xi32, #tpu.memory_space<vmem>> -> memref<128xi32, #tpu.memory_space<vmem>>
      %dma_start3A_131 = arith.constant 0 : i32
      %dma_start3A_132 = arith.constant 0 : i32
      %dma_start3A_133 = tpu.memref_slice %arg17[%dma_start3A_131, %dma_start3A_132] : memref<10240x16xf32, #tpu.memory_space<vmem_shared>> -> memref<10240x16xf32, #tpu.memory_space<vmem_shared>>
      tpu.enqueue_indirect_dma source(%arg8 : memref<128x16xf32, #tpu.memory_space<vmem>>) target(%dma_start3A_133 : memref<10240x16xf32, #tpu.memory_space<vmem_shared>>) offsets(%dma_start3A_130 : memref<128xi32, #tpu.memory_space<vmem>>) semaphore(%arg27 : memref<!tpu.dma_semaphore, #tpu.memory_space<semaphore_mem>>) {add = true}
      %ge3A = arith.constant 4 : i32
      %ge3A_134 = arith.cmpi sge, %add3A_121, %ge3A : i32
      %convert_element_type3A = arith.extui %ge3A_134 : i1 to i32
      %cond3A = arith.constant 0 : i32
      %cond3A_135 = arith.cmpi ne, %convert_element_type3A, %cond3A : i32
      scf.if %cond3A_135 {
        %sub3A = arith.constant 4 : i32
        %sub3A_338 = arith.subi %add3A_121, %sub3A : i32
        %dma_wait3A_339 = arith.constant 0 : i32
        %dma_wait3A_340 = tpu.memref_slice %arg7[%sub3A_338, %dma_wait3A_339] : memref<80x128xi32, #tpu.memory_space<vmem>> -> memref<1x128xi32, #tpu.memory_space<vmem>>
        %dma_wait3A_341 = tpu.memref_squeeze %dma_wait3A_340 : memref<1x128xi32, #tpu.memory_space<vmem>> -> memref<128xi32, #tpu.memory_space<vmem>>
        %dma_wait3A_342 = arith.constant 0 : i32
        %dma_wait3A_343 = arith.constant 0 : i32
        %dma_wait3A_344 = tpu.memref_slice %arg17[%dma_wait3A_342, %dma_wait3A_343] : memref<10240x16xf32, #tpu.memory_space<vmem_shared>> -> memref<10240x16xf32, #tpu.memory_space<vmem_shared>>
        tpu.wait_indirect_dma semaphore(%arg31 : memref<!tpu.dma_semaphore, #tpu.memory_space<semaphore_mem>>) src(%arg12 : memref<128x16xf32, #tpu.memory_space<vmem>>) dst(%dma_wait3A_344 : memref<10240x16xf32, #tpu.memory_space<vmem_shared>>)
      } else {
      }
      %add3A_136 = arith.constant 4 : i32
      %add3A_137 = arith.addi %add3A_121, %add3A_136 : i32
      %lt3A = arith.constant 80 : i32
      %lt3A_138 = arith.cmpi slt, %add3A_137, %lt3A : i32
      %convert_element_type3A_139 = arith.extui %lt3A_138 : i1 to i32
      %cond3A_140 = arith.constant 0 : i32
      %cond3A_141 = arith.cmpi ne, %convert_element_type3A_139, %cond3A_140 : i32
      scf.if %cond3A_141 {
        %add3A_338 = arith.constant 4 : i32
        %add3A_339 = arith.addi %add3A_121, %add3A_338 : i32
        %dma_start3A_340 = arith.constant 0 : i32
        %dma_start3A_341 = tpu.memref_slice %arg6[%add3A_339, %dma_start3A_340] : memref<80x128xi32, #tpu.memory_space<vmem>> -> memref<1x128xi32, #tpu.memory_space<vmem>>
        %dma_start3A_342 = tpu.memref_squeeze %dma_start3A_341 : memref<1x128xi32, #tpu.memory_space<vmem>> -> memref<128xi32, #tpu.memory_space<vmem>>
        %dma_start3A_343 = arith.constant 0 : i32
        %dma_start3A_344 = arith.constant 0 : i32
        %dma_start3A_345 = tpu.memref_slice %arg18[%dma_start3A_343, %dma_start3A_344] : memref<10240x16xf32, #tpu.memory_space<vmem_shared>> -> memref<10240x16xf32, #tpu.memory_space<vmem_shared>>
        tpu.enqueue_indirect_dma source(%dma_start3A_345 : memref<10240x16xf32, #tpu.memory_space<vmem_shared>>) target(%arg12 : memref<128x16xf32, #tpu.memory_space<vmem>>) offsets(%dma_start3A_342 : memref<128xi32, #tpu.memory_space<vmem>>) semaphore(%arg23 : memref<!tpu.dma_semaphore, #tpu.memory_space<semaphore_mem>>)
      } else {
      }
      %mul3A_142 = arith.constant 8 : i32
      %mul3A_143 = arith.muli %scan3A_117, %mul3A_142 : i32
      %add3A_144 = arith.constant 1 : i32
      %add3A_145 = arith.addi %mul3A_143, %add3A_144 : i32
      %dma_wait3A_146 = arith.constant 0 : i32
      %dma_wait3A_147 = tpu.memref_slice %arg6[%add3A_145, %dma_wait3A_146] : memref<80x128xi32, #tpu.memory_space<vmem>> -> memref<1x128xi32, #tpu.memory_space<vmem>>
      %dma_wait3A_148 = tpu.memref_squeeze %dma_wait3A_147 : memref<1x128xi32, #tpu.memory_space<vmem>> -> memref<128xi32, #tpu.memory_space<vmem>>
      %dma_wait3A_149 = arith.constant 0 : i32
      %dma_wait3A_150 = arith.constant 0 : i32
      %dma_wait3A_151 = tpu.memref_slice %arg18[%dma_wait3A_149, %dma_wait3A_150] : memref<10240x16xf32, #tpu.memory_space<vmem_shared>> -> memref<10240x16xf32, #tpu.memory_space<vmem_shared>>
      tpu.wait_indirect_dma semaphore(%arg20 : memref<!tpu.dma_semaphore, #tpu.memory_space<semaphore_mem>>) src(%dma_wait3A_151 : memref<10240x16xf32, #tpu.memory_space<vmem_shared>>) dst(%arg9 : memref<128x16xf32, #tpu.memory_space<vmem>>)
      %dma_start3A_152 = arith.constant 0 : i32
      %dma_start3A_153 = tpu.memref_slice %arg7[%add3A_145, %dma_start3A_152] : memref<80x128xi32, #tpu.memory_space<vmem>> -> memref<1x128xi32, #tpu.memory_space<vmem>>
      %dma_start3A_154 = tpu.memref_squeeze %dma_start3A_153 : memref<1x128xi32, #tpu.memory_space<vmem>> -> memref<128xi32, #tpu.memory_space<vmem>>
      %dma_start3A_155 = arith.constant 0 : i32
      %dma_start3A_156 = arith.constant 0 : i32
      %dma_start3A_157 = tpu.memref_slice %arg17[%dma_start3A_155, %dma_start3A_156] : memref<10240x16xf32, #tpu.memory_space<vmem_shared>> -> memref<10240x16xf32, #tpu.memory_space<vmem_shared>>
      tpu.enqueue_indirect_dma source(%arg9 : memref<128x16xf32, #tpu.memory_space<vmem>>) target(%dma_start3A_157 : memref<10240x16xf32, #tpu.memory_space<vmem_shared>>) offsets(%dma_start3A_154 : memref<128xi32, #tpu.memory_space<vmem>>) semaphore(%arg28 : memref<!tpu.dma_semaphore, #tpu.memory_space<semaphore_mem>>) {add = true}
      %ge3A_158 = arith.constant 4 : i32
      %ge3A_159 = arith.cmpi sge, %add3A_145, %ge3A_158 : i32
      %convert_element_type3A_160 = arith.extui %ge3A_159 : i1 to i32
      %cond3A_161 = arith.constant 0 : i32
      %cond3A_162 = arith.cmpi ne, %convert_element_type3A_160, %cond3A_161 : i32
      scf.if %cond3A_162 {
        %sub3A = arith.constant 4 : i32
        %sub3A_338 = arith.subi %add3A_145, %sub3A : i32
        %dma_wait3A_339 = arith.constant 0 : i32
        %dma_wait3A_340 = tpu.memref_slice %arg7[%sub3A_338, %dma_wait3A_339] : memref<80x128xi32, #tpu.memory_space<vmem>> -> memref<1x128xi32, #tpu.memory_space<vmem>>
        %dma_wait3A_341 = tpu.memref_squeeze %dma_wait3A_340 : memref<1x128xi32, #tpu.memory_space<vmem>> -> memref<128xi32, #tpu.memory_space<vmem>>
        %dma_wait3A_342 = arith.constant 0 : i32
        %dma_wait3A_343 = arith.constant 0 : i32
        %dma_wait3A_344 = tpu.memref_slice %arg17[%dma_wait3A_342, %dma_wait3A_343] : memref<10240x16xf32, #tpu.memory_space<vmem_shared>> -> memref<10240x16xf32, #tpu.memory_space<vmem_shared>>
        tpu.wait_indirect_dma semaphore(%arg32 : memref<!tpu.dma_semaphore, #tpu.memory_space<semaphore_mem>>) src(%arg13 : memref<128x16xf32, #tpu.memory_space<vmem>>) dst(%dma_wait3A_344 : memref<10240x16xf32, #tpu.memory_space<vmem_shared>>)
      } else {
      }
      %add3A_163 = arith.constant 4 : i32
      %add3A_164 = arith.addi %add3A_145, %add3A_163 : i32
      %lt3A_165 = arith.constant 80 : i32
      %lt3A_166 = arith.cmpi slt, %add3A_164, %lt3A_165 : i32
      %convert_element_type3A_167 = arith.extui %lt3A_166 : i1 to i32
      %cond3A_168 = arith.constant 0 : i32
      %cond3A_169 = arith.cmpi ne, %convert_element_type3A_167, %cond3A_168 : i32
      scf.if %cond3A_169 {
        %add3A_338 = arith.constant 4 : i32
        %add3A_339 = arith.addi %add3A_145, %add3A_338 : i32
        %dma_start3A_340 = arith.constant 0 : i32
        %dma_start3A_341 = tpu.memref_slice %arg6[%add3A_339, %dma_start3A_340] : memref<80x128xi32, #tpu.memory_space<vmem>> -> memref<1x128xi32, #tpu.memory_space<vmem>>
        %dma_start3A_342 = tpu.memref_squeeze %dma_start3A_341 : memref<1x128xi32, #tpu.memory_space<vmem>> -> memref<128xi32, #tpu.memory_space<vmem>>
        %dma_start3A_343 = arith.constant 0 : i32
        %dma_start3A_344 = arith.constant 0 : i32
        %dma_start3A_345 = tpu.memref_slice %arg18[%dma_start3A_343, %dma_start3A_344] : memref<10240x16xf32, #tpu.memory_space<vmem_shared>> -> memref<10240x16xf32, #tpu.memory_space<vmem_shared>>
        tpu.enqueue_indirect_dma source(%dma_start3A_345 : memref<10240x16xf32, #tpu.memory_space<vmem_shared>>) target(%arg13 : memref<128x16xf32, #tpu.memory_space<vmem>>) offsets(%dma_start3A_342 : memref<128xi32, #tpu.memory_space<vmem>>) semaphore(%arg24 : memref<!tpu.dma_semaphore, #tpu.memory_space<semaphore_mem>>)
      } else {
      }
      %mul3A_170 = arith.constant 8 : i32
      %mul3A_171 = arith.muli %scan3A_117, %mul3A_170 : i32
      %add3A_172 = arith.constant 2 : i32
      %add3A_173 = arith.addi %mul3A_171, %add3A_172 : i32
      %dma_wait3A_174 = arith.constant 0 : i32
      %dma_wait3A_175 = tpu.memref_slice %arg6[%add3A_173, %dma_wait3A_174] : memref<80x128xi32, #tpu.memory_space<vmem>> -> memref<1x128xi32, #tpu.memory_space<vmem>>
      %dma_wait3A_176 = tpu.memref_squeeze %dma_wait3A_175 : memref<1x128xi32, #tpu.memory_space<vmem>> -> memref<128xi32, #tpu.memory_space<vmem>>
      %dma_wait3A_177 = arith.constant 0 : i32
      %dma_wait3A_178 = arith.constant 0 : i32
      %dma_wait3A_179 = tpu.memref_slice %arg18[%dma_wait3A_177, %dma_wait3A_178] : memref<10240x16xf32, #tpu.memory_space<vmem_shared>> -> memref<10240x16xf32, #tpu.memory_space<vmem_shared>>
      tpu.wait_indirect_dma semaphore(%arg21 : memref<!tpu.dma_semaphore, #tpu.memory_space<semaphore_mem>>) src(%dma_wait3A_179 : memref<10240x16xf32, #tpu.memory_space<vmem_shared>>) dst(%arg10 : memref<128x16xf32, #tpu.memory_space<vmem>>)
      %dma_start3A_180 = arith.constant 0 : i32
      %dma_start3A_181 = tpu.memref_slice %arg7[%add3A_173, %dma_start3A_180] : memref<80x128xi32, #tpu.memory_space<vmem>> -> memref<1x128xi32, #tpu.memory_space<vmem>>
      %dma_start3A_182 = tpu.memref_squeeze %dma_start3A_181 : memref<1x128xi32, #tpu.memory_space<vmem>> -> memref<128xi32, #tpu.memory_space<vmem>>
      %dma_start3A_183 = arith.constant 0 : i32
      %dma_start3A_184 = arith.constant 0 : i32
      %dma_start3A_185 = tpu.memref_slice %arg17[%dma_start3A_183, %dma_start3A_184] : memref<10240x16xf32, #tpu.memory_space<vmem_shared>> -> memref<10240x16xf32, #tpu.memory_space<vmem_shared>>
      tpu.enqueue_indirect_dma source(%arg10 : memref<128x16xf32, #tpu.memory_space<vmem>>) target(%dma_start3A_185 : memref<10240x16xf32, #tpu.memory_space<vmem_shared>>) offsets(%dma_start3A_182 : memref<128xi32, #tpu.memory_space<vmem>>) semaphore(%arg29 : memref<!tpu.dma_semaphore, #tpu.memory_space<semaphore_mem>>) {add = true}
      %ge3A_186 = arith.constant 4 : i32
      %ge3A_187 = arith.cmpi sge, %add3A_173, %ge3A_186 : i32
      %convert_element_type3A_188 = arith.extui %ge3A_187 : i1 to i32
      %cond3A_189 = arith.constant 0 : i32
      %cond3A_190 = arith.cmpi ne, %convert_element_type3A_188, %cond3A_189 : i32
      scf.if %cond3A_190 {
        %sub3A = arith.constant 4 : i32
        %sub3A_338 = arith.subi %add3A_173, %sub3A : i32
        %dma_wait3A_339 = arith.constant 0 : i32
        %dma_wait3A_340 = tpu.memref_slice %arg7[%sub3A_338, %dma_wait3A_339] : memref<80x128xi32, #tpu.memory_space<vmem>> -> memref<1x128xi32, #tpu.memory_space<vmem>>
        %dma_wait3A_341 = tpu.memref_squeeze %dma_wait3A_340 : memref<1x128xi32, #tpu.memory_space<vmem>> -> memref<128xi32, #tpu.memory_space<vmem>>
        %dma_wait3A_342 = arith.constant 0 : i32
        %dma_wait3A_343 = arith.constant 0 : i32
        %dma_wait3A_344 = tpu.memref_slice %arg17[%dma_wait3A_342, %dma_wait3A_343] : memref<10240x16xf32, #tpu.memory_space<vmem_shared>> -> memref<10240x16xf32, #tpu.memory_space<vmem_shared>>
        tpu.wait_indirect_dma semaphore(%arg33 : memref<!tpu.dma_semaphore, #tpu.memory_space<semaphore_mem>>) src(%arg14 : memref<128x16xf32, #tpu.memory_space<vmem>>) dst(%dma_wait3A_344 : memref<10240x16xf32, #tpu.memory_space<vmem_shared>>)
      } else {
      }
      %add3A_191 = arith.constant 4 : i32
      %add3A_192 = arith.addi %add3A_173, %add3A_191 : i32
      %lt3A_193 = arith.constant 80 : i32
      %lt3A_194 = arith.cmpi slt, %add3A_192, %lt3A_193 : i32
      %convert_element_type3A_195 = arith.extui %lt3A_194 : i1 to i32
      %cond3A_196 = arith.constant 0 : i32
      %cond3A_197 = arith.cmpi ne, %convert_element_type3A_195, %cond3A_196 : i32
      scf.if %cond3A_197 {
        %add3A_338 = arith.constant 4 : i32
        %add3A_339 = arith.addi %add3A_173, %add3A_338 : i32
        %dma_start3A_340 = arith.constant 0 : i32
        %dma_start3A_341 = tpu.memref_slice %arg6[%add3A_339, %dma_start3A_340] : memref<80x128xi32, #tpu.memory_space<vmem>> -> memref<1x128xi32, #tpu.memory_space<vmem>>
        %dma_start3A_342 = tpu.memref_squeeze %dma_start3A_341 : memref<1x128xi32, #tpu.memory_space<vmem>> -> memref<128xi32, #tpu.memory_space<vmem>>
        %dma_start3A_343 = arith.constant 0 : i32
        %dma_start3A_344 = arith.constant 0 : i32
        %dma_start3A_345 = tpu.memref_slice %arg18[%dma_start3A_343, %dma_start3A_344] : memref<10240x16xf32, #tpu.memory_space<vmem_shared>> -> memref<10240x16xf32, #tpu.memory_space<vmem_shared>>
        tpu.enqueue_indirect_dma source(%dma_start3A_345 : memref<10240x16xf32, #tpu.memory_space<vmem_shared>>) target(%arg14 : memref<128x16xf32, #tpu.memory_space<vmem>>) offsets(%dma_start3A_342 : memref<128xi32, #tpu.memory_space<vmem>>) semaphore(%arg25 : memref<!tpu.dma_semaphore, #tpu.memory_space<semaphore_mem>>)
      } else {
      }
      %mul3A_198 = arith.constant 8 : i32
      %mul3A_199 = arith.muli %scan3A_117, %mul3A_198 : i32
      %add3A_200 = arith.constant 3 : i32
      %add3A_201 = arith.addi %mul3A_199, %add3A_200 : i32
      %dma_wait3A_202 = arith.constant 0 : i32
      %dma_wait3A_203 = tpu.memref_slice %arg6[%add3A_201, %dma_wait3A_202] : memref<80x128xi32, #tpu.memory_space<vmem>> -> memref<1x128xi32, #tpu.memory_space<vmem>>
      %dma_wait3A_204 = tpu.memref_squeeze %dma_wait3A_203 : memref<1x128xi32, #tpu.memory_space<vmem>> -> memref<128xi32, #tpu.memory_space<vmem>>
      %dma_wait3A_205 = arith.constant 0 : i32
      %dma_wait3A_206 = arith.constant 0 : i32
      %dma_wait3A_207 = tpu.memref_slice %arg18[%dma_wait3A_205, %dma_wait3A_206] : memref<10240x16xf32, #tpu.memory_space<vmem_shared>> -> memref<10240x16xf32, #tpu.memory_space<vmem_shared>>
      tpu.wait_indirect_dma semaphore(%arg22 : memref<!tpu.dma_semaphore, #tpu.memory_space<semaphore_mem>>) src(%dma_wait3A_207 : memref<10240x16xf32, #tpu.memory_space<vmem_shared>>) dst(%arg11 : memref<128x16xf32, #tpu.memory_space<vmem>>)
      %dma_start3A_208 = arith.constant 0 : i32
      %dma_start3A_209 = tpu.memref_slice %arg7[%add3A_201, %dma_start3A_208] : memref<80x128xi32, #tpu.memory_space<vmem>> -> memref<1x128xi32, #tpu.memory_space<vmem>>
      %dma_start3A_210 = tpu.memref_squeeze %dma_start3A_209 : memref<1x128xi32, #tpu.memory_space<vmem>> -> memref<128xi32, #tpu.memory_space<vmem>>
      %dma_start3A_211 = arith.constant 0 : i32
      %dma_start3A_212 = arith.constant 0 : i32
      %dma_start3A_213 = tpu.memref_slice %arg17[%dma_start3A_211, %dma_start3A_212] : memref<10240x16xf32, #tpu.memory_space<vmem_shared>> -> memref<10240x16xf32, #tpu.memory_space<vmem_shared>>
      tpu.enqueue_indirect_dma source(%arg11 : memref<128x16xf32, #tpu.memory_space<vmem>>) target(%dma_start3A_213 : memref<10240x16xf32, #tpu.memory_space<vmem_shared>>) offsets(%dma_start3A_210 : memref<128xi32, #tpu.memory_space<vmem>>) semaphore(%arg30 : memref<!tpu.dma_semaphore, #tpu.memory_space<semaphore_mem>>) {add = true}
      %ge3A_214 = arith.constant 4 : i32
      %ge3A_215 = arith.cmpi sge, %add3A_201, %ge3A_214 : i32
      %convert_element_type3A_216 = arith.extui %ge3A_215 : i1 to i32
      %cond3A_217 = arith.constant 0 : i32
      %cond3A_218 = arith.cmpi ne, %convert_element_type3A_216, %cond3A_217 : i32
      scf.if %cond3A_218 {
        %sub3A = arith.constant 4 : i32
        %sub3A_338 = arith.subi %add3A_201, %sub3A : i32
        %dma_wait3A_339 = arith.constant 0 : i32
        %dma_wait3A_340 = tpu.memref_slice %arg7[%sub3A_338, %dma_wait3A_339] : memref<80x128xi32, #tpu.memory_space<vmem>> -> memref<1x128xi32, #tpu.memory_space<vmem>>
        %dma_wait3A_341 = tpu.memref_squeeze %dma_wait3A_340 : memref<1x128xi32, #tpu.memory_space<vmem>> -> memref<128xi32, #tpu.memory_space<vmem>>
        %dma_wait3A_342 = arith.constant 0 : i32
        %dma_wait3A_343 = arith.constant 0 : i32
        %dma_wait3A_344 = tpu.memref_slice %arg17[%dma_wait3A_342, %dma_wait3A_343] : memref<10240x16xf32, #tpu.memory_space<vmem_shared>> -> memref<10240x16xf32, #tpu.memory_space<vmem_shared>>
        tpu.wait_indirect_dma semaphore(%arg34 : memref<!tpu.dma_semaphore, #tpu.memory_space<semaphore_mem>>) src(%arg15 : memref<128x16xf32, #tpu.memory_space<vmem>>) dst(%dma_wait3A_344 : memref<10240x16xf32, #tpu.memory_space<vmem_shared>>)
      } else {
      }
      %add3A_219 = arith.constant 4 : i32
      %add3A_220 = arith.addi %add3A_201, %add3A_219 : i32
      %lt3A_221 = arith.constant 80 : i32
      %lt3A_222 = arith.cmpi slt, %add3A_220, %lt3A_221 : i32
      %convert_element_type3A_223 = arith.extui %lt3A_222 : i1 to i32
      %cond3A_224 = arith.constant 0 : i32
      %cond3A_225 = arith.cmpi ne, %convert_element_type3A_223, %cond3A_224 : i32
      scf.if %cond3A_225 {
        %add3A_338 = arith.constant 4 : i32
        %add3A_339 = arith.addi %add3A_201, %add3A_338 : i32
        %dma_start3A_340 = arith.constant 0 : i32
        %dma_start3A_341 = tpu.memref_slice %arg6[%add3A_339, %dma_start3A_340] : memref<80x128xi32, #tpu.memory_space<vmem>> -> memref<1x128xi32, #tpu.memory_space<vmem>>
        %dma_start3A_342 = tpu.memref_squeeze %dma_start3A_341 : memref<1x128xi32, #tpu.memory_space<vmem>> -> memref<128xi32, #tpu.memory_space<vmem>>
        %dma_start3A_343 = arith.constant 0 : i32
        %dma_start3A_344 = arith.constant 0 : i32
        %dma_start3A_345 = tpu.memref_slice %arg18[%dma_start3A_343, %dma_start3A_344] : memref<10240x16xf32, #tpu.memory_space<vmem_shared>> -> memref<10240x16xf32, #tpu.memory_space<vmem_shared>>
        tpu.enqueue_indirect_dma source(%dma_start3A_345 : memref<10240x16xf32, #tpu.memory_space<vmem_shared>>) target(%arg15 : memref<128x16xf32, #tpu.memory_space<vmem>>) offsets(%dma_start3A_342 : memref<128xi32, #tpu.memory_space<vmem>>) semaphore(%arg26 : memref<!tpu.dma_semaphore, #tpu.memory_space<semaphore_mem>>)
      } else {
      }
      %mul3A_226 = arith.constant 8 : i32
      %mul3A_227 = arith.muli %scan3A_117, %mul3A_226 : i32
      %add3A_228 = arith.constant 4 : i32
      %add3A_229 = arith.addi %mul3A_227, %add3A_228 : i32
      %dma_wait3A_230 = arith.constant 0 : i32
      %dma_wait3A_231 = tpu.memref_slice %arg6[%add3A_229, %dma_wait3A_230] : memref<80x128xi32, #tpu.memory_space<vmem>> -> memref<1x128xi32, #tpu.memory_space<vmem>>
      %dma_wait3A_232 = tpu.memref_squeeze %dma_wait3A_231 : memref<1x128xi32, #tpu.memory_space<vmem>> -> memref<128xi32, #tpu.memory_space<vmem>>
      %dma_wait3A_233 = arith.constant 0 : i32
      %dma_wait3A_234 = arith.constant 0 : i32
      %dma_wait3A_235 = tpu.memref_slice %arg18[%dma_wait3A_233, %dma_wait3A_234] : memref<10240x16xf32, #tpu.memory_space<vmem_shared>> -> memref<10240x16xf32, #tpu.memory_space<vmem_shared>>
      tpu.wait_indirect_dma semaphore(%arg23 : memref<!tpu.dma_semaphore, #tpu.memory_space<semaphore_mem>>) src(%dma_wait3A_235 : memref<10240x16xf32, #tpu.memory_space<vmem_shared>>) dst(%arg12 : memref<128x16xf32, #tpu.memory_space<vmem>>)
      %dma_start3A_236 = arith.constant 0 : i32
      %dma_start3A_237 = tpu.memref_slice %arg7[%add3A_229, %dma_start3A_236] : memref<80x128xi32, #tpu.memory_space<vmem>> -> memref<1x128xi32, #tpu.memory_space<vmem>>
      %dma_start3A_238 = tpu.memref_squeeze %dma_start3A_237 : memref<1x128xi32, #tpu.memory_space<vmem>> -> memref<128xi32, #tpu.memory_space<vmem>>
      %dma_start3A_239 = arith.constant 0 : i32
      %dma_start3A_240 = arith.constant 0 : i32
      %dma_start3A_241 = tpu.memref_slice %arg17[%dma_start3A_239, %dma_start3A_240] : memref<10240x16xf32, #tpu.memory_space<vmem_shared>> -> memref<10240x16xf32, #tpu.memory_space<vmem_shared>>
      tpu.enqueue_indirect_dma source(%arg12 : memref<128x16xf32, #tpu.memory_space<vmem>>) target(%dma_start3A_241 : memref<10240x16xf32, #tpu.memory_space<vmem_shared>>) offsets(%dma_start3A_238 : memref<128xi32, #tpu.memory_space<vmem>>) semaphore(%arg31 : memref<!tpu.dma_semaphore, #tpu.memory_space<semaphore_mem>>) {add = true}
      %ge3A_242 = arith.constant 4 : i32
      %ge3A_243 = arith.cmpi sge, %add3A_229, %ge3A_242 : i32
      %convert_element_type3A_244 = arith.extui %ge3A_243 : i1 to i32
      %cond3A_245 = arith.constant 0 : i32
      %cond3A_246 = arith.cmpi ne, %convert_element_type3A_244, %cond3A_245 : i32
      scf.if %cond3A_246 {
        %sub3A = arith.constant 4 : i32
        %sub3A_338 = arith.subi %add3A_229, %sub3A : i32
        %dma_wait3A_339 = arith.constant 0 : i32
        %dma_wait3A_340 = tpu.memref_slice %arg7[%sub3A_338, %dma_wait3A_339] : memref<80x128xi32, #tpu.memory_space<vmem>> -> memref<1x128xi32, #tpu.memory_space<vmem>>
        %dma_wait3A_341 = tpu.memref_squeeze %dma_wait3A_340 : memref<1x128xi32, #tpu.memory_space<vmem>> -> memref<128xi32, #tpu.memory_space<vmem>>
        %dma_wait3A_342 = arith.constant 0 : i32
        %dma_wait3A_343 = arith.constant 0 : i32
        %dma_wait3A_344 = tpu.memref_slice %arg17[%dma_wait3A_342, %dma_wait3A_343] : memref<10240x16xf32, #tpu.memory_space<vmem_shared>> -> memref<10240x16xf32, #tpu.memory_space<vmem_shared>>
        tpu.wait_indirect_dma semaphore(%arg27 : memref<!tpu.dma_semaphore, #tpu.memory_space<semaphore_mem>>) src(%arg8 : memref<128x16xf32, #tpu.memory_space<vmem>>) dst(%dma_wait3A_344 : memref<10240x16xf32, #tpu.memory_space<vmem_shared>>)
      } else {
      }
      %add3A_247 = arith.constant 4 : i32
      %add3A_248 = arith.addi %add3A_229, %add3A_247 : i32
      %lt3A_249 = arith.constant 80 : i32
      %lt3A_250 = arith.cmpi slt, %add3A_248, %lt3A_249 : i32
      %convert_element_type3A_251 = arith.extui %lt3A_250 : i1 to i32
      %cond3A_252 = arith.constant 0 : i32
      %cond3A_253 = arith.cmpi ne, %convert_element_type3A_251, %cond3A_252 : i32
      scf.if %cond3A_253 {
        %add3A_338 = arith.constant 4 : i32
        %add3A_339 = arith.addi %add3A_229, %add3A_338 : i32
        %dma_start3A_340 = arith.constant 0 : i32
        %dma_start3A_341 = tpu.memref_slice %arg6[%add3A_339, %dma_start3A_340] : memref<80x128xi32, #tpu.memory_space<vmem>> -> memref<1x128xi32, #tpu.memory_space<vmem>>
        %dma_start3A_342 = tpu.memref_squeeze %dma_start3A_341 : memref<1x128xi32, #tpu.memory_space<vmem>> -> memref<128xi32, #tpu.memory_space<vmem>>
        %dma_start3A_343 = arith.constant 0 : i32
        %dma_start3A_344 = arith.constant 0 : i32
        %dma_start3A_345 = tpu.memref_slice %arg18[%dma_start3A_343, %dma_start3A_344] : memref<10240x16xf32, #tpu.memory_space<vmem_shared>> -> memref<10240x16xf32, #tpu.memory_space<vmem_shared>>
        tpu.enqueue_indirect_dma source(%dma_start3A_345 : memref<10240x16xf32, #tpu.memory_space<vmem_shared>>) target(%arg8 : memref<128x16xf32, #tpu.memory_space<vmem>>) offsets(%dma_start3A_342 : memref<128xi32, #tpu.memory_space<vmem>>) semaphore(%arg19 : memref<!tpu.dma_semaphore, #tpu.memory_space<semaphore_mem>>)
      } else {
      }
      %mul3A_254 = arith.constant 8 : i32
      %mul3A_255 = arith.muli %scan3A_117, %mul3A_254 : i32
      %add3A_256 = arith.constant 5 : i32
      %add3A_257 = arith.addi %mul3A_255, %add3A_256 : i32
      %dma_wait3A_258 = arith.constant 0 : i32
      %dma_wait3A_259 = tpu.memref_slice %arg6[%add3A_257, %dma_wait3A_258] : memref<80x128xi32, #tpu.memory_space<vmem>> -> memref<1x128xi32, #tpu.memory_space<vmem>>
      %dma_wait3A_260 = tpu.memref_squeeze %dma_wait3A_259 : memref<1x128xi32, #tpu.memory_space<vmem>> -> memref<128xi32, #tpu.memory_space<vmem>>
      %dma_wait3A_261 = arith.constant 0 : i32
      %dma_wait3A_262 = arith.constant 0 : i32
      %dma_wait3A_263 = tpu.memref_slice %arg18[%dma_wait3A_261, %dma_wait3A_262] : memref<10240x16xf32, #tpu.memory_space<vmem_shared>> -> memref<10240x16xf32, #tpu.memory_space<vmem_shared>>
      tpu.wait_indirect_dma semaphore(%arg24 : memref<!tpu.dma_semaphore, #tpu.memory_space<semaphore_mem>>) src(%dma_wait3A_263 : memref<10240x16xf32, #tpu.memory_space<vmem_shared>>) dst(%arg13 : memref<128x16xf32, #tpu.memory_space<vmem>>)
      %dma_start3A_264 = arith.constant 0 : i32
      %dma_start3A_265 = tpu.memref_slice %arg7[%add3A_257, %dma_start3A_264] : memref<80x128xi32, #tpu.memory_space<vmem>> -> memref<1x128xi32, #tpu.memory_space<vmem>>
      %dma_start3A_266 = tpu.memref_squeeze %dma_start3A_265 : memref<1x128xi32, #tpu.memory_space<vmem>> -> memref<128xi32, #tpu.memory_space<vmem>>
      %dma_start3A_267 = arith.constant 0 : i32
      %dma_start3A_268 = arith.constant 0 : i32
      %dma_start3A_269 = tpu.memref_slice %arg17[%dma_start3A_267, %dma_start3A_268] : memref<10240x16xf32, #tpu.memory_space<vmem_shared>> -> memref<10240x16xf32, #tpu.memory_space<vmem_shared>>
      tpu.enqueue_indirect_dma source(%arg13 : memref<128x16xf32, #tpu.memory_space<vmem>>) target(%dma_start3A_269 : memref<10240x16xf32, #tpu.memory_space<vmem_shared>>) offsets(%dma_start3A_266 : memref<128xi32, #tpu.memory_space<vmem>>) semaphore(%arg32 : memref<!tpu.dma_semaphore, #tpu.memory_space<semaphore_mem>>) {add = true}
      %ge3A_270 = arith.constant 4 : i32
      %ge3A_271 = arith.cmpi sge, %add3A_257, %ge3A_270 : i32
      %convert_element_type3A_272 = arith.extui %ge3A_271 : i1 to i32
      %cond3A_273 = arith.constant 0 : i32
      %cond3A_274 = arith.cmpi ne, %convert_element_type3A_272, %cond3A_273 : i32
      scf.if %cond3A_274 {
        %sub3A = arith.constant 4 : i32
        %sub3A_338 = arith.subi %add3A_257, %sub3A : i32
        %dma_wait3A_339 = arith.constant 0 : i32
        %dma_wait3A_340 = tpu.memref_slice %arg7[%sub3A_338, %dma_wait3A_339] : memref<80x128xi32, #tpu.memory_space<vmem>> -> memref<1x128xi32, #tpu.memory_space<vmem>>
        %dma_wait3A_341 = tpu.memref_squeeze %dma_wait3A_340 : memref<1x128xi32, #tpu.memory_space<vmem>> -> memref<128xi32, #tpu.memory_space<vmem>>
        %dma_wait3A_342 = arith.constant 0 : i32
        %dma_wait3A_343 = arith.constant 0 : i32
        %dma_wait3A_344 = tpu.memref_slice %arg17[%dma_wait3A_342, %dma_wait3A_343] : memref<10240x16xf32, #tpu.memory_space<vmem_shared>> -> memref<10240x16xf32, #tpu.memory_space<vmem_shared>>
        tpu.wait_indirect_dma semaphore(%arg28 : memref<!tpu.dma_semaphore, #tpu.memory_space<semaphore_mem>>) src(%arg9 : memref<128x16xf32, #tpu.memory_space<vmem>>) dst(%dma_wait3A_344 : memref<10240x16xf32, #tpu.memory_space<vmem_shared>>)
      } else {
      }
      %add3A_275 = arith.constant 4 : i32
      %add3A_276 = arith.addi %add3A_257, %add3A_275 : i32
      %lt3A_277 = arith.constant 80 : i32
      %lt3A_278 = arith.cmpi slt, %add3A_276, %lt3A_277 : i32
      %convert_element_type3A_279 = arith.extui %lt3A_278 : i1 to i32
      %cond3A_280 = arith.constant 0 : i32
      %cond3A_281 = arith.cmpi ne, %convert_element_type3A_279, %cond3A_280 : i32
      scf.if %cond3A_281 {
        %add3A_338 = arith.constant 4 : i32
        %add3A_339 = arith.addi %add3A_257, %add3A_338 : i32
        %dma_start3A_340 = arith.constant 0 : i32
        %dma_start3A_341 = tpu.memref_slice %arg6[%add3A_339, %dma_start3A_340] : memref<80x128xi32, #tpu.memory_space<vmem>> -> memref<1x128xi32, #tpu.memory_space<vmem>>
        %dma_start3A_342 = tpu.memref_squeeze %dma_start3A_341 : memref<1x128xi32, #tpu.memory_space<vmem>> -> memref<128xi32, #tpu.memory_space<vmem>>
        %dma_start3A_343 = arith.constant 0 : i32
        %dma_start3A_344 = arith.constant 0 : i32
        %dma_start3A_345 = tpu.memref_slice %arg18[%dma_start3A_343, %dma_start3A_344] : memref<10240x16xf32, #tpu.memory_space<vmem_shared>> -> memref<10240x16xf32, #tpu.memory_space<vmem_shared>>
        tpu.enqueue_indirect_dma source(%dma_start3A_345 : memref<10240x16xf32, #tpu.memory_space<vmem_shared>>) target(%arg9 : memref<128x16xf32, #tpu.memory_space<vmem>>) offsets(%dma_start3A_342 : memref<128xi32, #tpu.memory_space<vmem>>) semaphore(%arg20 : memref<!tpu.dma_semaphore, #tpu.memory_space<semaphore_mem>>)
      } else {
      }
      %mul3A_282 = arith.constant 8 : i32
      %mul3A_283 = arith.muli %scan3A_117, %mul3A_282 : i32
      %add3A_284 = arith.constant 6 : i32
      %add3A_285 = arith.addi %mul3A_283, %add3A_284 : i32
      %dma_wait3A_286 = arith.constant 0 : i32
      %dma_wait3A_287 = tpu.memref_slice %arg6[%add3A_285, %dma_wait3A_286] : memref<80x128xi32, #tpu.memory_space<vmem>> -> memref<1x128xi32, #tpu.memory_space<vmem>>
      %dma_wait3A_288 = tpu.memref_squeeze %dma_wait3A_287 : memref<1x128xi32, #tpu.memory_space<vmem>> -> memref<128xi32, #tpu.memory_space<vmem>>
      %dma_wait3A_289 = arith.constant 0 : i32
      %dma_wait3A_290 = arith.constant 0 : i32
      %dma_wait3A_291 = tpu.memref_slice %arg18[%dma_wait3A_289, %dma_wait3A_290] : memref<10240x16xf32, #tpu.memory_space<vmem_shared>> -> memref<10240x16xf32, #tpu.memory_space<vmem_shared>>
      tpu.wait_indirect_dma semaphore(%arg25 : memref<!tpu.dma_semaphore, #tpu.memory_space<semaphore_mem>>) src(%dma_wait3A_291 : memref<10240x16xf32, #tpu.memory_space<vmem_shared>>) dst(%arg14 : memref<128x16xf32, #tpu.memory_space<vmem>>)
      %dma_start3A_292 = arith.constant 0 : i32
      %dma_start3A_293 = tpu.memref_slice %arg7[%add3A_285, %dma_start3A_292] : memref<80x128xi32, #tpu.memory_space<vmem>> -> memref<1x128xi32, #tpu.memory_space<vmem>>
      %dma_start3A_294 = tpu.memref_squeeze %dma_start3A_293 : memref<1x128xi32, #tpu.memory_space<vmem>> -> memref<128xi32, #tpu.memory_space<vmem>>
      %dma_start3A_295 = arith.constant 0 : i32
      %dma_start3A_296 = arith.constant 0 : i32
      %dma_start3A_297 = tpu.memref_slice %arg17[%dma_start3A_295, %dma_start3A_296] : memref<10240x16xf32, #tpu.memory_space<vmem_shared>> -> memref<10240x16xf32, #tpu.memory_space<vmem_shared>>
      tpu.enqueue_indirect_dma source(%arg14 : memref<128x16xf32, #tpu.memory_space<vmem>>) target(%dma_start3A_297 : memref<10240x16xf32, #tpu.memory_space<vmem_shared>>) offsets(%dma_start3A_294 : memref<128xi32, #tpu.memory_space<vmem>>) semaphore(%arg33 : memref<!tpu.dma_semaphore, #tpu.memory_space<semaphore_mem>>) {add = true}
      %ge3A_298 = arith.constant 4 : i32
      %ge3A_299 = arith.cmpi sge, %add3A_285, %ge3A_298 : i32
      %convert_element_type3A_300 = arith.extui %ge3A_299 : i1 to i32
      %cond3A_301 = arith.constant 0 : i32
      %cond3A_302 = arith.cmpi ne, %convert_element_type3A_300, %cond3A_301 : i32
      scf.if %cond3A_302 {
        %sub3A = arith.constant 4 : i32
        %sub3A_338 = arith.subi %add3A_285, %sub3A : i32
        %dma_wait3A_339 = arith.constant 0 : i32
        %dma_wait3A_340 = tpu.memref_slice %arg7[%sub3A_338, %dma_wait3A_339] : memref<80x128xi32, #tpu.memory_space<vmem>> -> memref<1x128xi32, #tpu.memory_space<vmem>>
        %dma_wait3A_341 = tpu.memref_squeeze %dma_wait3A_340 : memref<1x128xi32, #tpu.memory_space<vmem>> -> memref<128xi32, #tpu.memory_space<vmem>>
        %dma_wait3A_342 = arith.constant 0 : i32
        %dma_wait3A_343 = arith.constant 0 : i32
        %dma_wait3A_344 = tpu.memref_slice %arg17[%dma_wait3A_342, %dma_wait3A_343] : memref<10240x16xf32, #tpu.memory_space<vmem_shared>> -> memref<10240x16xf32, #tpu.memory_space<vmem_shared>>
        tpu.wait_indirect_dma semaphore(%arg29 : memref<!tpu.dma_semaphore, #tpu.memory_space<semaphore_mem>>) src(%arg10 : memref<128x16xf32, #tpu.memory_space<vmem>>) dst(%dma_wait3A_344 : memref<10240x16xf32, #tpu.memory_space<vmem_shared>>)
      } else {
      }
      %add3A_303 = arith.constant 4 : i32
      %add3A_304 = arith.addi %add3A_285, %add3A_303 : i32
      %lt3A_305 = arith.constant 80 : i32
      %lt3A_306 = arith.cmpi slt, %add3A_304, %lt3A_305 : i32
      %convert_element_type3A_307 = arith.extui %lt3A_306 : i1 to i32
      %cond3A_308 = arith.constant 0 : i32
      %cond3A_309 = arith.cmpi ne, %convert_element_type3A_307, %cond3A_308 : i32
      scf.if %cond3A_309 {
        %add3A_338 = arith.constant 4 : i32
        %add3A_339 = arith.addi %add3A_285, %add3A_338 : i32
        %dma_start3A_340 = arith.constant 0 : i32
        %dma_start3A_341 = tpu.memref_slice %arg6[%add3A_339, %dma_start3A_340] : memref<80x128xi32, #tpu.memory_space<vmem>> -> memref<1x128xi32, #tpu.memory_space<vmem>>
        %dma_start3A_342 = tpu.memref_squeeze %dma_start3A_341 : memref<1x128xi32, #tpu.memory_space<vmem>> -> memref<128xi32, #tpu.memory_space<vmem>>
        %dma_start3A_343 = arith.constant 0 : i32
        %dma_start3A_344 = arith.constant 0 : i32
        %dma_start3A_345 = tpu.memref_slice %arg18[%dma_start3A_343, %dma_start3A_344] : memref<10240x16xf32, #tpu.memory_space<vmem_shared>> -> memref<10240x16xf32, #tpu.memory_space<vmem_shared>>
        tpu.enqueue_indirect_dma source(%dma_start3A_345 : memref<10240x16xf32, #tpu.memory_space<vmem_shared>>) target(%arg10 : memref<128x16xf32, #tpu.memory_space<vmem>>) offsets(%dma_start3A_342 : memref<128xi32, #tpu.memory_space<vmem>>) semaphore(%arg21 : memref<!tpu.dma_semaphore, #tpu.memory_space<semaphore_mem>>)
      } else {
      }
      %mul3A_310 = arith.constant 8 : i32
      %mul3A_311 = arith.muli %scan3A_117, %mul3A_310 : i32
      %add3A_312 = arith.constant 7 : i32
      %add3A_313 = arith.addi %mul3A_311, %add3A_312 : i32
      %dma_wait3A_314 = arith.constant 0 : i32
      %dma_wait3A_315 = tpu.memref_slice %arg6[%add3A_313, %dma_wait3A_314] : memref<80x128xi32, #tpu.memory_space<vmem>> -> memref<1x128xi32, #tpu.memory_space<vmem>>
      %dma_wait3A_316 = tpu.memref_squeeze %dma_wait3A_315 : memref<1x128xi32, #tpu.memory_space<vmem>> -> memref<128xi32, #tpu.memory_space<vmem>>
      %dma_wait3A_317 = arith.constant 0 : i32
      %dma_wait3A_318 = arith.constant 0 : i32
      %dma_wait3A_319 = tpu.memref_slice %arg18[%dma_wait3A_317, %dma_wait3A_318] : memref<10240x16xf32, #tpu.memory_space<vmem_shared>> -> memref<10240x16xf32, #tpu.memory_space<vmem_shared>>
      tpu.wait_indirect_dma semaphore(%arg26 : memref<!tpu.dma_semaphore, #tpu.memory_space<semaphore_mem>>) src(%dma_wait3A_319 : memref<10240x16xf32, #tpu.memory_space<vmem_shared>>) dst(%arg15 : memref<128x16xf32, #tpu.memory_space<vmem>>)
      %dma_start3A_320 = arith.constant 0 : i32
      %dma_start3A_321 = tpu.memref_slice %arg7[%add3A_313, %dma_start3A_320] : memref<80x128xi32, #tpu.memory_space<vmem>> -> memref<1x128xi32, #tpu.memory_space<vmem>>
      %dma_start3A_322 = tpu.memref_squeeze %dma_start3A_321 : memref<1x128xi32, #tpu.memory_space<vmem>> -> memref<128xi32, #tpu.memory_space<vmem>>
      %dma_start3A_323 = arith.constant 0 : i32
      %dma_start3A_324 = arith.constant 0 : i32
      %dma_start3A_325 = tpu.memref_slice %arg17[%dma_start3A_323, %dma_start3A_324] : memref<10240x16xf32, #tpu.memory_space<vmem_shared>> -> memref<10240x16xf32, #tpu.memory_space<vmem_shared>>
      tpu.enqueue_indirect_dma source(%arg15 : memref<128x16xf32, #tpu.memory_space<vmem>>) target(%dma_start3A_325 : memref<10240x16xf32, #tpu.memory_space<vmem_shared>>) offsets(%dma_start3A_322 : memref<128xi32, #tpu.memory_space<vmem>>) semaphore(%arg34 : memref<!tpu.dma_semaphore, #tpu.memory_space<semaphore_mem>>) {add = true}
      %ge3A_326 = arith.constant 4 : i32
      %ge3A_327 = arith.cmpi sge, %add3A_313, %ge3A_326 : i32
      %convert_element_type3A_328 = arith.extui %ge3A_327 : i1 to i32
      %cond3A_329 = arith.constant 0 : i32
      %cond3A_330 = arith.cmpi ne, %convert_element_type3A_328, %cond3A_329 : i32
      scf.if %cond3A_330 {
        %sub3A = arith.constant 4 : i32
        %sub3A_338 = arith.subi %add3A_313, %sub3A : i32
        %dma_wait3A_339 = arith.constant 0 : i32
        %dma_wait3A_340 = tpu.memref_slice %arg7[%sub3A_338, %dma_wait3A_339] : memref<80x128xi32, #tpu.memory_space<vmem>> -> memref<1x128xi32, #tpu.memory_space<vmem>>
        %dma_wait3A_341 = tpu.memref_squeeze %dma_wait3A_340 : memref<1x128xi32, #tpu.memory_space<vmem>> -> memref<128xi32, #tpu.memory_space<vmem>>
        %dma_wait3A_342 = arith.constant 0 : i32
        %dma_wait3A_343 = arith.constant 0 : i32
        %dma_wait3A_344 = tpu.memref_slice %arg17[%dma_wait3A_342, %dma_wait3A_343] : memref<10240x16xf32, #tpu.memory_space<vmem_shared>> -> memref<10240x16xf32, #tpu.memory_space<vmem_shared>>
        tpu.wait_indirect_dma semaphore(%arg30 : memref<!tpu.dma_semaphore, #tpu.memory_space<semaphore_mem>>) src(%arg11 : memref<128x16xf32, #tpu.memory_space<vmem>>) dst(%dma_wait3A_344 : memref<10240x16xf32, #tpu.memory_space<vmem_shared>>)
      } else {
      }
      %add3A_331 = arith.constant 4 : i32
      %add3A_332 = arith.addi %add3A_313, %add3A_331 : i32
      %lt3A_333 = arith.constant 80 : i32
      %lt3A_334 = arith.cmpi slt, %add3A_332, %lt3A_333 : i32
      %convert_element_type3A_335 = arith.extui %lt3A_334 : i1 to i32
      %cond3A_336 = arith.constant 0 : i32
      %cond3A_337 = arith.cmpi ne, %convert_element_type3A_335, %cond3A_336 : i32
      scf.if %cond3A_337 {
        %add3A_338 = arith.constant 4 : i32
        %add3A_339 = arith.addi %add3A_313, %add3A_338 : i32
        %dma_start3A_340 = arith.constant 0 : i32
        %dma_start3A_341 = tpu.memref_slice %arg6[%add3A_339, %dma_start3A_340] : memref<80x128xi32, #tpu.memory_space<vmem>> -> memref<1x128xi32, #tpu.memory_space<vmem>>
        %dma_start3A_342 = tpu.memref_squeeze %dma_start3A_341 : memref<1x128xi32, #tpu.memory_space<vmem>> -> memref<128xi32, #tpu.memory_space<vmem>>
        %dma_start3A_343 = arith.constant 0 : i32
        %dma_start3A_344 = arith.constant 0 : i32
        %dma_start3A_345 = tpu.memref_slice %arg18[%dma_start3A_343, %dma_start3A_344] : memref<10240x16xf32, #tpu.memory_space<vmem_shared>> -> memref<10240x16xf32, #tpu.memory_space<vmem_shared>>
        tpu.enqueue_indirect_dma source(%dma_start3A_345 : memref<10240x16xf32, #tpu.memory_space<vmem_shared>>) target(%arg11 : memref<128x16xf32, #tpu.memory_space<vmem>>) offsets(%dma_start3A_342 : memref<128xi32, #tpu.memory_space<vmem>>) semaphore(%arg22 : memref<!tpu.dma_semaphore, #tpu.memory_space<semaphore_mem>>)
      } else {
      }
    }
    %scan3A_87 = arith.constant 10 : i32
    %dma_wait3A_88 = arith.constant 76 : i32
    %dma_wait3A_89 = arith.constant 0 : i32
    %dma_wait3A_90 = tpu.memref_slice %arg7[%dma_wait3A_88, %dma_wait3A_89] : memref<80x128xi32, #tpu.memory_space<vmem>> -> memref<1x128xi32, #tpu.memory_space<vmem>>
    %dma_wait3A_91 = tpu.memref_squeeze %dma_wait3A_90 : memref<1x128xi32, #tpu.memory_space<vmem>> -> memref<128xi32, #tpu.memory_space<vmem>>
    %dma_wait3A_92 = arith.constant 0 : i32
    %dma_wait3A_93 = arith.constant 0 : i32
    %dma_wait3A_94 = tpu.memref_slice %arg17[%dma_wait3A_92, %dma_wait3A_93] : memref<10240x16xf32, #tpu.memory_space<vmem_shared>> -> memref<10240x16xf32, #tpu.memory_space<vmem_shared>>
    tpu.wait_indirect_dma semaphore(%arg31 : memref<!tpu.dma_semaphore, #tpu.memory_space<semaphore_mem>>) src(%arg12 : memref<128x16xf32, #tpu.memory_space<vmem>>) dst(%dma_wait3A_94 : memref<10240x16xf32, #tpu.memory_space<vmem_shared>>)
    %dma_wait3A_95 = arith.constant 77 : i32
    %dma_wait3A_96 = arith.constant 0 : i32
    %dma_wait3A_97 = tpu.memref_slice %arg7[%dma_wait3A_95, %dma_wait3A_96] : memref<80x128xi32, #tpu.memory_space<vmem>> -> memref<1x128xi32, #tpu.memory_space<vmem>>
    %dma_wait3A_98 = tpu.memref_squeeze %dma_wait3A_97 : memref<1x128xi32, #tpu.memory_space<vmem>> -> memref<128xi32, #tpu.memory_space<vmem>>
    %dma_wait3A_99 = arith.constant 0 : i32
    %dma_wait3A_100 = arith.constant 0 : i32
    %dma_wait3A_101 = tpu.memref_slice %arg17[%dma_wait3A_99, %dma_wait3A_100] : memref<10240x16xf32, #tpu.memory_space<vmem_shared>> -> memref<10240x16xf32, #tpu.memory_space<vmem_shared>>
    tpu.wait_indirect_dma semaphore(%arg32 : memref<!tpu.dma_semaphore, #tpu.memory_space<semaphore_mem>>) src(%arg13 : memref<128x16xf32, #tpu.memory_space<vmem>>) dst(%dma_wait3A_101 : memref<10240x16xf32, #tpu.memory_space<vmem_shared>>)
    %dma_wait3A_102 = arith.constant 78 : i32
    %dma_wait3A_103 = arith.constant 0 : i32
    %dma_wait3A_104 = tpu.memref_slice %arg7[%dma_wait3A_102, %dma_wait3A_103] : memref<80x128xi32, #tpu.memory_space<vmem>> -> memref<1x128xi32, #tpu.memory_space<vmem>>
    %dma_wait3A_105 = tpu.memref_squeeze %dma_wait3A_104 : memref<1x128xi32, #tpu.memory_space<vmem>> -> memref<128xi32, #tpu.memory_space<vmem>>
    %dma_wait3A_106 = arith.constant 0 : i32
    %dma_wait3A_107 = arith.constant 0 : i32
    %dma_wait3A_108 = tpu.memref_slice %arg17[%dma_wait3A_106, %dma_wait3A_107] : memref<10240x16xf32, #tpu.memory_space<vmem_shared>> -> memref<10240x16xf32, #tpu.memory_space<vmem_shared>>
    tpu.wait_indirect_dma semaphore(%arg33 : memref<!tpu.dma_semaphore, #tpu.memory_space<semaphore_mem>>) src(%arg14 : memref<128x16xf32, #tpu.memory_space<vmem>>) dst(%dma_wait3A_108 : memref<10240x16xf32, #tpu.memory_space<vmem_shared>>)
    %dma_wait3A_109 = arith.constant 79 : i32
    %dma_wait3A_110 = arith.constant 0 : i32
    %dma_wait3A_111 = tpu.memref_slice %arg7[%dma_wait3A_109, %dma_wait3A_110] : memref<80x128xi32, #tpu.memory_space<vmem>> -> memref<1x128xi32, #tpu.memory_space<vmem>>
    %dma_wait3A_112 = tpu.memref_squeeze %dma_wait3A_111 : memref<1x128xi32, #tpu.memory_space<vmem>> -> memref<128xi32, #tpu.memory_space<vmem>>
    %dma_wait3A_113 = arith.constant 0 : i32
    %dma_wait3A_114 = arith.constant 0 : i32
    %dma_wait3A_115 = tpu.memref_slice %arg17[%dma_wait3A_113, %dma_wait3A_114] : memref<10240x16xf32, #tpu.memory_space<vmem_shared>> -> memref<10240x16xf32, #tpu.memory_space<vmem_shared>>
    tpu.wait_indirect_dma semaphore(%arg34 : memref<!tpu.dma_semaphore, #tpu.memory_space<semaphore_mem>>) src(%arg15 : memref<128x16xf32, #tpu.memory_space<vmem>>) dst(%dma_wait3A_115 : memref<10240x16xf32, #tpu.memory_space<vmem_shared>>)
    %barrier3A_116 = arith.constant 0 : index
    tpu.barrier barrier_id(%barrier3A_116)
    "tpu.region"() ({
      %run_scoped3A = tpu.sem_alloc : memref<!tpu.dma_semaphore, #tpu.memory_space<semaphore_mem>>
      %dma_start3A_117 = arith.constant 0 : i32
      %dma_start3A_118 = tpu.memref_slice %arg5[%arg0, %mul3A_2, %dma_start3A_117] : memref<2x10240x16xf32, #tpu.memory_space<hbm>> -> memref<1x640x16xf32, #tpu.memory_space<hbm>>
      %dma_start3A_119 = tpu.memref_squeeze %dma_start3A_118 : memref<1x640x16xf32, #tpu.memory_space<hbm>> -> memref<640x16xf32, #tpu.memory_space<hbm>>
      %dma_start3A_120 = arith.constant 0 : i32
      %dma_start3A_121 = tpu.memref_slice %arg17[%mul3A_2, %dma_start3A_120] : memref<10240x16xf32, #tpu.memory_space<vmem_shared>> -> memref<640x16xf32, #tpu.memory_space<vmem_shared>>
      tpu.enqueue_dma source(%dma_start3A_121 : memref<640x16xf32, #tpu.memory_space<vmem_shared>>) target(%dma_start3A_119 : memref<640x16xf32, #tpu.memory_space<hbm>>) target_semaphore(%run_scoped3A : memref<!tpu.dma_semaphore, #tpu.memory_space<semaphore_mem>>)
      %dma_wait3A_122 = arith.constant 0 : i32
      %dma_wait3A_123 = tpu.memref_slice %arg5[%arg0, %mul3A_2, %dma_wait3A_122] : memref<2x10240x16xf32, #tpu.memory_space<hbm>> -> memref<1x640x16xf32, #tpu.memory_space<hbm>>
      %dma_wait3A_124 = tpu.memref_squeeze %dma_wait3A_123 : memref<1x640x16xf32, #tpu.memory_space<hbm>> -> memref<640x16xf32, #tpu.memory_space<hbm>>
      %dma_wait3A_125 = arith.constant 0 : i32
      %dma_wait3A_126 = tpu.memref_slice %arg17[%mul3A_2, %dma_wait3A_125] : memref<10240x16xf32, #tpu.memory_space<vmem_shared>> -> memref<640x16xf32, #tpu.memory_space<vmem_shared>>
      tpu.wait_dma2 semaphore(%run_scoped3A : memref<!tpu.dma_semaphore, #tpu.memory_space<semaphore_mem>>) src(%dma_wait3A_126 : memref<640x16xf32, #tpu.memory_space<vmem_shared>>) dst(%dma_wait3A_124 : memref<640x16xf32, #tpu.memory_space<hbm>>)
      tpu.yield
    }) : () -> ()
    return
  }
}

module attributes {stable_mosaic.version = 14 : i64} {
  func.func @_tc_h1(%arg0: memref<1250x1024xf32, #tpu.memory_space<vmem>>, %arg1: memref<1024x128xf32, #tpu.memory_space<vmem>>, %arg2: memref<2x1280x128xf32, #tpu.memory_space<vmem>>, %arg3: memref<1250x128xf32, #tpu.memory_space<vmem>>) attributes {dimension_semantics = [], scalar_prefetch = 0 : i64, scratch_operands = 0 : i64, tpu.core_type = #tpu.core_type<tc>} {
    %get3A = arith.constant 0 : index
    %get3A_0 = arith.constant 0 : index
    %get3A_1 = vector.load %arg0[%get3A, %get3A_0] : memref<1250x1024xf32, #tpu.memory_space<vmem>>, vector<1250x1024xf32>
    %get3A_2 = arith.constant 0 : index
    %get3A_3 = arith.constant 0 : index
    %get3A_4 = vector.load %arg1[%get3A_2, %get3A_3] : memref<1024x128xf32, #tpu.memory_space<vmem>>, vector<1024x128xf32>
    %dot_general3A = arith.constant dense<0.000000e+00> : vector<1250x128xf32>
    %dot_general3A_5 = tpu.matmul %get3A_1, %get3A_4, %dot_general3A {dimension_numbers = #tpu.dot_dimension_numbers<[1], [0], [0], [1], [0, 0, 1, 1], [], []>, transpose_lhs_hint = false} : vector<1250x1024xf32>, vector<1024x128xf32>, vector<1250x128xf32> -> vector<1250x128xf32>
    %get3A_6 = arith.constant 0 : index
    %get3A_7 = arith.constant 0 : index
    %get3A_8 = arith.constant 0 : index
    %get3A_9 = vector.load %arg2[%get3A_6, %get3A_7, %get3A_8] : memref<2x1280x128xf32, #tpu.memory_space<vmem>>, vector<1x1250x128xf32>
    %get3A_10 = vector.shape_cast %get3A_9 : vector<1x1250x128xf32> to vector<1250x128xf32>
    %get3A_11 = arith.constant 1 : index
    %get3A_12 = arith.constant 0 : index
    %get3A_13 = arith.constant 0 : index
    %get3A_14 = vector.load %arg2[%get3A_11, %get3A_12, %get3A_13] : memref<2x1280x128xf32, #tpu.memory_space<vmem>>, vector<1x1250x128xf32>
    %get3A_15 = vector.shape_cast %get3A_14 : vector<1x1250x128xf32> to vector<1250x128xf32>
    %add3A = arith.addf %get3A_10, %get3A_15 : vector<1250x128xf32>
    %add3A_16 = arith.constant 1.000000e+00 : f32
    %add3A_17 = vector.broadcast %add3A_16 : f32 to vector<1250x128xf32>
    %add3A_18 = arith.addf %add3A, %add3A_17 : vector<1250x128xf32>
    %rsqrt3A = math.rsqrt %add3A_18 : vector<1250x128xf32>
    %mul3A = arith.mulf %dot_general3A_5, %rsqrt3A : vector<1250x128xf32>
    %swap3A = arith.constant 0 : index
    %swap3A_19 = arith.constant 0 : index
    %swap3A_20 = vector.load %arg3[%swap3A, %swap3A_19] : memref<1250x128xf32, #tpu.memory_space<vmem>>, vector<1250x128xf32>
    tpu.vector_store %arg3[%swap3A, %swap3A_19], %mul3A {strides = array<i32>} : memref<1250x128xf32, #tpu.memory_space<vmem>>, vector<1250x128xf32>,
    return
  }
}

module attributes {stable_mosaic.version = 14 : i64} {
  func.func @_tc_mid(%arg0: memref<2x1280x128xf32, #tpu.memory_space<vmem>>, %arg1: memref<1250x128xf32, #tpu.memory_space<vmem>>, %arg2: memref<2x1280x128xf32, #tpu.memory_space<vmem>>, %arg3: memref<128x128xf32, #tpu.memory_space<vmem>>, %arg4: memref<1x128xf32, #tpu.memory_space<vmem>>, %arg5: memref<1250x128xf32, #tpu.memory_space<vmem>>) attributes {dimension_semantics = [], scalar_prefetch = 0 : i64, scratch_operands = 0 : i64, tpu.core_type = #tpu.core_type<tc>} {
    %get3A = arith.constant 0 : index
    %get3A_0 = arith.constant 0 : index
    %get3A_1 = arith.constant 0 : index
    %get3A_2 = vector.load %arg2[%get3A, %get3A_0, %get3A_1] : memref<2x1280x128xf32, #tpu.memory_space<vmem>>, vector<1x1250x128xf32>
    %get3A_3 = vector.shape_cast %get3A_2 : vector<1x1250x128xf32> to vector<1250x128xf32>
    %get3A_4 = arith.constant 1 : index
    %get3A_5 = arith.constant 0 : index
    %get3A_6 = arith.constant 0 : index
    %get3A_7 = vector.load %arg2[%get3A_4, %get3A_5, %get3A_6] : memref<2x1280x128xf32, #tpu.memory_space<vmem>>, vector<1x1250x128xf32>
    %get3A_8 = vector.shape_cast %get3A_7 : vector<1x1250x128xf32> to vector<1250x128xf32>
    %add3A = arith.addf %get3A_3, %get3A_8 : vector<1250x128xf32>
    %add3A_9 = arith.constant 1.000000e+00 : f32
    %add3A_10 = vector.broadcast %add3A_9 : f32 to vector<1250x128xf32>
    %add3A_11 = arith.addf %add3A, %add3A_10 : vector<1250x128xf32>
    %rsqrt3A = math.rsqrt %add3A_11 : vector<1250x128xf32>
    %get3A_12 = arith.constant 0 : index
    %get3A_13 = arith.constant 0 : index
    %get3A_14 = arith.constant 0 : index
    %get3A_15 = vector.load %arg0[%get3A_12, %get3A_13, %get3A_14] : memref<2x1280x128xf32, #tpu.memory_space<vmem>>, vector<1x1250x128xf32>
    %get3A_16 = vector.shape_cast %get3A_15 : vector<1x1250x128xf32> to vector<1250x128xf32>
    %get3A_17 = arith.constant 1 : index
    %get3A_18 = arith.constant 0 : index
    %get3A_19 = arith.constant 0 : index
    %get3A_20 = vector.load %arg0[%get3A_17, %get3A_18, %get3A_19] : memref<2x1280x128xf32, #tpu.memory_space<vmem>>, vector<1x1250x128xf32>
    %get3A_21 = vector.shape_cast %get3A_20 : vector<1x1250x128xf32> to vector<1250x128xf32>
    %add3A_22 = arith.addf %get3A_16, %get3A_21 : vector<1250x128xf32>
    %get3A_23 = arith.constant 0 : index
    %get3A_24 = arith.constant 0 : index
    %get3A_25 = vector.load %arg1[%get3A_23, %get3A_24] : memref<1250x128xf32, #tpu.memory_space<vmem>>, vector<1250x128xf32>
    %add3A_26 = arith.addf %add3A_22, %get3A_25 : vector<1250x128xf32>
    %mul3A = arith.mulf %rsqrt3A, %add3A_26 : vector<1250x128xf32>
    %get3A_27 = arith.constant 0 : index
    %get3A_28 = arith.constant 0 : index
    %get3A_29 = vector.load %arg4[%get3A_27, %get3A_28] : memref<1x128xf32, #tpu.memory_space<vmem>>, vector<1x128xf32>
    %add3A_30 = vector.broadcast %get3A_29 : vector<1x128xf32> to vector<1250x128xf32>
    %add3A_31 = arith.addf %mul3A, %add3A_30 : vector<1250x128xf32>
    %max3A = arith.constant 0.000000e+00 : f32
    %max3A_32 = vector.broadcast %max3A : f32 to vector<1250x128xf32>
    %max3A_33 = arith.maximumf %add3A_31, %max3A_32 : vector<1250x128xf32>
    %get3A_34 = arith.constant 0 : index
    %get3A_35 = arith.constant 0 : index
    %get3A_36 = vector.load %arg3[%get3A_34, %get3A_35] : memref<128x128xf32, #tpu.memory_space<vmem>>, vector<128x128xf32>
    %dot_general3A = arith.constant dense<0.000000e+00> : vector<1250x128xf32>
    %dot_general3A_37 = tpu.matmul %max3A_33, %get3A_36, %dot_general3A {dimension_numbers = #tpu.dot_dimension_numbers<[1], [0], [0], [1], [0, 0, 1, 1], [], []>, transpose_lhs_hint = false} : vector<1250x128xf32>, vector<128x128xf32>, vector<1250x128xf32> -> vector<1250x128xf32>
    %mul3A_38 = arith.mulf %dot_general3A_37, %rsqrt3A : vector<1250x128xf32>
    %swap3A = arith.constant 0 : index
    %swap3A_39 = arith.constant 0 : index
    %swap3A_40 = vector.load %arg5[%swap3A, %swap3A_39] : memref<1250x128xf32, #tpu.memory_space<vmem>>, vector<1250x128xf32>
    tpu.vector_store %arg5[%swap3A, %swap3A_39], %mul3A_38 {strides = array<i32>} : memref<1250x128xf32, #tpu.memory_space<vmem>>, vector<1250x128xf32>,
    return
  }
}

module attributes {stable_mosaic.version = 14 : i64} {
  func.func @_tc_out(%arg0: memref<2x1280x128xf32, #tpu.memory_space<vmem>>, %arg1: memref<1250x128xf32, #tpu.memory_space<vmem>>, %arg2: memref<2x1280x128xf32, #tpu.memory_space<vmem>>, %arg3: memref<1x128xf32, #tpu.memory_space<vmem>>, %arg4: memref<1250x128xf32, #tpu.memory_space<vmem>>) attributes {dimension_semantics = [], scalar_prefetch = 0 : i64, scratch_operands = 0 : i64, tpu.core_type = #tpu.core_type<tc>} {
    %get3A = arith.constant 0 : index
    %get3A_0 = arith.constant 0 : index
    %get3A_1 = arith.constant 0 : index
    %get3A_2 = vector.load %arg2[%get3A, %get3A_0, %get3A_1] : memref<2x1280x128xf32, #tpu.memory_space<vmem>>, vector<1x1250x128xf32>
    %get3A_3 = vector.shape_cast %get3A_2 : vector<1x1250x128xf32> to vector<1250x128xf32>
    %get3A_4 = arith.constant 1 : index
    %get3A_5 = arith.constant 0 : index
    %get3A_6 = arith.constant 0 : index
    %get3A_7 = vector.load %arg2[%get3A_4, %get3A_5, %get3A_6] : memref<2x1280x128xf32, #tpu.memory_space<vmem>>, vector<1x1250x128xf32>
    %get3A_8 = vector.shape_cast %get3A_7 : vector<1x1250x128xf32> to vector<1250x128xf32>
    %add3A = arith.addf %get3A_3, %get3A_8 : vector<1250x128xf32>
    %add3A_9 = arith.constant 1.000000e+00 : f32
    %add3A_10 = vector.broadcast %add3A_9 : f32 to vector<1250x128xf32>
    %add3A_11 = arith.addf %add3A, %add3A_10 : vector<1250x128xf32>
    %rsqrt3A = math.rsqrt %add3A_11 : vector<1250x128xf32>
    %get3A_12 = arith.constant 0 : index
    %get3A_13 = arith.constant 0 : index
    %get3A_14 = arith.constant 0 : index
    %get3A_15 = vector.load %arg0[%get3A_12, %get3A_13, %get3A_14] : memref<2x1280x128xf32, #tpu.memory_space<vmem>>, vector<1x1250x128xf32>
    %get3A_16 = vector.shape_cast %get3A_15 : vector<1x1250x128xf32> to vector<1250x128xf32>
    %get3A_17 = arith.constant 1 : index
    %get3A_18 = arith.constant 0 : index
    %get3A_19 = arith.constant 0 : index
    %get3A_20 = vector.load %arg0[%get3A_17, %get3A_18, %get3A_19] : memref<2x1280x128xf32, #tpu.memory_space<vmem>>, vector<1x1250x128xf32>
    %get3A_21 = vector.shape_cast %get3A_20 : vector<1x1250x128xf32> to vector<1250x128xf32>
    %add3A_22 = arith.addf %get3A_16, %get3A_21 : vector<1250x128xf32>
    %get3A_23 = arith.constant 0 : index
    %get3A_24 = arith.constant 0 : index
    %get3A_25 = vector.load %arg1[%get3A_23, %get3A_24] : memref<1250x128xf32, #tpu.memory_space<vmem>>, vector<1250x128xf32>
    %add3A_26 = arith.addf %add3A_22, %get3A_25 : vector<1250x128xf32>
    %mul3A = arith.mulf %rsqrt3A, %add3A_26 : vector<1250x128xf32>
    %get3A_27 = arith.constant 0 : index
    %get3A_28 = arith.constant 0 : index
    %get3A_29 = vector.load %arg3[%get3A_27, %get3A_28] : memref<1x128xf32, #tpu.memory_space<vmem>>, vector<1x128xf32>
    %add3A_30 = vector.broadcast %get3A_29 : vector<1x128xf32> to vector<1250x128xf32>
    %add3A_31 = arith.addf %mul3A, %add3A_30 : vector<1250x128xf32>
    %swap3A = arith.constant 0 : index
    %swap3A_32 = arith.constant 0 : index
    %swap3A_33 = vector.load %arg4[%swap3A, %swap3A_32] : memref<1250x128xf32, #tpu.memory_space<vmem>>, vector<1250x128xf32>
    tpu.vector_store %arg4[%swap3A, %swap3A_32], %add3A_31 {strides = array<i32>} : memref<1250x128xf32, #tpu.memory_space<vmem>>, vector<1250x128xf32>,
    return
  }
}

</mosaic_0001>

<sc_bundles>
// kernel: kernel.11.cloned.1.call-start
scs
__scs_entry_jumppad:
0x0: {  	(pc) =	sbr.rel $0x88, $3  }
0x1: {  	(tag) =	ssettag $0x0;
	lr =	simm.s32 $0x1  }
0x2: {  	[smem:$0x3F9B] =	sst lr;
	_ =	strace $0xD0000000  }
0x3: {  	_ = 	snop  }
0x4: {  	_ = 	snop  }
0x5: {  	_ = 	snop  }
0x6: {  	_ = 	snop  }
0x7: {  	_ = 	snop  }
__scs_overlays_trampoline_lowered:
0x8: {  	[smem:$0x3FAA] =	sst s0  }
0x9: {  	[smem:$0x3FAB] =	sst s1  }
0xa: {  	[smem:$0x3FAC] =	sst s2  }
0xb: {  	[smem:$0x3FAD] =	sst s3  }
0xc: {  	[smem:$0x3FAE] =	sst s4  }
0xd: {  	[smem:$0x3FAF] =	sst s5  }
0xe: {  	[smem:$0x3FB0] =	sst s6  }
0xf: {  	[smem:$0x3FB1] =	sst s7  }
0x10: {  	[smem:$0x3FB2] =	sst s8  }
0x11: {  	[smem:$0x3FB3] =	sst s9;
	s0 =	simm.s32 @!p0 $0x0  }
0x12: {  	s1 =	sld [smem:$0x3F99];
	s0 =	simm.s32 @p0 $0x1  }
0x13: {  	[smem:$0x3FB4] =	sst s0;
	s0 =	simm.s32 @!p1 $0x0  }
0x14: {  	s2 =	sld [smem:$0x3F98];
	s0 =	simm.s32 @p1 $0x1  }
0x15: {  	[smem:$0x3FB5] =	sst s0;
	s0 =	simm.s32 @!p2 $0x0  }
0x16: {  	s3 =	sld [smem:$0x3FDB];
	s0 =	simm.s32 @p2 $0x1  }
0x17: {  	s4 =	simm.s32 $0x1BF5;
	[smem:$0x3FB7] =	sst s0  }
0x18: {  	s0 =	sld [smem:$0x3F9A];
	_ =	swait.ge [sflag:s4], $0x0  }
0x19: {  	s7 =	sld [smem:$0x3F9B]  }
0x1a: {  	s8 =	sadd.s32 $0xFFFFE003, lr  }
0x1b: {  	s9 =	sadd.s32 $0xFFFFFEF7, lr;
	s5 =	simm.s32 $0xFFFFFFFF;
	p2 =	slt.u32 s8, $0xFFFFF086  }
0x1c: {  	p1 =	slt.u32 s9, $0xF7A;
	s5 =	simm.s32 @!p2 $0x0  }
0x1d: {  	s5 =	simm.s32 @p1 $0x1;
	p0 =	seq.s32 s7, s2  }
0x1e: {  	s7 =	smul.u32 @!p0 $0xF7A, s2;
	p2 =	seq.s32 @!p0 s5, $0x0  }
0x1f: {  	s9 =	smul.u32 $0xF7A, s1;
	s8 =	simm.s32 @!p0 $0x1BF5;
	p2 =	por !p2, p0  }
0x20: {  	[sflag:s8] =	ssyncset.s32 @!p0 $0xFFFFF086;
	s6 =	sadd.s32 @!p0 s3, s7;
	s7 =	simm.s32 @!p0 $0x108  }
0x21: {  	s3 =	sadd.s32 s3, s9;
	s6 =	sadd.s32 @!p0 $0x88, s6;
	s7 =	simm.s32 @p2 $0x1082  }
0x22: {  	[simem:s7], [sflag:s8] =	dma.local @!p0 [hbm:s6], $0xF7A  }
0x23: {  	s9 =	sor.u32 $0xD0000000, s2;
	s6 =	simm.s32 $0x108;
	_ =	swait.ge @!p0 [sflag:s8], $0x0  }
0x24: {  	s3 =	sadd.s32 $0x88, s3;
	s6 =	simm.s32 @!p1 $0x1082;
	[sflag:s4] =	ssyncset.s32 $0xFFFFF086  }
0x25: {  	[simem:s6], [sflag:s4] =	dma.local [hbm:s3], $0xF7A  }
0x26: {  	[smem:$0x3F9B] =	sst s1;
	(tag) =	ssettag s2;
	_ =	strace s9  }
0x27: {  	s1 =	sld [smem:$0x3FAB]  }
0x28: {  	s2 =	sld [smem:$0x3FAC]  }
0x29: {  	s4 =	sld [smem:$0x3FAE]  }
0x2a: {  	p0 =	seq.s32 s5, $0x0;
	s5 =	sld [smem:$0x3FAF]  }
0x2b: {  	s6 =	sld [smem:$0x3FB0]  }
0x2c: {  	s7 =	sld [smem:$0x3FB1]  }
0x2d: {  	s3 =	simm.s32 $0x108;
	s8 =	sld [smem:$0x3FB2]  }
0x2e: {  	s3 =	simm.s32 @!p0 $0x1082;
	s9 =	sld [smem:$0x3FB3]  }
0x2f: {  	lr =	sadd.s32 s0, s3;
	s0 =	sld [smem:$0x3FAA]  }
0x30: {  	s3 =	sld [smem:$0x3FAD]  }
0x31: {  	[smem:$0x3FB6] =	sst s10  }
0x32: {  	s10 =	sld [smem:$0x3FB4];
	_ =	sdelay $0x3  }
0x33: {  	p0 =	seq.s32 s10, $0x1;
	s10 =	sld [smem:$0x3FB6];
	_ =	sdelay $0x3  }
0x34: {  	[smem:$0x3FB6] =	sst s10  }
0x35: {  	s10 =	sld [smem:$0x3FB5];
	_ =	sdelay $0x3  }
0x36: {  	p1 =	seq.s32 s10, $0x1;
	s10 =	sld [smem:$0x3FB6];
	_ =	sdelay $0x3  }
0x37: {  	[smem:$0x3FB6] =	sst s10  }
0x38: {  	s10 =	sld [smem:$0x3FB7]  }
0x39: {  	_ = 	snop;
	(pc) =	sbr.ind lr, $3  }
0x3a: {  	_ = 	snop  }
0x3b: {  	_ = 	snop  }
0x3c: {  	p2 =	seq.s32 s10, $0x1;
	s10 =	sld [smem:$0x3FB6]  }
0x3d: {  	_ =	shalt  }
0x3e: {  	_ =	shalt  }
0x3f: {  	_ =	shalt  }
0x40: {  	_ =	shalt  }
0x41: {  	_ =	shalt  }
0x42: {  	_ =	shalt  }
0x43: {  	_ =	shalt  }
0x44: {  	_ =	shalt  }
0x45: {  	_ =	shalt  }
0x46: {  	_ =	shalt  }
0x47: {  	_ =	shalt  }
0x48: {  	_ =	shalt  }
0x49: {  	_ =	shalt  }
0x4a: {  	_ =	shalt  }
0x4b: {  	_ =	shalt  }
0x4c: {  	_ =	shalt  }
0x4d: {  	_ =	shalt  }
0x4e: {  	_ =	shalt  }
0x4f: {  	_ =	shalt  }
0x50: {  	_ =	shalt  }
0x51: {  	_ =	shalt  }
0x52: {  	_ =	shalt  }
0x53: {  	_ =	shalt  }
0x54: {  	_ =	shalt  }
0x55: {  	_ =	shalt  }
0x56: {  	_ =	shalt  }
0x57: {  	_ =	shalt  }
0x58: {  	_ =	shalt  }
0x59: {  	_ =	shalt  }
0x5a: {  	_ =	shalt  }
0x5b: {  	_ =	shalt  }
0x5c: {  	_ =	shalt  }
0x5d: {  	_ =	shalt  }
0x5e: {  	_ =	shalt  }
0x5f: {  	_ =	shalt  }
0x60: {  	_ =	shalt  }
0x61: {  	_ =	shalt  }
0x62: {  	_ =	shalt  }
0x63: {  	_ =	shalt  }
0x64: {  	_ =	shalt  }
0x65: {  	_ =	shalt  }
0x66: {  	_ =	shalt  }
0x67: {  	_ =	shalt  }
0x68: {  	_ =	shalt  }
0x69: {  	_ =	shalt  }
0x6a: {  	_ =	shalt  }
0x6b: {  	_ =	shalt  }
0x6c: {  	_ =	shalt  }
0x6d: {  	_ =	shalt  }
0x6e: {  	_ =	shalt  }
0x6f: {  	_ =	shalt  }
0x70: {  	_ =	shalt  }
0x71: {  	_ =	shalt  }
0x72: {  	_ =	shalt  }
0x73: {  	_ =	shalt  }
0x74: {  	_ =	shalt  }
0x75: {  	_ =	shalt  }
0x76: {  	_ =	shalt  }
0x77: {  	_ =	shalt  }
0x78: {  	_ =	shalt  }
0x79: {  	_ =	shalt  }
0x7a: {  	_ =	shalt  }
0x7b: {  	_ =	shalt  }
0x7c: {  	_ =	shalt  }
0x7d: {  	_ =	shalt  }
0x7e: {  	_ =	shalt  }
0x7f: {  	_ =	shalt  }
0x80: {  	_ =	shalt  }
0x81: {  	_ =	shalt  }
0x82: {  	_ =	shalt  }
0x83: {  	_ =	shalt  }
0x84: {  	_ =	shalt  }
0x85: {  	_ =	shalt  }
0x86: {  	_ =	shalt  }
0x87: {  	_ =	shalt  }
.Lfunc_end0:
.L_simem_size_0:
called_computation.1_lowered:
.L_overlay_start_0:
0x88: {  	s2 =	sld [smem:$0x3FD9]  }
0x89: {  	s3 =	sld [smem:$0x3FFE];
	_ =	sdelay $0x1  }
0x8a: {  	s1 =	srdreg.scid  }
0x8b: {  	s0 =	sand.u32 $0x1, s1  }
0x8c: {  	s17 =	sshll.u32 s0, $0xA;
	s2 =	sadd.s32 s3, s2  }
0x8d: {  	s2 =	sadd.s32 s2, s17  }
0x8e: {  	[smem:$0x3FC2] =	sst s2  }
0x8f: {  	_ = 	snop  }
0x90: {  	s2 =	sld [smem:$0x3FD0];
	(tm) =	ssettm $0x1  }
0x91: {  	s18 =	sld [smem:$0x3FFB];
	_ =	sdelay $0x3  }
0x92: {  	_ =	strace s18  }
0x93: {  	s3 =	sld [smem:$0x3FFC];
	_ =	sdelay $0x3  }
0x94: {  	_ =	strace s3  }
0x95: {  	s3 =	sld [smem:$0x3FFD];
	_ =	sdelay $0x3  }
0x96: {  	_ =	strace s3  }
0x97: {  	_ =	strace $0x8FFFFFFF  }
0x98: {  	s19 =	sld [smem:$0x3FDB];
	_ =	sdelay $0x1  }
0x99: {  	s4 =	simm.s32 $_scs_section_size  }
0x9a: {  	s5 =	simm.s32 $_size__tile_overlayer_lowered;
	s6 =	simm.s32 $_tile_overlayer_lowered  }
0x9b: {  	s22 =	simm.s32 $0x1BFF;
	s21 =	sshll.u32 s6, $0x1;
	s3 =	sadd.s32 s4, s19  }
0x9c: {  	s7 =	simm.s32 $0x0;
	s20 =	sshll.u32 s5, $0x1;
	s5 =	sadd.s32 s21, s3  }
0x9d: {  	[timem:s7], [sflag:s22] =	dma.local [hbm:s5], s20  }
0x9e: {  	_ =	swait.ge [sflag:s22], s20  }
0x9f: {  	s4 =	ssub.s32 $0x0, s20;
	[sflag:s22] =	ssyncset.done $0x0  }
0xa0: {  	[sflag:s22] =	ssyncadd.s32 s4;
	_ =	sdelay $0x1  }
0xa1: {  	s23 =	simm.s32 $0x1B8B  }
0xa2: {  	_ =	swait.ge [sflag:s23], $0x1  }
0xa3: {  	[sflag:s23] =	ssyncset.done $0x0  }
0xa4: {  	s25 =	simm.s32 $0x1B8E;
	s24 =	sld [smem:$0x3FFE];
	[sflag:s23] =	ssyncadd.s32 $0xFFFFFFFF  }
0xa5: {  	s26 =	simm.s32 $execute0_lowered;
	[smem:$0x3FD2] =	sst s25  }
0xa6: {  	s5 =	sshll.u32 s26, $0x1;
	_ =	strace $0x80000049;
	[dreg:$0x1] =	wrdreg $0xFFFFFFFF  }
0xa7: {  	s28 =	simm.s32 $_size_execute0_lowered;
	s3 =	sadd.s32 s3, s5;
	[dreg:$0x0] =	wrdreg $0x0  }
0xa8: {  	s5 =	sshll.u32 s28, $0x1;
	[dreg:$0x2] =	wrdreg s3  }
0xa9: {  	[dreg:$0x3] =	wrdreg s5  }
0xaa: {  	[dreg:$0x4] =	wrdreg $0xC0  }
0xab: {  	_ =	task [dreg:s7], $0x5FFFF  }
0xac: {  	[dreg:$0x1] =	wrdreg $0xFFFFFFFF  }
0xad: {  	[dreg:$0x0] =	wrdreg $0x60  }
0xae: {  	[dreg:$0x2] =	wrdreg s2  }
0xaf: {  	[dreg:$0x3] =	wrdreg s24  }
0xb0: {  	[dreg:$0x4] =	wrdreg $0xE0000  }
0xb1: {  	[dreg:$0x5] =	wrdreg $0xB8000  }
0xb2: {  	[dreg:$0x6] =	wrdreg $0x9  }
0xb3: {  	_ =	task.clear_ibuf [dreg:s7], $0x7FFFF;
	_ =	strace $0x90000049  }
0xb4: {  	s29 =	simm.s32 $0x9;
	_ =	strace $0x8000004B  }
0xb5: {  	_ =	swait.ge [sflag:s29], $0x1  }
0xb6: {  	[sflag:s29] =	ssyncadd.s32 $0xFFFFFFFF  }
0xb7: {  	_ =	strace $0x9000004B  }
0xb8: {  	_ =	sfence  }
0xb9: {  	s30 =	sld [smem:$0x0];
	_ =	sdelay $0x2  }
0xba: {  	s31 =	sshll.u32 s1, $0xD;
	s1 =	sshrl.u32 s1, $0x2  }
0xbb: {  	s3 =	sand.u32 $0x4000, s31;
	s1 =	sadd.s32 s1, s30  }
0xbc: {  	s0 =	sor.u32 s3, s0;
	s1 =	sshll.u32 s1, $0x11  }
0xbd: {  	s0 =	sor.u32 s1, s0  }
0xbe: {  	s0 =	sadd.s32 $0x8F2B, s0  }
0xbf: {  	[sflag:s0] =	ssyncadd.remote.s32 $0x1  }
0xc0: {  	_ =	sfence.sel $0xFFFF  }
0xc1: {  	[dreg:$0x0] =	wrdreg $0xFFFFFFFF;
	(pc) =	sbr.abs _section_cstart, $3  }
0xc2: {  	[dreg:$0x1] =	wrdreg $0xFFFFFFFF  }
0xc3: {  	_ =	task.clear_ibuf [dreg:s7], $0x2FFFF;
	_ =	strace $0x9FFFFFFF  }
0xc4: {  	(tm) =	ssettm $0x7FFFFFFF  }
0xc5: {  	_ =	shalt  }
tec
execute0_lowered:
.L_overlay_start_1:
0x0: {  	(tag) =	ssettag $0x1  }
0x1: {  	s1 =	rddreg [dreg:$0x0]  }
0x2: {  	s0 =	srdreg.scid;
	s5 =	rddreg [dreg:$0x1]  }
0x3: {  	s11 =	stileid.u32;
	s2 =	rddreg [dreg:$0x2];
	s17 =	simm.s32 $0x1  }
0x4: {  	s29 =	simm.s32 $0x6800;
	s30 =	simm.s32 $0x7000;
	s31 =	simm.s32 $0x7800  }
0x5: {  	s15 =	simm.s32 $0x5;
	s28 =	simm.s32 $0x7;
	s7 =	smul.u32 $0x2800, s11  }
0x6: {  	s13 =	simm.s32 $0x0;
	s0 =	sand.u32 $0x1, s0;
	s10 =	smul.u32 $0x2710, s11  }
0x7: {  	s22 =	sshll.u32 s11, $0x6;
	s3 =	sshll.u32 s0, $0x4;
	s8 =	smul.u32 $0x28000, s0  }
0x8: {  	s0 =	ssub.s32 $0x2, s0;
	s24 =	sor.u32 $0x1C04, s22;
	s4 =	sor.u32 s11, s3  }
0x9: {  	s3 =	rddreg [dreg:$0x3];
	s9 =	sshrl.u32 s7, $0x3;
	s18 =	sshrl.u32 s0, $0x1  }
0xa: {  	s21 =	sshrl.u32 s10, $0x3;
	s23 =	sadd.s32 s10, s2;
	s6 =	smul.u32 $0x2800, s4  }
0xb: {  	s4 =	simm.s32 $0x0;
	s8 =	sadd.s32 s7, s8;
	s9 =	sadd.s32 s9, s5  }
0xc: {  	s0 =	ssub.s32 s0, s18;
	[smem:$0x7FF] =	sst s4;
	s19 =	sadd.s32 $0x16A00, s9  }
0xd: {  	s1 =	sadd.s32 s1, s21;
	_ =	strace $0x8000004A;
	[dreg:$0x5] =	wrdreg s19  }
0xe: {  	s11 =	sadd.s32 s7, s3;
	s26 =	sshrl.u32 s23, $0x3;
	[dreg:$0x9] =	wrdreg s1  }
0xf: {  	s18 =	simm.s32 $0x11;
	s21 =	simm.s32 $0x4;
	[dreg:$0x8] =	wrdreg s22  }
0x10: {  	s23 =	simm.s32 $0x5000;
	s0 =	smax.u32 s0, $0x1;
	[dreg:$0xa] =	wrdreg s24  }
0x11: {  	s7 =	simm.s32 $0xC;
	s8 =	sshrl.u32 s8, $0x3;
	[dreg:$0xc] =	wrdreg s0  }
0x12: {  	s6 =	sshrl.u32 s6, $0x3;
	[dreg:$0xd] =	wrdreg s26;
	s19 =	simm.s32 $0x2  }
0x13: {  	s22 =	simm.s32 $0x80;
	s24 =	simm.s32 $0x5800;
	s6 =	sadd.s32 s6, s5  }
.Ltmp0:
0x14: {  	s26 =	simm.s32 $0x6000;
	s20 =	sadd.s32 $0x2A00, s6;
	(pc) =	sbr.rel .LBB2_1-.Ltmp0, $4  }
0x15: {  	s5 =	sadd.s32 s8, s5;
	s6 =	sadd.s32 $0xCA00, s6;
	[dreg:$0x6] =	wrdreg s20  }
0x16: {  	s1 =	simm.s32 $0x8000;
	s25 =	sadd.s32 $0x1BA00, s5;
	[dreg:$0x7] =	wrdreg s6  }
0x17: {  	s0 =	simm.s32 $0x8800;
	s5 =	simm.s32 $0xB;
	[dreg:$0xb] =	wrdreg s25  }
0x18: {  	s20 =	simm.s32 $0x3;
	s25 =	simm.s32 $0x9;
	s6 =	simm.s32 $0x8  }
.LBB2_4:
0x19: {  	_ =	swait.ge [sflag:s6], $0x800  }
0x1a: {  	[sflag:s6] =	ssyncset.done $0x0  }
0x1b: {  	[sflag:s6] =	ssyncadd.s32 $0xFFFFF800  }
0x1c: {  	[spmem:s3] =	stream.indirect.scatter.add.f32 [tilespmem:s0], [sflag:$0x10], $0x10, s9, s22, $0xb8;
	[tilespmem:$0x10800] =	vst v63  }
0x1d: {  	_ =	swait.ge [sflag:s7], $0x800  }
0x1e: {  	[sflag:s7] =	ssyncset.done $0x0  }
0x1f: {  	s8 =	simm.s32 $0xD;
	[sflag:s7] =	ssyncadd.s32 $0xFFFFF800  }
0x20: {  	_ =	swait.ge [sflag:s8], $0x800  }
0x21: {  	[sflag:s8] =	ssyncset.done $0x0  }
0x22: {  	s16 =	simm.s32 $0xE;
	[sflag:s8] =	ssyncadd.s32 $0xFFFFF800  }
0x23: {  	_ =	swait.ge [sflag:s16], $0x800  }
0x24: {  	[sflag:s16] =	ssyncset.done $0x0  }
0x25: {  	s9 =	simm.s32 $0xF;
	[sflag:s16] =	ssyncadd.s32 $0xFFFFF800  }
0x26: {  	_ =	swait.ge [sflag:s9], $0x800  }
0x27: {  	[sflag:s9] =	ssyncset.done $0x0  }
0x28: {  	s10 =	simm.s32 $0x10;
	[sflag:s9] =	ssyncadd.s32 $0xFFFFF800  }
0x29: {  	_ =	swait.ge [sflag:s10], $0x800  }
0x2a: {  	[sflag:s10] =	ssyncset.done $0x0  }
0x2b: {  	[sflag:s10] =	ssyncadd.s32 $0xFFFFF800  }
0x2c: {  	[bflag:$0x0] =	sbarrier.arrive $0xFFFF  }
0x2d: {  	s12 =	rddreg [dreg:$0x8]  }
0x2e: {  	s14 =	sshrl.u32 s11, $0x3;
	s10 =	rddreg [dreg:$0xb];
	s8 =	sor.u32 $0x1C11, s12  }
0x2f: {  	[hbm:s10], [sflag:s8] =	dma.local [spmem:s14], $0x500  }
0x30: {  	_ =	swait.ge [sflag:s18], $0x500  }
0x31: {  	s13 =	sadd.s32 $0x1, s13;
	s16 =	rddreg [dreg:$0xc]  }
0x32: {  	p0 =	sne.s32 s13, s16  }
.Ltmp1:
0x33: {  	_ = 	snop;
	(pc) =	sbr.rel @!p0 .LBB2_5-.Ltmp1, $3  }
0x34: {  	_ =	sdelay $0x1  }
0x35: {  	[sflag:s18] =	ssyncset.done $0x0  }
0x36: {  	[sflag:s18] =	ssyncadd.s32 $0xFFFFFB00  }
.LBB2_1:
0x37: {  	s8 =	rddreg [dreg:$0x5]  }
0x38: {  	s9 =	rddreg [dreg:$0x6]  }
0x39: {  	s10 =	simm.s32 $0x9000;
	s12 =	rddreg [dreg:$0x7]  }
0x3a: {  	[tilespmem:s10], [sflag:$0x1] =	stream.linear.gather [hbm4b:s8+s4], $0x2800, $0x38;
	[tilespmem:$0x10800] =	vst v63  }
0x3b: {  	s14 =	rddreg [dreg:$0x9]  }
0x3c: {  	[tilespmem:s4], [sflag:$0x2] =	stream.linear.gather [hbm4b:s9+s4], $0x2800, $0x38;
	[tilespmem:$0x10800] =	vst v63  }
0x3d: {  	s16 =	rddreg [dreg:$0xa];
	s9 =	simm.s32 $0x2800  }
0x3e: {  	[tilespmem:s9], [sflag:$0x3] =	stream.linear.gather [hbm4b:s12+s4], $0x2800, $0x38;
	[tilespmem:$0x10800] =	vst v63  }
0x3f: {  	s12 =	rddreg [dreg:$0xd]  }
0x40: {  	[spmem:s12], [sflag:s16] =	dma.local [hbm:s14], $0x4E2  }
0x41: {  	_ =	swait.ge [sflag:s17], $0x2800  }
0x42: {  	[sflag:s17] =	ssyncset.done $0x0  }
0x43: {  	[sflag:s17] =	ssyncadd.s32 $0xFFFFD800  }
0x44: {  	[spmem:s11] =	stream.linear.scatter [tilespmem:s10], [sflag:$0x11], $0x2800, $0x38;
	[tilespmem:$0x10800] =	vst v63  }
0x45: {  	_ =	swait.ge [sflag:s18], $0x2800  }
0x46: {  	[sflag:s18] =	ssyncset.done $0x0  }
0x47: {  	[sflag:s18] =	ssyncadd.s32 $0xFFFFD800  }
0x48: {  	_ =	swait.ge [sflag:s19], $0x2800  }
0x49: {  	[sflag:s19] =	ssyncset.done $0x0  }
0x4a: {  	[sflag:s19] =	ssyncadd.s32 $0xFFFFD800  }
0x4b: {  	_ =	swait.ge [sflag:s20], $0x2800  }
0x4c: {  	[sflag:s20] =	ssyncset.done $0x0  }
0x4d: {  	[sflag:s20] =	ssyncadd.s32 $0xFFFFD800  }
0x4e: {  	_ =	swait.ge [sflag:s21], $0x4E2  }
0x4f: {  	[sflag:s21] =	ssyncset.done $0x0  }
0x50: {  	[sflag:s21] =	ssyncadd.s32 $0xFFFFFB1E  }
0x51: {  	[bflag:$0x0] =	sbarrier.arrive $0xFFFF  }
0x52: {  	[tilespmem:s23], [sflag:$0x1] =	stream.indirect.gather [spmem:s2], $0x10, s4, s22, $0xb8;
	[tilespmem:$0x10800] =	vst v63  }
0x53: {  	_ = 	snop  }
0x54: {  	[tilespmem:s24], [sflag:$0x2] =	stream.indirect.gather [spmem:s2], $0x10, s22, s22, $0xb8;
	[tilespmem:$0x10800] =	vst v63  }
0x55: {  	s14 =	simm.s32 $0x100  }
0x56: {  	[tilespmem:s26], [sflag:$0x3] =	stream.indirect.gather [spmem:s2], $0x10, s14, s22, $0xb8;
	[tilespmem:$0x10800] =	vst v63  }
0x57: {  	s8 =	simm.s32 $0x0;
	s16 =	simm.s32 $0x180  }
0x58: {  	[tilespmem:s29], [sflag:$0x4] =	stream.indirect.gather [spmem:s2], $0x10, s16, s22, $0xb8;
	[tilespmem:$0x10800] =	vst v63  }
.LBB2_2:
0x59: {  	_ =	swait.ge [sflag:s17], $0x800  }
0x5a: {  	s16 =	sshra.s32 s8, $0x2;
	[sflag:s17] =	ssyncset.done $0x0  }
0x5b: {  	p0 =	seq.s32 s8, $0x0;
	s9 =	sadd.s32 $0x2800, s16;
	[sflag:s17] =	ssyncadd.s32 $0xFFFFF800  }
0x5c: {  	[spmem:s3] =	stream.indirect.scatter.add.f32 [tilespmem:s23], [sflag:$0x9], $0x10, s9, s22, $0xb8;
	[tilespmem:$0x10800] =	vst v63  }
0x5d: {  	s9 =	simm.s32 @!p0 $0xD  }
0x5e: {  	_ =	swait.ge @!p0 [sflag:s9], $0x800  }
0x5f: {  	[sflag:s9] =	ssyncset.done @!p0 $0x0  }
0x60: {  	s10 =	sadd.s32 $0x200, s16;
	[sflag:s9] =	ssyncadd.s32 @!p0 $0xFFFFF800  }
0x61: {  	[tilespmem:s30], [sflag:$0x5] =	stream.indirect.gather [spmem:s2], $0x10, s10, s22, $0xb8;
	[tilespmem:$0x10800] =	vst v63  }
0x62: {  	_ =	swait.ge [sflag:s19], $0x800  }
0x63: {  	[sflag:s19] =	ssyncset.done $0x0  }
0x64: {  	s12 =	sadd.s32 $0x2880, s16;
	s9 =	simm.s32 @!p0 $0xE;
	[sflag:s19] =	ssyncadd.s32 $0xFFFFF800  }
0x65: {  	[spmem:s3] =	stream.indirect.scatter.add.f32 [tilespmem:s24], [sflag:$0xA], $0x10, s12, s22, $0xb8;
	[tilespmem:$0x10800] =	vst v63  }
0x66: {  	_ =	swait.ge @!p0 [sflag:s9], $0x800  }
0x67: {  	[sflag:s9] =	ssyncset.done @!p0 $0x0  }
0x68: {  	s14 =	sadd.s32 $0x280, s16;
	[sflag:s9] =	ssyncadd.s32 @!p0 $0xFFFFF800  }
0x69: {  	[tilespmem:s31], [sflag:$0x6] =	stream.indirect.gather [spmem:s2], $0x10, s14, s22, $0xb8;
	[tilespmem:$0x10800] =	vst v63  }
0x6a: {  	_ =	swait.ge [sflag:s20], $0x800  }
0x6b: {  	[sflag:s20] =	ssyncset.done $0x0  }
0x6c: {  	s10 =	sadd.s32 $0x2900, s16;
	s9 =	simm.s32 @!p0 $0xF;
	[sflag:s20] =	ssyncadd.s32 $0xFFFFF800  }
0x6d: {  	[spmem:s3] =	stream.indirect.scatter.add.f32 [tilespmem:s26], [sflag:$0xB], $0x10, s10, s22, $0xb8;
	[tilespmem:$0x10800] =	vst v63  }
0x6e: {  	_ =	swait.ge @!p0 [sflag:s9], $0x800  }
0x6f: {  	[sflag:s9] =	ssyncset.done @!p0 $0x0  }
0x70: {  	s12 =	sadd.s32 $0x300, s16;
	[sflag:s9] =	ssyncadd.s32 @!p0 $0xFFFFF800  }
0x71: {  	[tilespmem:s1], [sflag:$0x7] =	stream.indirect.gather [spmem:s2], $0x10, s12, s22, $0xb8;
	[tilespmem:$0x10800] =	vst v63  }
0x72: {  	_ =	swait.ge [sflag:s21], $0x800  }
0x73: {  	[sflag:s21] =	ssyncset.done $0x0  }
0x74: {  	s14 =	sadd.s32 $0x2980, s16;
	s9 =	simm.s32 @!p0 $0x10;
	[sflag:s21] =	ssyncadd.s32 $0xFFFFF800  }
0x75: {  	[spmem:s3] =	stream.indirect.scatter.add.f32 [tilespmem:s29], [sflag:$0xC], $0x10, s14, s22, $0xb8;
	[tilespmem:$0x10800] =	vst v63  }
0x76: {  	_ =	swait.ge @!p0 [sflag:s9], $0x800  }
0x77: {  	[sflag:s9] =	ssyncset.done @!p0 $0x0  }
0x78: {  	s10 =	sadd.s32 $0x380, s16;
	[sflag:s9] =	ssyncadd.s32 @!p0 $0xFFFFF800  }
0x79: {  	[tilespmem:s0], [sflag:$0x8] =	stream.indirect.gather [spmem:s2], $0x10, s10, s22, $0xb8;
	[tilespmem:$0x10800] =	vst v63  }
0x7a: {  	_ =	swait.ge [sflag:s15], $0x800  }
0x7b: {  	[sflag:s15] =	ssyncset.done $0x0  }
0x7c: {  	s12 =	sadd.s32 $0x2A00, s16;
	[sflag:s15] =	ssyncadd.s32 $0xFFFFF800  }
0x7d: {  	[spmem:s3] =	stream.indirect.scatter.add.f32 [tilespmem:s30], [sflag:$0xD], $0x10, s12, s22, $0xb8;
	[tilespmem:$0x10800] =	vst v63  }
0x7e: {  	_ =	swait.ge [sflag:s25], $0x800  }
0x7f: {  	p0 =	seq.s32 s8, $0x9000;
	[sflag:s25] =	ssyncset.done $0x0  }
0x80: {  	s9 =	simm.s32 @p0 $0x6;
	[sflag:s25] =	ssyncadd.s32 $0xFFFFF800  }
0x81: {  	_ =	swait.ge @p0 [sflag:s9], $0x800  }
0x82: {  	[sflag:s9] =	ssyncset.done @p0 $0x0  }
0x83: {  	[sflag:s9] =	ssyncadd.s32 @p0 $0xFFFFF800;
	s9 =	sshra.s32 @p0 s8, $0x2  }
0x84: {  	s10 =	simm.s32 @p0 $0x80;
	s14 =	simm.s32 @p0 $0x7800;
	s9 =	sadd.s32 @p0 $0x2A80, s9  }
0x85: {  	[spmem:s3] =	stream.indirect.scatter.add.f32 @p0 [tilespmem:s14], [sflag:$0xE], $0x10, s9, s10, $0xb8;
	[tilespmem:$0x10800] =	vst v63  }
0x86: {  	s9 =	simm.s32 @p0 $0xA  }
0x87: {  	_ =	swait.ge @p0 [sflag:s9], $0x800  }
0x88: {  	[sflag:s9] =	ssyncset.done @p0 $0x0  }
0x89: {  	[sflag:s9] =	ssyncadd.s32 @p0 $0xFFFFF800;
	s9 =	sshra.s32 @!p0 s8, $0x2  }
0x8a: {  	s12 =	simm.s32 @!p0 $0x5000;
	s14 =	simm.s32 @!p0 $0x80;
	s10 =	sadd.s32 @!p0 $0x400, s9  }
0x8b: {  	[tilespmem:s12], [sflag:$0x1] =	stream.indirect.gather @!p0 [spmem:s2], $0x10, s10, s14, $0xb8;
	[tilespmem:$0x10800] =	vst v63  }
0x8c: {  	s10 =	simm.s32 @!p0 $0x6  }
0x8d: {  	_ =	swait.ge @!p0 [sflag:s10], $0x800  }
0x8e: {  	[sflag:s10] =	ssyncset.done @!p0 $0x0  }
0x8f: {  	s12 =	simm.s32 @!p0 $0x7800;
	[sflag:s10] =	ssyncadd.s32 @!p0 $0xFFFFF800;
	s10 =	sadd.s32 @!p0 $0x2A80, s9  }
0x90: {  	[spmem:s3] =	stream.indirect.scatter.add.f32 @!p0 [tilespmem:s12], [sflag:$0xE], $0x10, s10, s14, $0xb8;
	[tilespmem:$0x10800] =	vst v63  }
0x91: {  	s10 =	simm.s32 @!p0 $0xA  }
0x92: {  	_ =	swait.ge @!p0 [sflag:s10], $0x800  }
0x93: {  	[sflag:s10] =	ssyncset.done @!p0 $0x0  }
0x94: {  	s9 =	sadd.s32 @!p0 $0x480, s9;
	[sflag:s10] =	ssyncadd.s32 @!p0 $0xFFFFF800;
	s10 =	simm.s32 @!p0 $0x5800  }
0x95: {  	[tilespmem:s10], [sflag:$0x2] =	stream.indirect.gather @!p0 [spmem:s2], $0x10, s9, s14, $0xb8;
	[tilespmem:$0x10800] =	vst v63  }
0x96: {  	_ =	swait.ge [sflag:s28], $0x800  }
0x97: {  	[sflag:s28] =	ssyncset.done $0x0  }
.Ltmp2:
0x98: {  	s14 =	sadd.s32 $0x2B00, s16;
	[sflag:s28] =	ssyncadd.s32 $0xFFFFF800;
	(pc) =	sbr.rel @p0 .LBB2_4-.Ltmp2, $4  }
0x99: {  	[spmem:s3] =	stream.indirect.scatter.add.f32 [tilespmem:s1], [sflag:$0xF], $0x10, s14, s22, $0xb8;
	[tilespmem:$0x10800] =	vst v63  }
0x9a: {  	_ =	swait.ge [sflag:s5], $0x800  }
0x9b: {  	[sflag:s5] =	ssyncset.done $0x0  }
0x9c: {  	s9 =	sadd.s32 $0x2B80, s16;
	[sflag:s5] =	ssyncadd.s32 $0xFFFFF800  }
0x9d: {  	s10 =	sadd.s32 $0x500, s16  }
0x9e: {  	[tilespmem:s26], [sflag:$0x3] =	stream.indirect.gather [spmem:s2], $0x10, s10, s22, $0xb8;
	[tilespmem:$0x10800] =	vst v63  }
0x9f: {  	_ =	swait.ge [sflag:s6], $0x800  }
0xa0: {  	[sflag:s6] =	ssyncset.done $0x0  }
0xa1: {  	[sflag:s6] =	ssyncadd.s32 $0xFFFFF800  }
0xa2: {  	[spmem:s3] =	stream.indirect.scatter.add.f32 [tilespmem:s0], [sflag:$0x10], $0x10, s9, s22, $0xb8;
	[tilespmem:$0x10800] =	vst v63  }
.Ltmp3:
0xa3: {  	_ = 	snop;
	(pc) =	sbr.rel .LBB2_2-.Ltmp3, $4  }
0xa4: {  	_ =	swait.ge [sflag:s7], $0x800  }
0xa5: {  	[sflag:s7] =	ssyncset.done $0x0  }
0xa6: {  	s16 =	sadd.s32 $0x580, s16;
	s8 =	sadd.s32 $0x1000, s8;
	[sflag:s7] =	ssyncadd.s32 $0xFFFFF800  }
0xa7: {  	[tilespmem:s29], [sflag:$0x4] =	stream.indirect.gather [spmem:s2], $0x10, s16, s22, $0xb8;
	[tilespmem:$0x10800] =	vst v63  }
.LBB2_5:
0xa8: {  	_ =	sfence.sel $0x180000  }
0xa9: {  	[bflag:$0x0] =	sbarrier.arrive $0xFFFF  }
0xaa: {  	_ =	strace $0x9000004A  }
0xab: {  	s0 =	stileid.u32;
	[bflag:$0x2] =	sbarrier.arrive $0xFFFF  }
0xac: {  	p0 =	sne.s32 s0, $0x0;
	s0 =	rddreg [dreg:$0x4]  }
0xad: {  	s0 =	sadd.s32 @!p0 $0x100000, s0  }
0xae: {  	[sflag:s0] =	ssyncadd.tile.s32 @!p0 $0x1;
	_ =	shalt  }
.Lfunc_end2:
_tile_overlayer_lowered:
.L_overlay_start_2:
0xaf: {  	(tag) =	ssettag $0x2  }
0xb0: {  	s0 =	rddreg [dreg:$0x0];
	s2 =	stileid.u32  }
0xb1: {  	s1 =	rddreg [dreg:$0x1];
	p0 =	sne.s32 s2, $0x0  }
0xb2: {  	s3 =	rddreg [dreg:$0x2];
	[bflag:$0x3] =	sbarrier.arrive $0xFFFF;
	s2 =	simm.s32 @!p0 $0x1C11  }
0xb3: {  	[timem:s3], [sflag:s2] =	dma.local @!p0 [hbm:s0], s1  }
0xb4: {  	s0 =	simm.s32 @!p0 $0x11  }
0xb5: {  	_ =	swait.ge @!p0 [sflag:s0], s1  }
0xb6: {  	s1 =	ssub.s32 @!p0 $0x0, s1;
	[sflag:s0] =	ssyncset.done @!p0 $0x0  }
0xb7: {  	[sflag:s0] =	ssyncadd.s32 @!p0 s1  }
0xb8: {  	[bflag:$0x3] =	sbarrier.arrive $0xFFFF  }
0xb9: {  	_ =	shalt  }

// kernel: kernel.14.cloned.1.call-start
scs
__scs_entry_jumppad:
0x0: {  	(pc) =	sbr.rel $0x88, $3  }
0x1: {  	(tag) =	ssettag $0x0;
	lr =	simm.s32 $0x1  }
0x2: {  	[smem:$0x3F9B] =	sst lr;
	_ =	strace $0xD0000000  }
0x3: {  	_ = 	snop  }
0x4: {  	_ = 	snop  }
0x5: {  	_ = 	snop  }
0x6: {  	_ = 	snop  }
0x7: {  	_ = 	snop  }
__scs_overlays_trampoline_lowered:
0x8: {  	[smem:$0x3FAA] =	sst s0  }
0x9: {  	[smem:$0x3FAB] =	sst s1  }
0xa: {  	[smem:$0x3FAC] =	sst s2  }
0xb: {  	[smem:$0x3FAD] =	sst s3  }
0xc: {  	[smem:$0x3FAE] =	sst s4  }
0xd: {  	[smem:$0x3FAF] =	sst s5  }
0xe: {  	[smem:$0x3FB0] =	sst s6  }
0xf: {  	[smem:$0x3FB1] =	sst s7  }
0x10: {  	[smem:$0x3FB2] =	sst s8  }
0x11: {  	[smem:$0x3FB3] =	sst s9;
	s0 =	simm.s32 @!p0 $0x0  }
0x12: {  	s1 =	sld [smem:$0x3F99];
	s0 =	simm.s32 @p0 $0x1  }
0x13: {  	[smem:$0x3FB4] =	sst s0;
	s0 =	simm.s32 @!p1 $0x0  }
0x14: {  	s2 =	sld [smem:$0x3F98];
	s0 =	simm.s32 @p1 $0x1  }
0x15: {  	[smem:$0x3FB5] =	sst s0;
	s0 =	simm.s32 @!p2 $0x0  }
0x16: {  	s3 =	sld [smem:$0x3FDB];
	s0 =	simm.s32 @p2 $0x1  }
0x17: {  	s4 =	simm.s32 $0x1BF5;
	[smem:$0x3FB7] =	sst s0  }
0x18: {  	s0 =	sld [smem:$0x3F9A];
	_ =	swait.ge [sflag:s4], $0x0  }
0x19: {  	s7 =	sld [smem:$0x3F9B]  }
0x1a: {  	s8 =	sadd.s32 $0xFFFFE003, lr  }
0x1b: {  	s9 =	sadd.s32 $0xFFFFFEF7, lr;
	s5 =	simm.s32 $0xFFFFFFFF;
	p2 =	slt.u32 s8, $0xFFFFF086  }
0x1c: {  	p1 =	slt.u32 s9, $0xF7A;
	s5 =	simm.s32 @!p2 $0x0  }
0x1d: {  	s5 =	simm.s32 @p1 $0x1;
	p0 =	seq.s32 s7, s2  }
0x1e: {  	s7 =	smul.u32 @!p0 $0xF7A, s2;
	p2 =	seq.s32 @!p0 s5, $0x0  }
0x1f: {  	s9 =	smul.u32 $0xF7A, s1;
	s8 =	simm.s32 @!p0 $0x1BF5;
	p2 =	por !p2, p0  }
0x20: {  	[sflag:s8] =	ssyncset.s32 @!p0 $0xFFFFF086;
	s6 =	sadd.s32 @!p0 s3, s7;
	s7 =	simm.s32 @!p0 $0x108  }
0x21: {  	s3 =	sadd.s32 s3, s9;
	s6 =	sadd.s32 @!p0 $0x88, s6;
	s7 =	simm.s32 @p2 $0x1082  }
0x22: {  	[simem:s7], [sflag:s8] =	dma.local @!p0 [hbm:s6], $0xF7A  }
0x23: {  	s9 =	sor.u32 $0xD0000000, s2;
	s6 =	simm.s32 $0x108;
	_ =	swait.ge @!p0 [sflag:s8], $0x0  }
0x24: {  	s3 =	sadd.s32 $0x88, s3;
	s6 =	simm.s32 @!p1 $0x1082;
	[sflag:s4] =	ssyncset.s32 $0xFFFFF086  }
0x25: {  	[simem:s6], [sflag:s4] =	dma.local [hbm:s3], $0xF7A  }
0x26: {  	[smem:$0x3F9B] =	sst s1;
	(tag) =	ssettag s2;
	_ =	strace s9  }
0x27: {  	s1 =	sld [smem:$0x3FAB]  }
0x28: {  	s2 =	sld [smem:$0x3FAC]  }
0x29: {  	s4 =	sld [smem:$0x3FAE]  }
0x2a: {  	p0 =	seq.s32 s5, $0x0;
	s5 =	sld [smem:$0x3FAF]  }
0x2b: {  	s6 =	sld [smem:$0x3FB0]  }
0x2c: {  	s7 =	sld [smem:$0x3FB1]  }
0x2d: {  	s3 =	simm.s32 $0x108;
	s8 =	sld [smem:$0x3FB2]  }
0x2e: {  	s3 =	simm.s32 @!p0 $0x1082;
	s9 =	sld [smem:$0x3FB3]  }
0x2f: {  	lr =	sadd.s32 s0, s3;
	s0 =	sld [smem:$0x3FAA]  }
0x30: {  	s3 =	sld [smem:$0x3FAD]  }
0x31: {  	[smem:$0x3FB6] =	sst s10  }
0x32: {  	s10 =	sld [smem:$0x3FB4];
	_ =	sdelay $0x3  }
0x33: {  	p0 =	seq.s32 s10, $0x1;
	s10 =	sld [smem:$0x3FB6];
	_ =	sdelay $0x3  }
0x34: {  	[smem:$0x3FB6] =	sst s10  }
0x35: {  	s10 =	sld [smem:$0x3FB5];
	_ =	sdelay $0x3  }
0x36: {  	p1 =	seq.s32 s10, $0x1;
	s10 =	sld [smem:$0x3FB6];
	_ =	sdelay $0x3  }
0x37: {  	[smem:$0x3FB6] =	sst s10  }
0x38: {  	s10 =	sld [smem:$0x3FB7]  }
0x39: {  	_ = 	snop;
	(pc) =	sbr.ind lr, $3  }
0x3a: {  	_ = 	snop  }
0x3b: {  	_ = 	snop  }
0x3c: {  	p2 =	seq.s32 s10, $0x1;
	s10 =	sld [smem:$0x3FB6]  }
0x3d: {  	_ =	shalt  }
0x3e: {  	_ =	shalt  }
0x3f: {  	_ =	shalt  }
0x40: {  	_ =	shalt  }
0x41: {  	_ =	shalt  }
0x42: {  	_ =	shalt  }
0x43: {  	_ =	shalt  }
0x44: {  	_ =	shalt  }
0x45: {  	_ =	shalt  }
0x46: {  	_ =	shalt  }
0x47: {  	_ =	shalt  }
0x48: {  	_ =	shalt  }
0x49: {  	_ =	shalt  }
0x4a: {  	_ =	shalt  }
0x4b: {  	_ =	shalt  }
0x4c: {  	_ =	shalt  }
0x4d: {  	_ =	shalt  }
0x4e: {  	_ =	shalt  }
0x4f: {  	_ =	shalt  }
0x50: {  	_ =	shalt  }
0x51: {  	_ =	shalt  }
0x52: {  	_ =	shalt  }
0x53: {  	_ =	shalt  }
0x54: {  	_ =	shalt  }
0x55: {  	_ =	shalt  }
0x56: {  	_ =	shalt  }
0x57: {  	_ =	shalt  }
0x58: {  	_ =	shalt  }
0x59: {  	_ =	shalt  }
0x5a: {  	_ =	shalt  }
0x5b: {  	_ =	shalt  }
0x5c: {  	_ =	shalt  }
0x5d: {  	_ =	shalt  }
0x5e: {  	_ =	shalt  }
0x5f: {  	_ =	shalt  }
0x60: {  	_ =	shalt  }
0x61: {  	_ =	shalt  }
0x62: {  	_ =	shalt  }
0x63: {  	_ =	shalt  }
0x64: {  	_ =	shalt  }
0x65: {  	_ =	shalt  }
0x66: {  	_ =	shalt  }
0x67: {  	_ =	shalt  }
0x68: {  	_ =	shalt  }
0x69: {  	_ =	shalt  }
0x6a: {  	_ =	shalt  }
0x6b: {  	_ =	shalt  }
0x6c: {  	_ =	shalt  }
0x6d: {  	_ =	shalt  }
0x6e: {  	_ =	shalt  }
0x6f: {  	_ =	shalt  }
0x70: {  	_ =	shalt  }
0x71: {  	_ =	shalt  }
0x72: {  	_ =	shalt  }
0x73: {  	_ =	shalt  }
0x74: {  	_ =	shalt  }
0x75: {  	_ =	shalt  }
0x76: {  	_ =	shalt  }
0x77: {  	_ =	shalt  }
0x78: {  	_ =	shalt  }
0x79: {  	_ =	shalt  }
0x7a: {  	_ =	shalt  }
0x7b: {  	_ =	shalt  }
0x7c: {  	_ =	shalt  }
0x7d: {  	_ =	shalt  }
0x7e: {  	_ =	shalt  }
0x7f: {  	_ =	shalt  }
0x80: {  	_ =	shalt  }
0x81: {  	_ =	shalt  }
0x82: {  	_ =	shalt  }
0x83: {  	_ =	shalt  }
0x84: {  	_ =	shalt  }
0x85: {  	_ =	shalt  }
0x86: {  	_ =	shalt  }
0x87: {  	_ =	shalt  }
.Lfunc_end0:
.L_simem_size_0:
called_computation.2_lowered:
.L_overlay_start_0:
0x88: {  	s2 =	sld [smem:$0x3FD9]  }
0x89: {  	s3 =	sld [smem:$0x3FFE];
	_ =	sdelay $0x1  }
0x8a: {  	s1 =	srdreg.scid  }
0x8b: {  	s0 =	sand.u32 $0x1, s1  }
0x8c: {  	s17 =	sshll.u32 s0, $0xA;
	s2 =	sadd.s32 s3, s2  }
0x8d: {  	s2 =	sadd.s32 s2, s17  }
0x8e: {  	[smem:$0x3FC2] =	sst s2  }
0x8f: {  	_ = 	snop  }
0x90: {  	s2 =	sld [smem:$0x3FD0];
	(tm) =	ssettm $0x1  }
0x91: {  	s18 =	sld [smem:$0x3FFB];
	_ =	sdelay $0x3  }
0x92: {  	_ =	strace s18  }
0x93: {  	s3 =	sld [smem:$0x3FFC];
	_ =	sdelay $0x3  }
0x94: {  	_ =	strace s3  }
0x95: {  	s3 =	sld [smem:$0x3FFD];
	_ =	sdelay $0x3  }
0x96: {  	_ =	strace s3  }
0x97: {  	_ =	strace $0x8FFFFFFF  }
0x98: {  	s19 =	sld [smem:$0x3FDB];
	_ =	sdelay $0x1  }
0x99: {  	s4 =	simm.s32 $_scs_section_size  }
0x9a: {  	s5 =	simm.s32 $_size__tile_overlayer_lowered;
	s6 =	simm.s32 $_tile_overlayer_lowered  }
0x9b: {  	s22 =	simm.s32 $0x1BFF;
	s21 =	sshll.u32 s6, $0x1;
	s3 =	sadd.s32 s4, s19  }
0x9c: {  	s7 =	simm.s32 $0x0;
	s20 =	sshll.u32 s5, $0x1;
	s5 =	sadd.s32 s21, s3  }
0x9d: {  	[timem:s7], [sflag:s22] =	dma.local [hbm:s5], s20  }
0x9e: {  	_ =	swait.ge [sflag:s22], s20  }
0x9f: {  	s4 =	ssub.s32 $0x0, s20;
	[sflag:s22] =	ssyncset.done $0x0  }
0xa0: {  	[sflag:s22] =	ssyncadd.s32 s4;
	_ =	sdelay $0x1  }
0xa1: {  	s23 =	simm.s32 $0x1B8B  }
0xa2: {  	_ =	swait.ge [sflag:s23], $0x1  }
0xa3: {  	[sflag:s23] =	ssyncset.done $0x0  }
0xa4: {  	s25 =	simm.s32 $0x1B8E;
	s24 =	sld [smem:$0x3FFE];
	[sflag:s23] =	ssyncadd.s32 $0xFFFFFFFF  }
0xa5: {  	s26 =	simm.s32 $execute0_lowered;
	[smem:$0x3FD2] =	sst s25  }
0xa6: {  	s5 =	sshll.u32 s26, $0x1;
	_ =	strace $0x8000004C;
	[dreg:$0x1] =	wrdreg $0xFFFFFFFF  }
0xa7: {  	s28 =	simm.s32 $_size_execute0_lowered;
	s3 =	sadd.s32 s3, s5;
	[dreg:$0x0] =	wrdreg $0x0  }
0xa8: {  	s5 =	sshll.u32 s28, $0x1;
	[dreg:$0x2] =	wrdreg s3  }
0xa9: {  	[dreg:$0x3] =	wrdreg s5  }
0xaa: {  	[dreg:$0x4] =	wrdreg $0xC0  }
0xab: {  	_ =	task [dreg:s7], $0x5FFFF  }
0xac: {  	[dreg:$0x1] =	wrdreg $0xFFFFFFFF  }
0xad: {  	[dreg:$0x0] =	wrdreg $0x60  }
0xae: {  	[dreg:$0x2] =	wrdreg s2  }
0xaf: {  	[dreg:$0x3] =	wrdreg s24  }
0xb0: {  	[dreg:$0x4] =	wrdreg $0xE0000  }
0xb1: {  	[dreg:$0x5] =	wrdreg $0xB8000  }
0xb2: {  	[dreg:$0x6] =	wrdreg $0x9  }
0xb3: {  	_ =	task.clear_ibuf [dreg:s7], $0x7FFFF;
	_ =	strace $0x9000004C  }
0xb4: {  	s29 =	simm.s32 $0x9;
	_ =	strace $0x8000004E  }
0xb5: {  	_ =	swait.ge [sflag:s29], $0x1  }
0xb6: {  	[sflag:s29] =	ssyncadd.s32 $0xFFFFFFFF  }
0xb7: {  	_ =	strace $0x9000004E  }
0xb8: {  	_ =	sfence  }
0xb9: {  	s30 =	sld [smem:$0x0];
	_ =	sdelay $0x2  }
0xba: {  	s31 =	sshll.u32 s1, $0xD;
	s1 =	sshrl.u32 s1, $0x2  }
0xbb: {  	s3 =	sand.u32 $0x4000, s31;
	s1 =	sadd.s32 s1, s30  }
0xbc: {  	s0 =	sor.u32 s3, s0;
	s1 =	sshll.u32 s1, $0x11  }
0xbd: {  	s0 =	sor.u32 s1, s0  }
0xbe: {  	s0 =	sadd.s32 $0x8F2B, s0  }
0xbf: {  	[sflag:s0] =	ssyncadd.remote.s32 $0x1  }
0xc0: {  	_ =	sfence.sel $0xFFFF  }
0xc1: {  	[dreg:$0x0] =	wrdreg $0xFFFFFFFF;
	(pc) =	sbr.abs _section_cstart, $3  }
0xc2: {  	[dreg:$0x1] =	wrdreg $0xFFFFFFFF  }
0xc3: {  	_ =	task.clear_ibuf [dreg:s7], $0x2FFFF;
	_ =	strace $0x9FFFFFFF  }
0xc4: {  	(tm) =	ssettm $0x7FFFFFFF  }
0xc5: {  	_ =	shalt  }
tec
execute0_lowered:
.L_overlay_start_1:
0x0: {  	(tag) =	ssettag $0x1  }
0x1: {  	s1 =	rddreg [dreg:$0x0]  }
0x2: {  	s0 =	srdreg.scid;
	s5 =	rddreg [dreg:$0x1]  }
0x3: {  	s11 =	stileid.u32;
	s2 =	rddreg [dreg:$0x2];
	s17 =	simm.s32 $0x1  }
0x4: {  	s29 =	simm.s32 $0x6800;
	s30 =	simm.s32 $0x7000;
	s31 =	simm.s32 $0x7800  }
0x5: {  	s15 =	simm.s32 $0x5;
	s28 =	simm.s32 $0x7;
	s7 =	smul.u32 $0x2800, s11  }
0x6: {  	s13 =	simm.s32 $0x0;
	s0 =	sand.u32 $0x1, s0;
	s10 =	smul.u32 $0x2710, s11  }
0x7: {  	s22 =	sshll.u32 s11, $0x6;
	s3 =	sshll.u32 s0, $0x4;
	s8 =	smul.u32 $0x28000, s0  }
0x8: {  	s0 =	ssub.s32 $0x2, s0;
	s24 =	sor.u32 $0x1C04, s22;
	s4 =	sor.u32 s11, s3  }
0x9: {  	s3 =	rddreg [dreg:$0x3];
	s9 =	sshrl.u32 s7, $0x3;
	s18 =	sshrl.u32 s0, $0x1  }
0xa: {  	s21 =	sshrl.u32 s10, $0x3;
	s23 =	sadd.s32 s10, s2;
	s6 =	smul.u32 $0x2800, s4  }
0xb: {  	s4 =	simm.s32 $0x0;
	s8 =	sadd.s32 s7, s8;
	s9 =	sadd.s32 s9, s5  }
0xc: {  	s0 =	ssub.s32 s0, s18;
	[smem:$0x7FF] =	sst s4;
	s19 =	sadd.s32 $0x16A00, s9  }
0xd: {  	s1 =	sadd.s32 s1, s21;
	_ =	strace $0x8000004D;
	[dreg:$0x5] =	wrdreg s19  }
0xe: {  	s11 =	sadd.s32 s7, s3;
	s26 =	sshrl.u32 s23, $0x3;
	[dreg:$0x9] =	wrdreg s1  }
0xf: {  	s18 =	simm.s32 $0x11;
	s21 =	simm.s32 $0x4;
	[dreg:$0x8] =	wrdreg s22  }
0x10: {  	s23 =	simm.s32 $0x5000;
	s0 =	smax.u32 s0, $0x1;
	[dreg:$0xa] =	wrdreg s24  }
0x11: {  	s7 =	simm.s32 $0xC;
	s8 =	sshrl.u32 s8, $0x3;
	[dreg:$0xc] =	wrdreg s0  }
0x12: {  	s6 =	sshrl.u32 s6, $0x3;
	[dreg:$0xd] =	wrdreg s26;
	s19 =	simm.s32 $0x2  }
0x13: {  	s22 =	simm.s32 $0x80;
	s24 =	simm.s32 $0x5800;
	s6 =	sadd.s32 s6, s5  }
.Ltmp0:
0x14: {  	s26 =	simm.s32 $0x6000;
	s20 =	sadd.s32 $0x2A00, s6;
	(pc) =	sbr.rel .LBB2_1-.Ltmp0, $4  }
0x15: {  	s5 =	sadd.s32 s8, s5;
	s6 =	sadd.s32 $0xCA00, s6;
	[dreg:$0x6] =	wrdreg s20  }
0x16: {  	s1 =	simm.s32 $0x8000;
	s25 =	sadd.s32 $0x1BA00, s5;
	[dreg:$0x7] =	wrdreg s6  }
0x17: {  	s0 =	simm.s32 $0x8800;
	s5 =	simm.s32 $0xB;
	[dreg:$0xb] =	wrdreg s25  }
0x18: {  	s20 =	simm.s32 $0x3;
	s25 =	simm.s32 $0x9;
	s6 =	simm.s32 $0x8  }
.LBB2_4:
0x19: {  	_ =	swait.ge [sflag:s6], $0x800  }
0x1a: {  	[sflag:s6] =	ssyncset.done $0x0  }
0x1b: {  	[sflag:s6] =	ssyncadd.s32 $0xFFFFF800  }
0x1c: {  	[spmem:s3] =	stream.indirect.scatter.add.f32 [tilespmem:s0], [sflag:$0x10], $0x10, s9, s22, $0xb8;
	[tilespmem:$0x10800] =	vst v63  }
0x1d: {  	_ =	swait.ge [sflag:s7], $0x800  }
0x1e: {  	[sflag:s7] =	ssyncset.done $0x0  }
0x1f: {  	s8 =	simm.s32 $0xD;
	[sflag:s7] =	ssyncadd.s32 $0xFFFFF800  }
0x20: {  	_ =	swait.ge [sflag:s8], $0x800  }
0x21: {  	[sflag:s8] =	ssyncset.done $0x0  }
0x22: {  	s16 =	simm.s32 $0xE;
	[sflag:s8] =	ssyncadd.s32 $0xFFFFF800  }
0x23: {  	_ =	swait.ge [sflag:s16], $0x800  }
0x24: {  	[sflag:s16] =	ssyncset.done $0x0  }
0x25: {  	s9 =	simm.s32 $0xF;
	[sflag:s16] =	ssyncadd.s32 $0xFFFFF800  }
0x26: {  	_ =	swait.ge [sflag:s9], $0x800  }
0x27: {  	[sflag:s9] =	ssyncset.done $0x0  }
0x28: {  	s10 =	simm.s32 $0x10;
	[sflag:s9] =	ssyncadd.s32 $0xFFFFF800  }
0x29: {  	_ =	swait.ge [sflag:s10], $0x800  }
0x2a: {  	[sflag:s10] =	ssyncset.done $0x0  }
0x2b: {  	[sflag:s10] =	ssyncadd.s32 $0xFFFFF800  }
0x2c: {  	[bflag:$0x0] =	sbarrier.arrive $0xFFFF  }
0x2d: {  	s12 =	rddreg [dreg:$0x8]  }
0x2e: {  	s14 =	sshrl.u32 s11, $0x3;
	s10 =	rddreg [dreg:$0xb];
	s8 =	sor.u32 $0x1C11, s12  }
0x2f: {  	[hbm:s10], [sflag:s8] =	dma.local [spmem:s14], $0x500  }
0x30: {  	_ =	swait.ge [sflag:s18], $0x500  }
0x31: {  	s13 =	sadd.s32 $0x1, s13;
	s16 =	rddreg [dreg:$0xc]  }
0x32: {  	p0 =	sne.s32 s13, s16  }
.Ltmp1:
0x33: {  	_ = 	snop;
	(pc) =	sbr.rel @!p0 .LBB2_5-.Ltmp1, $3  }
0x34: {  	_ =	sdelay $0x1  }
0x35: {  	[sflag:s18] =	ssyncset.done $0x0  }
0x36: {  	[sflag:s18] =	ssyncadd.s32 $0xFFFFFB00  }
.LBB2_1:
0x37: {  	s8 =	rddreg [dreg:$0x5]  }
0x38: {  	s9 =	rddreg [dreg:$0x6]  }
0x39: {  	s10 =	simm.s32 $0x9000;
	s12 =	rddreg [dreg:$0x7]  }
0x3a: {  	[tilespmem:s10], [sflag:$0x1] =	stream.linear.gather [hbm4b:s8+s4], $0x2800, $0x38;
	[tilespmem:$0x10800] =	vst v63  }
0x3b: {  	s14 =	rddreg [dreg:$0x9]  }
0x3c: {  	[tilespmem:s4], [sflag:$0x2] =	stream.linear.gather [hbm4b:s9+s4], $0x2800, $0x38;
	[tilespmem:$0x10800] =	vst v63  }
0x3d: {  	s16 =	rddreg [dreg:$0xa];
	s9 =	simm.s32 $0x2800  }
0x3e: {  	[tilespmem:s9], [sflag:$0x3] =	stream.linear.gather [hbm4b:s12+s4], $0x2800, $0x38;
	[tilespmem:$0x10800] =	vst v63  }
0x3f: {  	s12 =	rddreg [dreg:$0xd]  }
0x40: {  	[spmem:s12], [sflag:s16] =	dma.local [hbm:s14], $0x4E2  }
0x41: {  	_ =	swait.ge [sflag:s17], $0x2800  }
0x42: {  	[sflag:s17] =	ssyncset.done $0x0  }
0x43: {  	[sflag:s17] =	ssyncadd.s32 $0xFFFFD800  }
0x44: {  	[spmem:s11] =	stream.linear.scatter [tilespmem:s10], [sflag:$0x11], $0x2800, $0x38;
	[tilespmem:$0x10800] =	vst v63  }
0x45: {  	_ =	swait.ge [sflag:s18], $0x2800  }
0x46: {  	[sflag:s18] =	ssyncset.done $0x0  }
0x47: {  	[sflag:s18] =	ssyncadd.s32 $0xFFFFD800  }
0x48: {  	_ =	swait.ge [sflag:s19], $0x2800  }
0x49: {  	[sflag:s19] =	ssyncset.done $0x0  }
0x4a: {  	[sflag:s19] =	ssyncadd.s32 $0xFFFFD800  }
0x4b: {  	_ =	swait.ge [sflag:s20], $0x2800  }
0x4c: {  	[sflag:s20] =	ssyncset.done $0x0  }
0x4d: {  	[sflag:s20] =	ssyncadd.s32 $0xFFFFD800  }
0x4e: {  	_ =	swait.ge [sflag:s21], $0x4E2  }
0x4f: {  	[sflag:s21] =	ssyncset.done $0x0  }
0x50: {  	[sflag:s21] =	ssyncadd.s32 $0xFFFFFB1E  }
0x51: {  	[bflag:$0x0] =	sbarrier.arrive $0xFFFF  }
0x52: {  	[tilespmem:s23], [sflag:$0x1] =	stream.indirect.gather [spmem:s2], $0x10, s4, s22, $0xb8;
	[tilespmem:$0x10800] =	vst v63  }
0x53: {  	_ = 	snop  }
0x54: {  	[tilespmem:s24], [sflag:$0x2] =	stream.indirect.gather [spmem:s2], $0x10, s22, s22, $0xb8;
	[tilespmem:$0x10800] =	vst v63  }
0x55: {  	s14 =	simm.s32 $0x100  }
0x56: {  	[tilespmem:s26], [sflag:$0x3] =	stream.indirect.gather [spmem:s2], $0x10, s14, s22, $0xb8;
	[tilespmem:$0x10800] =	vst v63  }
0x57: {  	s8 =	simm.s32 $0x0;
	s16 =	simm.s32 $0x180  }
0x58: {  	[tilespmem:s29], [sflag:$0x4] =	stream.indirect.gather [spmem:s2], $0x10, s16, s22, $0xb8;
	[tilespmem:$0x10800] =	vst v63  }
.LBB2_2:
0x59: {  	_ =	swait.ge [sflag:s17], $0x800  }
0x5a: {  	s16 =	sshra.s32 s8, $0x2;
	[sflag:s17] =	ssyncset.done $0x0  }
0x5b: {  	p0 =	seq.s32 s8, $0x0;
	s9 =	sadd.s32 $0x2800, s16;
	[sflag:s17] =	ssyncadd.s32 $0xFFFFF800  }
0x5c: {  	[spmem:s3] =	stream.indirect.scatter.add.f32 [tilespmem:s23], [sflag:$0x9], $0x10, s9, s22, $0xb8;
	[tilespmem:$0x10800] =	vst v63  }
0x5d: {  	s9 =	simm.s32 @!p0 $0xD  }
0x5e: {  	_ =	swait.ge @!p0 [sflag:s9], $0x800  }
0x5f: {  	[sflag:s9] =	ssyncset.done @!p0 $0x0  }
0x60: {  	s10 =	sadd.s32 $0x200, s16;
	[sflag:s9] =	ssyncadd.s32 @!p0 $0xFFFFF800  }
0x61: {  	[tilespmem:s30], [sflag:$0x5] =	stream.indirect.gather [spmem:s2], $0x10, s10, s22, $0xb8;
	[tilespmem:$0x10800] =	vst v63  }
0x62: {  	_ =	swait.ge [sflag:s19], $0x800  }
0x63: {  	[sflag:s19] =	ssyncset.done $0x0  }
0x64: {  	s12 =	sadd.s32 $0x2880, s16;
	s9 =	simm.s32 @!p0 $0xE;
	[sflag:s19] =	ssyncadd.s32 $0xFFFFF800  }
0x65: {  	[spmem:s3] =	stream.indirect.scatter.add.f32 [tilespmem:s24], [sflag:$0xA], $0x10, s12, s22, $0xb8;
	[tilespmem:$0x10800] =	vst v63  }
0x66: {  	_ =	swait.ge @!p0 [sflag:s9], $0x800  }
0x67: {  	[sflag:s9] =	ssyncset.done @!p0 $0x0  }
0x68: {  	s14 =	sadd.s32 $0x280, s16;
	[sflag:s9] =	ssyncadd.s32 @!p0 $0xFFFFF800  }
0x69: {  	[tilespmem:s31], [sflag:$0x6] =	stream.indirect.gather [spmem:s2], $0x10, s14, s22, $0xb8;
	[tilespmem:$0x10800] =	vst v63  }
0x6a: {  	_ =	swait.ge [sflag:s20], $0x800  }
0x6b: {  	[sflag:s20] =	ssyncset.done $0x0  }
0x6c: {  	s10 =	sadd.s32 $0x2900, s16;
	s9 =	simm.s32 @!p0 $0xF;
	[sflag:s20] =	ssyncadd.s32 $0xFFFFF800  }
0x6d: {  	[spmem:s3] =	stream.indirect.scatter.add.f32 [tilespmem:s26], [sflag:$0xB], $0x10, s10, s22, $0xb8;
	[tilespmem:$0x10800] =	vst v63  }
0x6e: {  	_ =	swait.ge @!p0 [sflag:s9], $0x800  }
0x6f: {  	[sflag:s9] =	ssyncset.done @!p0 $0x0  }
0x70: {  	s12 =	sadd.s32 $0x300, s16;
	[sflag:s9] =	ssyncadd.s32 @!p0 $0xFFFFF800  }
0x71: {  	[tilespmem:s1], [sflag:$0x7] =	stream.indirect.gather [spmem:s2], $0x10, s12, s22, $0xb8;
	[tilespmem:$0x10800] =	vst v63  }
0x72: {  	_ =	swait.ge [sflag:s21], $0x800  }
0x73: {  	[sflag:s21] =	ssyncset.done $0x0  }
0x74: {  	s14 =	sadd.s32 $0x2980, s16;
	s9 =	simm.s32 @!p0 $0x10;
	[sflag:s21] =	ssyncadd.s32 $0xFFFFF800  }
0x75: {  	[spmem:s3] =	stream.indirect.scatter.add.f32 [tilespmem:s29], [sflag:$0xC], $0x10, s14, s22, $0xb8;
	[tilespmem:$0x10800] =	vst v63  }
0x76: {  	_ =	swait.ge @!p0 [sflag:s9], $0x800  }
0x77: {  	[sflag:s9] =	ssyncset.done @!p0 $0x0  }
0x78: {  	s10 =	sadd.s32 $0x380, s16;
	[sflag:s9] =	ssyncadd.s32 @!p0 $0xFFFFF800  }
0x79: {  	[tilespmem:s0], [sflag:$0x8] =	stream.indirect.gather [spmem:s2], $0x10, s10, s22, $0xb8;
	[tilespmem:$0x10800] =	vst v63  }
0x7a: {  	_ =	swait.ge [sflag:s15], $0x800  }
0x7b: {  	[sflag:s15] =	ssyncset.done $0x0  }
0x7c: {  	s12 =	sadd.s32 $0x2A00, s16;
	[sflag:s15] =	ssyncadd.s32 $0xFFFFF800  }
0x7d: {  	[spmem:s3] =	stream.indirect.scatter.add.f32 [tilespmem:s30], [sflag:$0xD], $0x10, s12, s22, $0xb8;
	[tilespmem:$0x10800] =	vst v63  }
0x7e: {  	_ =	swait.ge [sflag:s25], $0x800  }
0x7f: {  	p0 =	seq.s32 s8, $0x9000;
	[sflag:s25] =	ssyncset.done $0x0  }
0x80: {  	s9 =	simm.s32 @p0 $0x6;
	[sflag:s25] =	ssyncadd.s32 $0xFFFFF800  }
0x81: {  	_ =	swait.ge @p0 [sflag:s9], $0x800  }
0x82: {  	[sflag:s9] =	ssyncset.done @p0 $0x0  }
0x83: {  	[sflag:s9] =	ssyncadd.s32 @p0 $0xFFFFF800;
	s9 =	sshra.s32 @p0 s8, $0x2  }
0x84: {  	s10 =	simm.s32 @p0 $0x80;
	s14 =	simm.s32 @p0 $0x7800;
	s9 =	sadd.s32 @p0 $0x2A80, s9  }
0x85: {  	[spmem:s3] =	stream.indirect.scatter.add.f32 @p0 [tilespmem:s14], [sflag:$0xE], $0x10, s9, s10, $0xb8;
	[tilespmem:$0x10800] =	vst v63  }
0x86: {  	s9 =	simm.s32 @p0 $0xA  }
0x87: {  	_ =	swait.ge @p0 [sflag:s9], $0x800  }
0x88: {  	[sflag:s9] =	ssyncset.done @p0 $0x0  }
0x89: {  	[sflag:s9] =	ssyncadd.s32 @p0 $0xFFFFF800;
	s9 =	sshra.s32 @!p0 s8, $0x2  }
0x8a: {  	s12 =	simm.s32 @!p0 $0x5000;
	s14 =	simm.s32 @!p0 $0x80;
	s10 =	sadd.s32 @!p0 $0x400, s9  }
0x8b: {  	[tilespmem:s12], [sflag:$0x1] =	stream.indirect.gather @!p0 [spmem:s2], $0x10, s10, s14, $0xb8;
	[tilespmem:$0x10800] =	vst v63  }
0x8c: {  	s10 =	simm.s32 @!p0 $0x6  }
0x8d: {  	_ =	swait.ge @!p0 [sflag:s10], $0x800  }
0x8e: {  	[sflag:s10] =	ssyncset.done @!p0 $0x0  }
0x8f: {  	s12 =	simm.s32 @!p0 $0x7800;
	[sflag:s10] =	ssyncadd.s32 @!p0 $0xFFFFF800;
	s10 =	sadd.s32 @!p0 $0x2A80, s9  }
0x90: {  	[spmem:s3] =	stream.indirect.scatter.add.f32 @!p0 [tilespmem:s12], [sflag:$0xE], $0x10, s10, s14, $0xb8;
	[tilespmem:$0x10800] =	vst v63  }
0x91: {  	s10 =	simm.s32 @!p0 $0xA  }
0x92: {  	_ =	swait.ge @!p0 [sflag:s10], $0x800  }
0x93: {  	[sflag:s10] =	ssyncset.done @!p0 $0x0  }
0x94: {  	s9 =	sadd.s32 @!p0 $0x480, s9;
	[sflag:s10] =	ssyncadd.s32 @!p0 $0xFFFFF800;
	s10 =	simm.s32 @!p0 $0x5800  }
0x95: {  	[tilespmem:s10], [sflag:$0x2] =	stream.indirect.gather @!p0 [spmem:s2], $0x10, s9, s14, $0xb8;
	[tilespmem:$0x10800] =	vst v63  }
0x96: {  	_ =	swait.ge [sflag:s28], $0x800  }
0x97: {  	[sflag:s28] =	ssyncset.done $0x0  }
.Ltmp2:
0x98: {  	s14 =	sadd.s32 $0x2B00, s16;
	[sflag:s28] =	ssyncadd.s32 $0xFFFFF800;
	(pc) =	sbr.rel @p0 .LBB2_4-.Ltmp2, $4  }
0x99: {  	[spmem:s3] =	stream.indirect.scatter.add.f32 [tilespmem:s1], [sflag:$0xF], $0x10, s14, s22, $0xb8;
	[tilespmem:$0x10800] =	vst v63  }
0x9a: {  	_ =	swait.ge [sflag:s5], $0x800  }
0x9b: {  	[sflag:s5] =	ssyncset.done $0x0  }
0x9c: {  	s9 =	sadd.s32 $0x2B80, s16;
	[sflag:s5] =	ssyncadd.s32 $0xFFFFF800  }
0x9d: {  	s10 =	sadd.s32 $0x500, s16  }
0x9e: {  	[tilespmem:s26], [sflag:$0x3] =	stream.indirect.gather [spmem:s2], $0x10, s10, s22, $0xb8;
	[tilespmem:$0x10800] =	vst v63  }
0x9f: {  	_ =	swait.ge [sflag:s6], $0x800  }
0xa0: {  	[sflag:s6] =	ssyncset.done $0x0  }
0xa1: {  	[sflag:s6] =	ssyncadd.s32 $0xFFFFF800  }
0xa2: {  	[spmem:s3] =	stream.indirect.scatter.add.f32 [tilespmem:s0], [sflag:$0x10], $0x10, s9, s22, $0xb8;
	[tilespmem:$0x10800] =	vst v63  }
.Ltmp3:
0xa3: {  	_ = 	snop;
	(pc) =	sbr.rel .LBB2_2-.Ltmp3, $4  }
0xa4: {  	_ =	swait.ge [sflag:s7], $0x800  }
0xa5: {  	[sflag:s7] =	ssyncset.done $0x0  }
0xa6: {  	s16 =	sadd.s32 $0x580, s16;
	s8 =	sadd.s32 $0x1000, s8;
	[sflag:s7] =	ssyncadd.s32 $0xFFFFF800  }
0xa7: {  	[tilespmem:s29], [sflag:$0x4] =	stream.indirect.gather [spmem:s2], $0x10, s16, s22, $0xb8;
	[tilespmem:$0x10800] =	vst v63  }
.LBB2_5:
0xa8: {  	_ =	sfence.sel $0x180000  }
0xa9: {  	[bflag:$0x0] =	sbarrier.arrive $0xFFFF  }
0xaa: {  	_ =	strace $0x9000004D  }
0xab: {  	s0 =	stileid.u32;
	[bflag:$0x2] =	sbarrier.arrive $0xFFFF  }
0xac: {  	p0 =	sne.s32 s0, $0x0;
	s0 =	rddreg [dreg:$0x4]  }
0xad: {  	s0 =	sadd.s32 @!p0 $0x100000, s0  }
0xae: {  	[sflag:s0] =	ssyncadd.tile.s32 @!p0 $0x1;
	_ =	shalt  }
.Lfunc_end2:
_tile_overlayer_lowered:
.L_overlay_start_2:
0xaf: {  	(tag) =	ssettag $0x2  }
0xb0: {  	s0 =	rddreg [dreg:$0x0];
	s2 =	stileid.u32  }
0xb1: {  	s1 =	rddreg [dreg:$0x1];
	p0 =	sne.s32 s2, $0x0  }
0xb2: {  	s3 =	rddreg [dreg:$0x2];
	[bflag:$0x3] =	sbarrier.arrive $0xFFFF;
	s2 =	simm.s32 @!p0 $0x1C11  }
0xb3: {  	[timem:s3], [sflag:s2] =	dma.local @!p0 [hbm:s0], s1  }
0xb4: {  	s0 =	simm.s32 @!p0 $0x11  }
0xb5: {  	_ =	swait.ge @!p0 [sflag:s0], s1  }
0xb6: {  	s1 =	ssub.s32 @!p0 $0x0, s1;
	[sflag:s0] =	ssyncset.done @!p0 $0x0  }
0xb7: {  	[sflag:s0] =	ssyncadd.s32 @!p0 s1  }
0xb8: {  	[bflag:$0x3] =	sbarrier.arrive $0xFFFF  }
0xb9: {  	_ =	shalt  }

// kernel: kernel.8.cloned.1.call-start
scs
__scs_entry_jumppad:
0x0: {  	(pc) =	sbr.rel $0x88, $3  }
0x1: {  	(tag) =	ssettag $0x0;
	lr =	simm.s32 $0x1  }
0x2: {  	[smem:$0x3F9B] =	sst lr;
	_ =	strace $0xD0000000  }
0x3: {  	_ = 	snop  }
0x4: {  	_ = 	snop  }
0x5: {  	_ = 	snop  }
0x6: {  	_ = 	snop  }
0x7: {  	_ = 	snop  }
__scs_overlays_trampoline_lowered:
0x8: {  	[smem:$0x3FAA] =	sst s0  }
0x9: {  	[smem:$0x3FAB] =	sst s1  }
0xa: {  	[smem:$0x3FAC] =	sst s2  }
0xb: {  	[smem:$0x3FAD] =	sst s3  }
0xc: {  	[smem:$0x3FAE] =	sst s4  }
0xd: {  	[smem:$0x3FAF] =	sst s5  }
0xe: {  	[smem:$0x3FB0] =	sst s6  }
0xf: {  	[smem:$0x3FB1] =	sst s7  }
0x10: {  	[smem:$0x3FB2] =	sst s8  }
0x11: {  	[smem:$0x3FB3] =	sst s9;
	s0 =	simm.s32 @!p0 $0x0  }
0x12: {  	s1 =	sld [smem:$0x3F99];
	s0 =	simm.s32 @p0 $0x1  }
0x13: {  	[smem:$0x3FB4] =	sst s0;
	s0 =	simm.s32 @!p1 $0x0  }
0x14: {  	s2 =	sld [smem:$0x3F98];
	s0 =	simm.s32 @p1 $0x1  }
0x15: {  	[smem:$0x3FB5] =	sst s0;
	s0 =	simm.s32 @!p2 $0x0  }
0x16: {  	s3 =	sld [smem:$0x3FDB];
	s0 =	simm.s32 @p2 $0x1  }
0x17: {  	s4 =	simm.s32 $0x1BF5;
	[smem:$0x3FB7] =	sst s0  }
0x18: {  	s0 =	sld [smem:$0x3F9A];
	_ =	swait.ge [sflag:s4], $0x0  }
0x19: {  	s7 =	sld [smem:$0x3F9B]  }
0x1a: {  	s8 =	sadd.s32 $0xFFFFE003, lr  }
0x1b: {  	s9 =	sadd.s32 $0xFFFFFEF7, lr;
	s5 =	simm.s32 $0xFFFFFFFF;
	p2 =	slt.u32 s8, $0xFFFFF086  }
0x1c: {  	p1 =	slt.u32 s9, $0xF7A;
	s5 =	simm.s32 @!p2 $0x0  }
0x1d: {  	s5 =	simm.s32 @p1 $0x1;
	p0 =	seq.s32 s7, s2  }
0x1e: {  	s7 =	smul.u32 @!p0 $0xF7A, s2;
	p2 =	seq.s32 @!p0 s5, $0x0  }
0x1f: {  	s9 =	smul.u32 $0xF7A, s1;
	s8 =	simm.s32 @!p0 $0x1BF5;
	p2 =	por !p2, p0  }
0x20: {  	[sflag:s8] =	ssyncset.s32 @!p0 $0xFFFFF086;
	s6 =	sadd.s32 @!p0 s3, s7;
	s7 =	simm.s32 @!p0 $0x108  }
0x21: {  	s3 =	sadd.s32 s3, s9;
	s6 =	sadd.s32 @!p0 $0x88, s6;
	s7 =	simm.s32 @p2 $0x1082  }
0x22: {  	[simem:s7], [sflag:s8] =	dma.local @!p0 [hbm:s6], $0xF7A  }
0x23: {  	s9 =	sor.u32 $0xD0000000, s2;
	s6 =	simm.s32 $0x108;
	_ =	swait.ge @!p0 [sflag:s8], $0x0  }
0x24: {  	s3 =	sadd.s32 $0x88, s3;
	s6 =	simm.s32 @!p1 $0x1082;
	[sflag:s4] =	ssyncset.s32 $0xFFFFF086  }
0x25: {  	[simem:s6], [sflag:s4] =	dma.local [hbm:s3], $0xF7A  }
0x26: {  	[smem:$0x3F9B] =	sst s1;
	(tag) =	ssettag s2;
	_ =	strace s9  }
0x27: {  	s1 =	sld [smem:$0x3FAB]  }
0x28: {  	s2 =	sld [smem:$0x3FAC]  }
0x29: {  	s4 =	sld [smem:$0x3FAE]  }
0x2a: {  	p0 =	seq.s32 s5, $0x0;
	s5 =	sld [smem:$0x3FAF]  }
0x2b: {  	s6 =	sld [smem:$0x3FB0]  }
0x2c: {  	s7 =	sld [smem:$0x3FB1]  }
0x2d: {  	s3 =	simm.s32 $0x108;
	s8 =	sld [smem:$0x3FB2]  }
0x2e: {  	s3 =	simm.s32 @!p0 $0x1082;
	s9 =	sld [smem:$0x3FB3]  }
0x2f: {  	lr =	sadd.s32 s0, s3;
	s0 =	sld [smem:$0x3FAA]  }
0x30: {  	s3 =	sld [smem:$0x3FAD]  }
0x31: {  	[smem:$0x3FB6] =	sst s10  }
0x32: {  	s10 =	sld [smem:$0x3FB4];
	_ =	sdelay $0x3  }
0x33: {  	p0 =	seq.s32 s10, $0x1;
	s10 =	sld [smem:$0x3FB6];
	_ =	sdelay $0x3  }
0x34: {  	[smem:$0x3FB6] =	sst s10  }
0x35: {  	s10 =	sld [smem:$0x3FB5];
	_ =	sdelay $0x3  }
0x36: {  	p1 =	seq.s32 s10, $0x1;
	s10 =	sld [smem:$0x3FB6];
	_ =	sdelay $0x3  }
0x37: {  	[smem:$0x3FB6] =	sst s10  }
0x38: {  	s10 =	sld [smem:$0x3FB7]  }
0x39: {  	_ = 	snop;
	(pc) =	sbr.ind lr, $3  }
0x3a: {  	_ = 	snop  }
0x3b: {  	_ = 	snop  }
0x3c: {  	p2 =	seq.s32 s10, $0x1;
	s10 =	sld [smem:$0x3FB6]  }
0x3d: {  	_ =	shalt  }
0x3e: {  	_ =	shalt  }
0x3f: {  	_ =	shalt  }
0x40: {  	_ =	shalt  }
0x41: {  	_ =	shalt  }
0x42: {  	_ =	shalt  }
0x43: {  	_ =	shalt  }
0x44: {  	_ =	shalt  }
0x45: {  	_ =	shalt  }
0x46: {  	_ =	shalt  }
0x47: {  	_ =	shalt  }
0x48: {  	_ =	shalt  }
0x49: {  	_ =	shalt  }
0x4a: {  	_ =	shalt  }
0x4b: {  	_ =	shalt  }
0x4c: {  	_ =	shalt  }
0x4d: {  	_ =	shalt  }
0x4e: {  	_ =	shalt  }
0x4f: {  	_ =	shalt  }
0x50: {  	_ =	shalt  }
0x51: {  	_ =	shalt  }
0x52: {  	_ =	shalt  }
0x53: {  	_ =	shalt  }
0x54: {  	_ =	shalt  }
0x55: {  	_ =	shalt  }
0x56: {  	_ =	shalt  }
0x57: {  	_ =	shalt  }
0x58: {  	_ =	shalt  }
0x59: {  	_ =	shalt  }
0x5a: {  	_ =	shalt  }
0x5b: {  	_ =	shalt  }
0x5c: {  	_ =	shalt  }
0x5d: {  	_ =	shalt  }
0x5e: {  	_ =	shalt  }
0x5f: {  	_ =	shalt  }
0x60: {  	_ =	shalt  }
0x61: {  	_ =	shalt  }
0x62: {  	_ =	shalt  }
0x63: {  	_ =	shalt  }
0x64: {  	_ =	shalt  }
0x65: {  	_ =	shalt  }
0x66: {  	_ =	shalt  }
0x67: {  	_ =	shalt  }
0x68: {  	_ =	shalt  }
0x69: {  	_ =	shalt  }
0x6a: {  	_ =	shalt  }
0x6b: {  	_ =	shalt  }
0x6c: {  	_ =	shalt  }
0x6d: {  	_ =	shalt  }
0x6e: {  	_ =	shalt  }
0x6f: {  	_ =	shalt  }
0x70: {  	_ =	shalt  }
0x71: {  	_ =	shalt  }
0x72: {  	_ =	shalt  }
0x73: {  	_ =	shalt  }
0x74: {  	_ =	shalt  }
0x75: {  	_ =	shalt  }
0x76: {  	_ =	shalt  }
0x77: {  	_ =	shalt  }
0x78: {  	_ =	shalt  }
0x79: {  	_ =	shalt  }
0x7a: {  	_ =	shalt  }
0x7b: {  	_ =	shalt  }
0x7c: {  	_ =	shalt  }
0x7d: {  	_ =	shalt  }
0x7e: {  	_ =	shalt  }
0x7f: {  	_ =	shalt  }
0x80: {  	_ =	shalt  }
0x81: {  	_ =	shalt  }
0x82: {  	_ =	shalt  }
0x83: {  	_ =	shalt  }
0x84: {  	_ =	shalt  }
0x85: {  	_ =	shalt  }
0x86: {  	_ =	shalt  }
0x87: {  	_ =	shalt  }
.Lfunc_end0:
.L_simem_size_0:
called_computation_lowered:
.L_overlay_start_0:
0x88: {  	s2 =	sld [smem:$0x3FD9]  }
0x89: {  	s3 =	sld [smem:$0x3FFE];
	_ =	sdelay $0x1  }
0x8a: {  	s1 =	srdreg.scid  }
0x8b: {  	s0 =	sand.u32 $0x1, s1  }
0x8c: {  	s17 =	sshll.u32 s0, $0xA;
	s2 =	sadd.s32 s3, s2  }
0x8d: {  	s2 =	sadd.s32 s2, s17  }
0x8e: {  	[smem:$0x3FC2] =	sst s2  }
0x8f: {  	_ = 	snop  }
0x90: {  	s2 =	sld [smem:$0x3FD0];
	(tm) =	ssettm $0x1  }
0x91: {  	s18 =	sld [smem:$0x3FFB];
	_ =	sdelay $0x3  }
0x92: {  	_ =	strace s18  }
0x93: {  	s3 =	sld [smem:$0x3FFC];
	_ =	sdelay $0x3  }
0x94: {  	_ =	strace s3  }
0x95: {  	s3 =	sld [smem:$0x3FFD];
	_ =	sdelay $0x3  }
0x96: {  	_ =	strace s3  }
0x97: {  	_ =	strace $0x8FFFFFFF  }
0x98: {  	s19 =	sld [smem:$0x3FDB];
	_ =	sdelay $0x1  }
0x99: {  	s4 =	simm.s32 $_scs_section_size  }
0x9a: {  	s5 =	simm.s32 $_size__tile_overlayer_lowered;
	s6 =	simm.s32 $_tile_overlayer_lowered  }
0x9b: {  	s22 =	simm.s32 $0x1BFF;
	s21 =	sshll.u32 s6, $0x1;
	s3 =	sadd.s32 s4, s19  }
0x9c: {  	s7 =	simm.s32 $0x0;
	s20 =	sshll.u32 s5, $0x1;
	s5 =	sadd.s32 s21, s3  }
0x9d: {  	[timem:s7], [sflag:s22] =	dma.local [hbm:s5], s20  }
0x9e: {  	_ =	swait.ge [sflag:s22], s20  }
0x9f: {  	s4 =	ssub.s32 $0x0, s20;
	[sflag:s22] =	ssyncset.done $0x0  }
0xa0: {  	[sflag:s22] =	ssyncadd.s32 s4;
	_ =	sdelay $0x1  }
0xa1: {  	s23 =	simm.s32 $0x1B8B  }
0xa2: {  	_ =	swait.ge [sflag:s23], $0x1  }
0xa3: {  	[sflag:s23] =	ssyncset.done $0x0  }
0xa4: {  	s25 =	simm.s32 $0x1B8E;
	s24 =	sld [smem:$0x3FFE];
	[sflag:s23] =	ssyncadd.s32 $0xFFFFFFFF  }
0xa5: {  	s26 =	simm.s32 $execute0_lowered;
	[smem:$0x3FD2] =	sst s25  }
0xa6: {  	s5 =	sshll.u32 s26, $0x1;
	_ =	strace $0x80000046;
	[dreg:$0x1] =	wrdreg $0xFFFFFFFF  }
0xa7: {  	s28 =	simm.s32 $_size_execute0_lowered;
	s3 =	sadd.s32 s3, s5;
	[dreg:$0x0] =	wrdreg $0x0  }
0xa8: {  	s5 =	sshll.u32 s28, $0x1;
	[dreg:$0x2] =	wrdreg s3  }
0xa9: {  	[dreg:$0x3] =	wrdreg s5  }
0xaa: {  	[dreg:$0x4] =	wrdreg $0xC0  }
0xab: {  	_ =	task [dreg:s7], $0x5FFFF  }
0xac: {  	[dreg:$0x1] =	wrdreg $0xFFFFFFFF  }
0xad: {  	[dreg:$0x0] =	wrdreg $0x60  }
0xae: {  	[dreg:$0x2] =	wrdreg s24  }
0xaf: {  	[dreg:$0x3] =	wrdreg s2  }
0xb0: {  	[dreg:$0x4] =	wrdreg $0x58000  }
0xb1: {  	[dreg:$0x5] =	wrdreg $0x9  }
0xb2: {  	_ =	task.clear_ibuf [dreg:s7], $0x6FFFF;
	_ =	strace $0x90000046  }
0xb3: {  	s29 =	simm.s32 $0x9;
	_ =	strace $0x80000048  }
0xb4: {  	_ =	swait.ge [sflag:s29], $0x1  }
0xb5: {  	[sflag:s29] =	ssyncadd.s32 $0xFFFFFFFF  }
0xb6: {  	_ =	strace $0x90000048  }
0xb7: {  	_ =	sfence  }
0xb8: {  	s30 =	sld [smem:$0x0];
	_ =	sdelay $0x2  }
0xb9: {  	s31 =	sshll.u32 s1, $0xD;
	s1 =	sshrl.u32 s1, $0x2  }
0xba: {  	s3 =	sand.u32 $0x4000, s31;
	s1 =	sadd.s32 s1, s30  }
0xbb: {  	s0 =	sor.u32 s3, s0;
	s1 =	sshll.u32 s1, $0x11  }
0xbc: {  	s0 =	sor.u32 s1, s0  }
0xbd: {  	s0 =	sadd.s32 $0x8F2B, s0  }
0xbe: {  	[sflag:s0] =	ssyncadd.remote.s32 $0x1  }
0xbf: {  	_ =	sfence.sel $0xFFFF  }
0xc0: {  	[dreg:$0x0] =	wrdreg $0xFFFFFFFF;
	(pc) =	sbr.abs _section_cstart, $3  }
0xc1: {  	[dreg:$0x1] =	wrdreg $0xFFFFFFFF  }
0xc2: {  	_ =	task.clear_ibuf [dreg:s7], $0x2FFFF;
	_ =	strace $0x9FFFFFFF  }
0xc3: {  	(tm) =	ssettm $0x7FFFFFFF  }
tec
execute0_lowered:
.L_overlay_start_1:
0x0: {  	(tag) =	ssettag $0x1  }
0x1: {  	s5 =	rddreg [dreg:$0x0]  }
0x2: {  	s2 =	rddreg [dreg:$0x1]  }
0x3: {  	s3 =	rddreg [dreg:$0x2]  }
0x4: {  	s4 =	srdreg.scid;
	s1 =	stileid.u32;
	s12 =	simm.s32 $0x1  }
0x5: {  	s13 =	simm.s32 $0x9;
	s14 =	simm.s32 $0x2;
	s15 =	simm.s32 $0x3  }
0x6: {  	s16 =	simm.s32 $0x80;
	s17 =	simm.s32 $0x100;
	s18 =	simm.s32 $0x180  }
0x7: {  	s19 =	simm.s32 $0x200;
	s20 =	simm.s32 $0x280;
	s21 =	simm.s32 $0x300  }
0x8: {  	s22 =	simm.s32 $0x380;
	s23 =	simm.s32 $0x4;
	s24 =	simm.s32 $0x5  }
0x9: {  	s25 =	simm.s32 $0x6;
	s26 =	simm.s32 $0x7;
	s28 =	simm.s32 $0x8  }
0xa: {  	s29 =	simm.s32 $0x0;
	s6 =	sand.u32 $0x1, s4;
	s4 =	simm.s32 $0x0  }
0xb: {  	s7 =	smul.u32 $0x2800, s1;
	s8 =	sshll.u32 s6, $0x4;
	[smem:$0x7FF] =	sst s4  }
0xc: {  	s9 =	smul.u32 $0x28000, s6;
	s6 =	ssub.s32 $0x2, s6;
	s8 =	sor.u32 s1, s8  }
0xd: {  	_ =	strace $0x80000047;
	s10 =	sshrl.u32 s7, $0x3;
	s8 =	smul.u32 $0x2800, s8  }
0xe: {  	s11 =	sshrl.u32 s6, $0x1;
	s10 =	sadd.s32 s10, s5;
	s9 =	sadd.s32 s7, s9  }
0xf: {  	s11 =	ssub.s32 s6, s11;
	s9 =	sshrl.u32 s9, $0x3;
	s8 =	sshrl.u32 s8, $0x3  }
0x10: {  	s7 =	sadd.s32 s7, s3;
	s9 =	sadd.s32 s9, s5;
	s31 =	sadd.s32 s5, s8  }
0x11: {  	s5 =	sadd.s32 $0x16A00, s10;
	s8 =	sadd.s32 $0x1BA00, s9;
	s9 =	smax.u32 s11, $0x1  }
0x12: {  	s10 =	simm.s32 $0x3000;
	s11 =	simm.s32 $0x2800;
	s6 =	sadd.s32 $0xCA00, s31  }
.LBB2_1:
0x13: {  	[tilespmem:s10], [sflag:$0x1] =	stream.linear.gather [hbm4b:s5+s4], $0x2800, $0x38;
	[tilespmem:$0x8000] =	vst v63  }
0x14: {  	_ = 	snop  }
0x15: {  	[tilespmem:s11], [sflag:$0x2] =	stream.linear.gather [hbm4b:s2+s4], $0x800, $0x38;
	[tilespmem:$0x8000] =	vst v63  }
0x16: {  	_ = 	snop  }
0x17: {  	[tilespmem:s4], [sflag:$0x3] =	stream.linear.gather [hbm4b:s6+s4], $0x2800, $0x38;
	[tilespmem:$0x8000] =	vst v63  }
0x18: {  	_ =	swait.ge [sflag:s12], $0x2800  }
0x19: {  	[sflag:s12] =	ssyncset.done $0x0  }
0x1a: {  	[sflag:s12] =	ssyncadd.s32 $0xFFFFD800  }
0x1b: {  	[spmem:s7] =	stream.linear.scatter [tilespmem:s10], [sflag:$0x9], $0x2800, $0x38;
	[tilespmem:$0x8000] =	vst v63  }
0x1c: {  	_ =	swait.ge [sflag:s13], $0x2800  }
0x1d: {  	[sflag:s13] =	ssyncset.done $0x0  }
0x1e: {  	[sflag:s13] =	ssyncadd.s32 $0xFFFFD800  }
0x1f: {  	_ =	swait.ge [sflag:s14], $0x800  }
0x20: {  	[sflag:s14] =	ssyncset.done $0x0  }
0x21: {  	[sflag:s14] =	ssyncadd.s32 $0xFFFFF800  }
0x22: {  	_ =	swait.ge [sflag:s15], $0x2800  }
0x23: {  	[sflag:s15] =	ssyncset.done $0x0  }
0x24: {  	[sflag:s15] =	ssyncadd.s32 $0xFFFFD800  }
0x25: {  	[bflag:$0x0] =	sbarrier.arrive $0xFFFF  }
0x26: {  	[spmem:s3] =	stream.indirect.scatter.add.f32 [tilespmem:s11], [sflag:$0x1], $0x10, s4, s16, $0xb8;
	[tilespmem:$0x8000] =	vst v63  }
0x27: {  	_ = 	snop  }
0x28: {  	[spmem:s3] =	stream.indirect.scatter.add.f32 [tilespmem:s11], [sflag:$0x2], $0x10, s16, s16, $0xb8;
	[tilespmem:$0x8000] =	vst v63  }
0x29: {  	_ = 	snop  }
0x2a: {  	[spmem:s3] =	stream.indirect.scatter.add.f32 [tilespmem:s11], [sflag:$0x3], $0x10, s17, s16, $0xb8;
	[tilespmem:$0x8000] =	vst v63  }
0x2b: {  	_ = 	snop  }
0x2c: {  	[spmem:s3] =	stream.indirect.scatter.add.f32 [tilespmem:s11], [sflag:$0x4], $0x10, s18, s16, $0xb8;
	[tilespmem:$0x8000] =	vst v63  }
0x2d: {  	_ = 	snop  }
0x2e: {  	[spmem:s3] =	stream.indirect.scatter.add.f32 [tilespmem:s11], [sflag:$0x5], $0x10, s19, s16, $0xb8;
	[tilespmem:$0x8000] =	vst v63  }
0x2f: {  	_ = 	snop  }
0x30: {  	[spmem:s3] =	stream.indirect.scatter.add.f32 [tilespmem:s11], [sflag:$0x6], $0x10, s20, s16, $0xb8;
	[tilespmem:$0x8000] =	vst v63  }
0x31: {  	_ = 	snop  }
0x32: {  	[spmem:s3] =	stream.indirect.scatter.add.f32 [tilespmem:s11], [sflag:$0x7], $0x10, s21, s16, $0xb8;
	[tilespmem:$0x8000] =	vst v63  }
0x33: {  	_ = 	snop  }
0x34: {  	[spmem:s3] =	stream.indirect.scatter.add.f32 [tilespmem:s11], [sflag:$0x8], $0x10, s22, s16, $0xb8;
	[tilespmem:$0x8000] =	vst v63  }
0x35: {  	_ =	swait.ge [sflag:s12], $0x800  }
0x36: {  	[sflag:s12] =	ssyncset.done $0x0  }
0x37: {  	s30 =	simm.s32 $0x400;
	[sflag:s12] =	ssyncadd.s32 $0xFFFFF800  }
0x38: {  	[spmem:s3] =	stream.indirect.scatter.add.f32 [tilespmem:s11], [sflag:$0x1], $0x10, s30, s16, $0xb8;
	[tilespmem:$0x8000] =	vst v63  }
0x39: {  	_ =	swait.ge [sflag:s14], $0x800  }
0x3a: {  	[sflag:s14] =	ssyncset.done $0x0  }
0x3b: {  	s30 =	simm.s32 $0x480;
	[sflag:s14] =	ssyncadd.s32 $0xFFFFF800  }
0x3c: {  	[spmem:s3] =	stream.indirect.scatter.add.f32 [tilespmem:s11], [sflag:$0x2], $0x10, s30, s16, $0xb8;
	[tilespmem:$0x8000] =	vst v63  }
0x3d: {  	_ =	swait.ge [sflag:s15], $0x800  }
0x3e: {  	[sflag:s15] =	ssyncset.done $0x0  }
0x3f: {  	s30 =	simm.s32 $0x500;
	[sflag:s15] =	ssyncadd.s32 $0xFFFFF800  }
0x40: {  	[spmem:s3] =	stream.indirect.scatter.add.f32 [tilespmem:s11], [sflag:$0x3], $0x10, s30, s16, $0xb8;
	[tilespmem:$0x8000] =	vst v63  }
0x41: {  	_ =	swait.ge [sflag:s23], $0x800  }
0x42: {  	[sflag:s23] =	ssyncset.done $0x0  }
0x43: {  	s30 =	simm.s32 $0x580;
	[sflag:s23] =	ssyncadd.s32 $0xFFFFF800  }
0x44: {  	[spmem:s3] =	stream.indirect.scatter.add.f32 [tilespmem:s11], [sflag:$0x4], $0x10, s30, s16, $0xb8;
	[tilespmem:$0x8000] =	vst v63  }
0x45: {  	_ =	swait.ge [sflag:s24], $0x800  }
0x46: {  	[sflag:s24] =	ssyncset.done $0x0  }
0x47: {  	s30 =	simm.s32 $0x600;
	[sflag:s24] =	ssyncadd.s32 $0xFFFFF800  }
0x48: {  	[spmem:s3] =	stream.indirect.scatter.add.f32 [tilespmem:s11], [sflag:$0x5], $0x10, s30, s16, $0xb8;
	[tilespmem:$0x8000] =	vst v63  }
0x49: {  	_ =	swait.ge [sflag:s25], $0x800  }
0x4a: {  	[sflag:s25] =	ssyncset.done $0x0  }
0x4b: {  	s30 =	simm.s32 $0x680;
	[sflag:s25] =	ssyncadd.s32 $0xFFFFF800  }
0x4c: {  	[spmem:s3] =	stream.indirect.scatter.add.f32 [tilespmem:s11], [sflag:$0x6], $0x10, s30, s16, $0xb8;
	[tilespmem:$0x8000] =	vst v63  }
0x4d: {  	_ =	swait.ge [sflag:s26], $0x800  }
0x4e: {  	[sflag:s26] =	ssyncset.done $0x0  }
0x4f: {  	s30 =	simm.s32 $0x700;
	[sflag:s26] =	ssyncadd.s32 $0xFFFFF800  }
0x50: {  	[spmem:s3] =	stream.indirect.scatter.add.f32 [tilespmem:s11], [sflag:$0x7], $0x10, s30, s16, $0xb8;
	[tilespmem:$0x8000] =	vst v63  }
0x51: {  	_ =	swait.ge [sflag:s28], $0x800  }
0x52: {  	[sflag:s28] =	ssyncset.done $0x0  }
0x53: {  	s31 =	simm.s32 $0x780;
	s30 =	simm.s32 $0x1000;
	[sflag:s28] =	ssyncadd.s32 $0xFFFFF800  }
.LBB2_2:
0x54: {  	[spmem:s3] =	stream.indirect.scatter.add.f32 [tilespmem:s11], [sflag:$0x8], $0x10, s31, s16, $0xb8;
	[tilespmem:$0x8000] =	vst v63  }
0x55: {  	s31 =	smov.u32 s30  }
0x56: {  	p0 =	sne.s32 s30, $0x8000;
	s30 =	sadd.s32 $0x1000, s30;
	_ =	swait.ge [sflag:s12], $0x800  }
0x57: {  	s31 =	sshra.s32 s31, $0x2;
	[sflag:s12] =	ssyncset.done $0x0  }
0x58: {  	s0 =	sadd.s32 $0x400, s31;
	[sflag:s12] =	ssyncadd.s32 $0xFFFFF800  }
0x59: {  	[spmem:s3] =	stream.indirect.scatter.add.f32 [tilespmem:s11], [sflag:$0x1], $0x10, s0, s16, $0xb8;
	[tilespmem:$0x8000] =	vst v63  }
0x5a: {  	_ =	swait.ge [sflag:s14], $0x800  }
0x5b: {  	[sflag:s14] =	ssyncset.done $0x0  }
0x5c: {  	s0 =	sadd.s32 $0x480, s31;
	[sflag:s14] =	ssyncadd.s32 $0xFFFFF800  }
0x5d: {  	[spmem:s3] =	stream.indirect.scatter.add.f32 [tilespmem:s11], [sflag:$0x2], $0x10, s0, s16, $0xb8;
	[tilespmem:$0x8000] =	vst v63  }
0x5e: {  	_ =	swait.ge [sflag:s15], $0x800  }
0x5f: {  	[sflag:s15] =	ssyncset.done $0x0  }
0x60: {  	s0 =	sadd.s32 $0x500, s31;
	[sflag:s15] =	ssyncadd.s32 $0xFFFFF800  }
0x61: {  	[spmem:s3] =	stream.indirect.scatter.add.f32 [tilespmem:s11], [sflag:$0x3], $0x10, s0, s16, $0xb8;
	[tilespmem:$0x8000] =	vst v63  }
0x62: {  	_ =	swait.ge [sflag:s23], $0x800  }
0x63: {  	[sflag:s23] =	ssyncset.done $0x0  }
0x64: {  	s0 =	sadd.s32 $0x580, s31;
	[sflag:s23] =	ssyncadd.s32 $0xFFFFF800  }
0x65: {  	[spmem:s3] =	stream.indirect.scatter.add.f32 [tilespmem:s11], [sflag:$0x4], $0x10, s0, s16, $0xb8;
	[tilespmem:$0x8000] =	vst v63  }
0x66: {  	_ =	swait.ge [sflag:s24], $0x800  }
0x67: {  	[sflag:s24] =	ssyncset.done $0x0  }
0x68: {  	s0 =	sadd.s32 $0x600, s31;
	[sflag:s24] =	ssyncadd.s32 $0xFFFFF800  }
0x69: {  	[spmem:s3] =	stream.indirect.scatter.add.f32 [tilespmem:s11], [sflag:$0x5], $0x10, s0, s16, $0xb8;
	[tilespmem:$0x8000] =	vst v63  }
0x6a: {  	_ =	swait.ge [sflag:s25], $0x800  }
0x6b: {  	[sflag:s25] =	ssyncset.done $0x0  }
0x6c: {  	s0 =	sadd.s32 $0x680, s31;
	[sflag:s25] =	ssyncadd.s32 $0xFFFFF800  }
0x6d: {  	[spmem:s3] =	stream.indirect.scatter.add.f32 [tilespmem:s11], [sflag:$0x6], $0x10, s0, s16, $0xb8;
	[tilespmem:$0x8000] =	vst v63  }
0x6e: {  	_ =	swait.ge [sflag:s26], $0x800  }
0x6f: {  	[sflag:s26] =	ssyncset.done $0x0  }
.Ltmp0:
0x70: {  	s0 =	sadd.s32 $0x700, s31;
	[sflag:s26] =	ssyncadd.s32 $0xFFFFF800;
	(pc) =	sbr.rel @p0 .LBB2_2-.Ltmp0, $4  }
0x71: {  	[spmem:s3] =	stream.indirect.scatter.add.f32 [tilespmem:s11], [sflag:$0x7], $0x10, s0, s16, $0xb8;
	[tilespmem:$0x8000] =	vst v63  }
0x72: {  	_ =	swait.ge [sflag:s28], $0x800  }
0x73: {  	[sflag:s28] =	ssyncset.done $0x0  }
0x74: {  	s31 =	sadd.s32 $0x780, s31;
	[sflag:s28] =	ssyncadd.s32 $0xFFFFF800  }
0x75: {  	[spmem:s3] =	stream.indirect.scatter.add.f32 [tilespmem:s11], [sflag:$0x8], $0x10, s31, s16, $0xb8;
	[tilespmem:$0x8000] =	vst v63  }
0x76: {  	_ =	swait.ge [sflag:s12], $0x800  }
0x77: {  	[sflag:s12] =	ssyncset.done $0x0  }
0x78: {  	[sflag:s12] =	ssyncadd.s32 $0xFFFFF800  }
0x79: {  	_ =	swait.ge [sflag:s14], $0x800  }
0x7a: {  	[sflag:s14] =	ssyncset.done $0x0  }
0x7b: {  	[sflag:s14] =	ssyncadd.s32 $0xFFFFF800  }
0x7c: {  	_ =	swait.ge [sflag:s15], $0x800  }
0x7d: {  	[sflag:s15] =	ssyncset.done $0x0  }
0x7e: {  	[sflag:s15] =	ssyncadd.s32 $0xFFFFF800  }
0x7f: {  	_ =	swait.ge [sflag:s23], $0x800  }
0x80: {  	[sflag:s23] =	ssyncset.done $0x0  }
0x81: {  	[sflag:s23] =	ssyncadd.s32 $0xFFFFF800  }
0x82: {  	_ =	swait.ge [sflag:s24], $0x800  }
0x83: {  	[sflag:s24] =	ssyncset.done $0x0  }
0x84: {  	[sflag:s24] =	ssyncadd.s32 $0xFFFFF800  }
0x85: {  	_ =	swait.ge [sflag:s25], $0x800  }
0x86: {  	[sflag:s25] =	ssyncset.done $0x0  }
0x87: {  	[sflag:s25] =	ssyncadd.s32 $0xFFFFF800  }
0x88: {  	_ =	swait.ge [sflag:s26], $0x800  }
0x89: {  	[sflag:s26] =	ssyncset.done $0x0  }
0x8a: {  	[sflag:s26] =	ssyncadd.s32 $0xFFFFF800  }
0x8b: {  	_ =	swait.ge [sflag:s28], $0x800  }
0x8c: {  	s0 =	sshll.u32 s1, $0x6;
	s29 =	sadd.s32 $0x1, s29;
	[sflag:s28] =	ssyncset.done $0x0  }
0x8d: {  	s30 =	sshrl.u32 s7, $0x3;
	p0 =	sne.s32 s29, s9;
	[sflag:s28] =	ssyncadd.s32 $0xFFFFF800  }
.Ltmp1:
0x8e: {  	s0 =	sor.u32 $0x1C09, s0;
	[bflag:$0x0] =	sbarrier.arrive $0xFFFF;
	(pc) =	sbr.rel @p0 .LBB2_1-.Ltmp1, $4  }
0x8f: {  	[hbm:s8], [sflag:s0] =	dma.local [spmem:s30], $0x500  }
0x90: {  	_ =	swait.ge [sflag:s13], $0x500  }
0x91: {  	[sflag:s13] =	ssyncset.done $0x0  }
0x92: {  	[sflag:s13] =	ssyncadd.s32 $0xFFFFFB00  }
0x93: {  	_ =	sfence.sel $0x180000  }
0x94: {  	[bflag:$0x0] =	sbarrier.arrive $0xFFFF  }
0x95: {  	_ =	strace $0x90000047  }
0x96: {  	[bflag:$0x2] =	sbarrier.arrive $0xFFFF  }
0x97: {  	p0 =	sne.s32 s1, $0x0;
	s0 =	rddreg [dreg:$0x3]  }
0x98: {  	s0 =	sadd.s32 @!p0 $0x100000, s0  }
0x99: {  	[sflag:s0] =	ssyncadd.tile.s32 @!p0 $0x1;
	_ =	shalt  }
.Lfunc_end2:
_tile_overlayer_lowered:
.L_overlay_start_2:
0x9a: {  	(tag) =	ssettag $0x2  }
0x9b: {  	s0 =	rddreg [dreg:$0x0];
	s2 =	stileid.u32  }
0x9c: {  	s1 =	rddreg [dreg:$0x1];
	p0 =	sne.s32 s2, $0x0  }
0x9d: {  	s3 =	rddreg [dreg:$0x2];
	[bflag:$0x3] =	sbarrier.arrive $0xFFFF;
	s2 =	simm.s32 @!p0 $0x1C09  }
0x9e: {  	[timem:s3], [sflag:s2] =	dma.local @!p0 [hbm:s0], s1  }
0x9f: {  	s0 =	simm.s32 @!p0 $0x9  }
0xa0: {  	_ =	swait.ge @!p0 [sflag:s0], s1  }
0xa1: {  	s1 =	ssub.s32 @!p0 $0x0, s1;
	[sflag:s0] =	ssyncset.done @!p0 $0x0  }
0xa2: {  	[sflag:s0] =	ssyncadd.s32 @!p0 s1  }
0xa3: {  	[bflag:$0x3] =	sbarrier.arrive $0xFFFF  }
0xa4: {  	_ =	shalt  }

</sc_bundles>
